<compile_context>
chip_gen: v7x
topology: tpu7x:2x2x1
jax: 0.10.2.dev20260603
libtpu: 0.0.44.dev20260713+nightly
codegen_flags: <defaults>
</compile_context>

<pallas_src>
import functools

import jax
import jax.numpy as jnp
from jax import lax
from jax.experimental import pallas as pl
from jax.experimental.pallas import tpu as pltpu
from jax.experimental.pallas import tpu_sc as plsc

GAMMA = 12.0
BATCH = 16384
HIDDEN = 128
LANES = 16

NUM_CORES = 2
NUM_SUBCORES = 16
NUM_WORKERS = NUM_CORES * NUM_SUBCORES
B_PER_W = BATCH // NUM_WORKERS
CHUNK = 16
N_CHUNKS = B_PER_W // CHUNK
GROUPS = CHUNK // LANES
DIM_CHUNKS = HIDDEN // LANES
NBUF = 8


def _tree_sum(vals):
    vals = list(vals)
    while len(vals) > 1:
        nxt = [a + b for a, b in zip(vals[::2], vals[1::2])]
        if len(vals) % 2:
            nxt.append(vals[-1])
        vals = nxt
    return vals[0]


def _make_kernel():
    mesh = plsc.VectorSubcoreMesh(core_axis_name="c", subcore_axis_name="s")

    @functools.partial(
        pl.kernel,
        mesh=mesh,
        out_type=jax.ShapeDtypeStruct((BATCH,), jnp.float32),
        compiler_params=pltpu.CompilerParams(needs_layout_passes=False),
        scratch_types=[
            pltpu.VMEM((B_PER_W,), jnp.int32),
            pltpu.VMEM((B_PER_W,), jnp.int32),
            pltpu.VMEM((B_PER_W,), jnp.int32),
            pltpu.VMEM((NBUF, CHUNK, HIDDEN), jnp.float32),
            pltpu.VMEM((NBUF, CHUNK, HIDDEN), jnp.float32),
            pltpu.VMEM((NBUF, CHUNK, HIDDEN), jnp.float32),
            pltpu.VMEM((LANES * LANES,), jnp.float32),
            pltpu.VMEM((B_PER_W,), jnp.float32),
            pltpu.SemaphoreType.DMA((NBUF,)),
            pltpu.SemaphoreType.DMA((NBUF,)),
            pltpu.SemaphoreType.DMA((NBUF,)),
            pltpu.SemaphoreType.DMA,
        ],
    )
    def kge_score(h_idx_hbm, r_idx_hbm, t_idx_hbm, ent_hbm, rel_hbm, out_hbm,
                  hidx, ridx, tidx, h_bufs, r_bufs, t_bufs, p_mat, out_all,
                  sem_h, sem_r, sem_t, sem_i):
        wid = lax.axis_index("s") * NUM_CORES + lax.axis_index("c")
        w_base = wid * B_PER_W
        row_ids = lax.iota(jnp.int32, LANES)

        cp1 = pltpu.async_copy(
            h_idx_hbm.at[pl.ds(w_base, B_PER_W)], hidx, sem_i)
        cp2 = pltpu.async_copy(
            r_idx_hbm.at[pl.ds(w_base, B_PER_W)], ridx, sem_i)
        cp3 = pltpu.async_copy(
            t_idx_hbm.at[pl.ds(w_base, B_PER_W)], tidx, sem_i)
        cp1.wait()
        cp2.wait()
        cp3.wait()

        def start_gathers(cc):
            b = lax.rem(cc, NBUF)
            sl = pl.ds(cc * CHUNK, CHUNK)
            pltpu.async_copy(ent_hbm.at[hidx.at[sl]], h_bufs.at[b],
                             sem_h.at[b])
            pltpu.async_copy(rel_hbm.at[ridx.at[sl]], r_bufs.at[b],
                             sem_r.at[b])
            pltpu.async_copy(ent_hbm.at[tidx.at[sl]], t_bufs.at[b],
                             sem_t.at[b])

        def wait_gathers(b):
            sl = pl.ds(0, CHUNK)
            pltpu.make_async_copy(ent_hbm.at[hidx.at[sl]], h_bufs.at[b],
                                  sem_h.at[b]).wait()
            pltpu.make_async_copy(rel_hbm.at[ridx.at[sl]], r_bufs.at[b],
                                  sem_r.at[b]).wait()
            pltpu.make_async_copy(ent_hbm.at[tidx.at[sl]], t_bufs.at[b],
                                  sem_t.at[b]).wait()

        for cc in range(NBUF - 1):
            start_gathers(cc)

        @pl.loop(0, N_CHUNKS)
        def _chunk(c):
            b = lax.rem(c, NBUF)

            @pl.when(c + NBUF - 1 < N_CHUNKS)
            def _():
                start_gathers(c + NBUF - 1)

            wait_gathers(b)

            for g in range(GROUPS):
                for s in range(LANES):
                    row = g * LANES + s
                    terms = []
                    for k in range(DIM_CHUNKS):
                        h = h_bufs[b, row, pl.ds(k * LANES, LANES)]
                        t = t_bufs[b, row, pl.ds(k * LANES, LANES)]
                        r = r_bufs[b, row, pl.ds(k * LANES, LANES)]
                        terms.append(jnp.abs(h + (r - t)))
                    p_mat[pl.ds(s * LANES, LANES)] = _tree_sum(terms)
                cols = [plsc.load_gather(p_mat, [row_ids * LANES + j])
                        for j in range(LANES)]
                out_all[pl.ds(c * CHUNK + g * LANES, LANES)] = (
                    jnp.float32(GAMMA) - _tree_sum(cols))

        pltpu.sync_copy(out_all, out_hbm.at[pl.ds(w_base, B_PER_W)])

    return kge_score


_KGE_KERNEL = _make_kernel()


def kernel(sample, entity_embedding, relation_embedding):
    h_idx = sample[:, 0]
    r_idx = sample[:, 1]
    t_idx = sample[:, 2]
    scores = _KGE_KERNEL(h_idx, r_idx, t_idx, entity_embedding,
                         relation_embedding)
    return scores.reshape(BATCH, 1)

# --- scband reference (transcript-rebuilt; emitter-appended) ---
"""Pipeline reference for scband-kgemodel-49984829390938 (READ-ONLY COPY).

The authoritative reference and input builder live on the scoring server;
editing this copy changes nothing except your own understanding.
"""

import jax, jax.numpy as jnp
import numpy as np

NENTITY = 100000
NRELATION = 100000
HIDDEN_DIM = 128
GAMMA = 12.0
EPSILON = 2.0
EMB_RANGE = (GAMMA + EPSILON) / HIDDEN_DIM
BATCH = 16384

def setup_inputs(seed: int = 0) -> dict:
    key = jax.random.key(seed)
    k1, k2, k3 = jax.random.split(key, 3)
    sample = jax.random.randint(k1, (BATCH, 3), 0, NENTITY, dtype=jnp.int32)
    entity_embedding = jax.random.uniform(k2, (NENTITY, HIDDEN_DIM), minval=-EMB_RANGE, maxval=EMB_RANGE, dtype=jnp.float32)
    relation_embedding = jax.random.uniform(k3, (NRELATION, HIDDEN_DIM), minval=-EMB_RANGE, maxval=EMB_RANGE, dtype=jnp.float32)
    return {"sample": sample, "entity_embedding": entity_embedding, "relation_embedding": relation_embedding}

def reference(sample, entity_embedding, relation_embedding):
    # 'single' mode, TransE scoring: gamma - || h + r - t ||_1
    head = jnp.take(entity_embedding, sample[:, 0], axis=0)[:, None, :]
    relation = jnp.take(relation_embedding, sample[:, 1], axis=0)[:, None, :]
    tail = jnp.take(entity_embedding, sample[:, 2], axis=0)[:, None, :]
    score = head + (relation - tail)
    score = GAMMA - jnp.sum(jnp.abs(score), axis=2)
    return score

if __name__ == "__main__":
    import jax
    _d = setup_inputs()
    print(jax.jit(kernel)(*tuple(_d.values())))

</pallas_src>

<mosaic_0001>
#map = affine_map<(d0, d1) -> (0)>
#map1 = affine_map<(d0, d1) -> (0, 0)>
module attributes {stable_mosaic.version = 14 : i64} {
  func.func @kge_score(%arg0: i32, %arg1: i32, %arg2: memref<16384xi32, #tpu.memory_space<hbm>>, %arg3: memref<16384xi32, #tpu.memory_space<hbm>>, %arg4: memref<16384xi32, #tpu.memory_space<hbm>>, %arg5: memref<100000x128xf32, #tpu.memory_space<hbm>>, %arg6: memref<100000x128xf32, #tpu.memory_space<hbm>>, %arg7: memref<16384xf32, #tpu.memory_space<hbm>>, %arg8: memref<512xi32, #tpu.memory_space<vmem>>, %arg9: memref<512xi32, #tpu.memory_space<vmem>>, %arg10: memref<512xi32, #tpu.memory_space<vmem>>, %arg11: memref<8x16x128xf32, #tpu.memory_space<vmem>>, %arg12: memref<8x16x128xf32, #tpu.memory_space<vmem>>, %arg13: memref<8x16x128xf32, #tpu.memory_space<vmem>>, %arg14: memref<256xf32, #tpu.memory_space<vmem>>, %arg15: memref<512xf32, #tpu.memory_space<vmem>>, %arg16: memref<8x!tpu.dma_semaphore, #tpu.memory_space<semaphore_mem>>, %arg17: memref<8x!tpu.dma_semaphore, #tpu.memory_space<semaphore_mem>>, %arg18: memref<8x!tpu.dma_semaphore, #tpu.memory_space<semaphore_mem>>, %arg19: memref<!tpu.dma_semaphore, #tpu.memory_space<semaphore_mem>>) attributes {dimension_semantics = [#tpu.dimension_semantics<core_parallel>, #tpu.dimension_semantics<subcore_parallel>], iteration_bounds = array<i64: 2, 16>, scalar_prefetch = 0 : i64, scratch_operands = 12 : i64, tpu.core_type = #tpu.core_type<sc_vector_subcore>, window_params = [{transform_indices = #map}, {transform_indices = #map}, {transform_indices = #map}, {transform_indices = #map1}, {transform_indices = #map1}, {transform_indices = #map}]} {
    %mul3A = arith.constant 2 : i32
    %mul3A_0 = arith.muli %arg1, %mul3A : i32
    %add3A = arith.addi %mul3A_0, %arg0 : i32
    %mul3A_1 = arith.constant 512 : i32
    %mul3A_2 = arith.muli %add3A, %mul3A_1 : i32
    %iota3A = tpu.iota {dimensions = array<i32: 0>} : vector<16xi32>
    %dma_start3A = tpu.memref_slice %arg2[%mul3A_2] : memref<16384xi32, #tpu.memory_space<hbm>> -> memref<512xi32, #tpu.memory_space<hbm>>
    %dma_start3A_3 = tpu.memref_slice %arg2[%mul3A_2] : memref<16384xi32, #tpu.memory_space<hbm>> -> memref<512xi32, #tpu.memory_space<hbm>>
    tpu.enqueue_dma source(%dma_start3A_3 : memref<512xi32, #tpu.memory_space<hbm>>) target(%arg8 : memref<512xi32, #tpu.memory_space<vmem>>) target_semaphore(%arg19 : memref<!tpu.dma_semaphore, #tpu.memory_space<semaphore_mem>>)
    %dma_start3A_4 = tpu.memref_slice %arg3[%mul3A_2] : memref<16384xi32, #tpu.memory_space<hbm>> -> memref<512xi32, #tpu.memory_space<hbm>>
    %dma_start3A_5 = tpu.memref_slice %arg3[%mul3A_2] : memref<16384xi32, #tpu.memory_space<hbm>> -> memref<512xi32, #tpu.memory_space<hbm>>
    tpu.enqueue_dma source(%dma_start3A_5 : memref<512xi32, #tpu.memory_space<hbm>>) target(%arg9 : memref<512xi32, #tpu.memory_space<vmem>>) target_semaphore(%arg19 : memref<!tpu.dma_semaphore, #tpu.memory_space<semaphore_mem>>)
    %dma_start3A_6 = tpu.memref_slice %arg4[%mul3A_2] : memref<16384xi32, #tpu.memory_space<hbm>> -> memref<512xi32, #tpu.memory_space<hbm>>
    %dma_start3A_7 = tpu.memref_slice %arg4[%mul3A_2] : memref<16384xi32, #tpu.memory_space<hbm>> -> memref<512xi32, #tpu.memory_space<hbm>>
    tpu.enqueue_dma source(%dma_start3A_7 : memref<512xi32, #tpu.memory_space<hbm>>) target(%arg10 : memref<512xi32, #tpu.memory_space<vmem>>) target_semaphore(%arg19 : memref<!tpu.dma_semaphore, #tpu.memory_space<semaphore_mem>>)
    %dma_wait3A = tpu.memref_slice %arg2[%mul3A_2] : memref<16384xi32, #tpu.memory_space<hbm>> -> memref<512xi32, #tpu.memory_space<hbm>>
    %dma_wait3A_8 = tpu.memref_slice %arg2[%mul3A_2] : memref<16384xi32, #tpu.memory_space<hbm>> -> memref<512xi32, #tpu.memory_space<hbm>>
    tpu.wait_dma2 semaphore(%arg19 : memref<!tpu.dma_semaphore, #tpu.memory_space<semaphore_mem>>) src(%dma_wait3A_8 : memref<512xi32, #tpu.memory_space<hbm>>) dst(%arg8 : memref<512xi32, #tpu.memory_space<vmem>>)
    %dma_wait3A_9 = tpu.memref_slice %arg3[%mul3A_2] : memref<16384xi32, #tpu.memory_space<hbm>> -> memref<512xi32, #tpu.memory_space<hbm>>
    %dma_wait3A_10 = tpu.memref_slice %arg3[%mul3A_2] : memref<16384xi32, #tpu.memory_space<hbm>> -> memref<512xi32, #tpu.memory_space<hbm>>
    tpu.wait_dma2 semaphore(%arg19 : memref<!tpu.dma_semaphore, #tpu.memory_space<semaphore_mem>>) src(%dma_wait3A_10 : memref<512xi32, #tpu.memory_space<hbm>>) dst(%arg9 : memref<512xi32, #tpu.memory_space<vmem>>)
    %dma_wait3A_11 = tpu.memref_slice %arg4[%mul3A_2] : memref<16384xi32, #tpu.memory_space<hbm>> -> memref<512xi32, #tpu.memory_space<hbm>>
    %dma_wait3A_12 = tpu.memref_slice %arg4[%mul3A_2] : memref<16384xi32, #tpu.memory_space<hbm>> -> memref<512xi32, #tpu.memory_space<hbm>>
    tpu.wait_dma2 semaphore(%arg19 : memref<!tpu.dma_semaphore, #tpu.memory_space<semaphore_mem>>) src(%dma_wait3A_12 : memref<512xi32, #tpu.memory_space<hbm>>) dst(%arg10 : memref<512xi32, #tpu.memory_space<vmem>>)
    %rem3A = arith.constant 0 : i32
    %rem3A_13 = arith.constant 8 : i32
    %rem3A_14 = arith.remsi %rem3A, %rem3A_13 : i32
    %dma_start3A_15 = arith.constant 0 : i32
    %dma_start3A_16 = arith.constant 0 : i32
    %dma_start3A_17 = tpu.memref_slice %arg11[%rem3A_14, %dma_start3A_15, %dma_start3A_16] : memref<8x16x128xf32, #tpu.memory_space<vmem>> -> memref<1x16x128xf32, #tpu.memory_space<vmem>>
    %dma_start3A_18 = tpu.memref_squeeze %dma_start3A_17 : memref<1x16x128xf32, #tpu.memory_space<vmem>> -> memref<16x128xf32, #tpu.memory_space<vmem>>
    %dma_start3A_19 = arith.constant 0 : i32
    %dma_start3A_20 = tpu.memref_slice %arg8[%dma_start3A_19] : memref<512xi32, #tpu.memory_space<vmem>> -> memref<16xi32, #tpu.memory_space<vmem>>
    %dma_start3A_21 = arith.constant 0 : i32
    %dma_start3A_22 = arith.constant 0 : i32
    %dma_start3A_23 = tpu.memref_slice %arg5[%dma_start3A_21, %dma_start3A_22] : memref<100000x128xf32, #tpu.memory_space<hbm>> -> memref<100000x128xf32, #tpu.memory_space<hbm>>
    %dma_start3A_24 = tpu.memref_slice %arg16[%rem3A_14] : memref<8x!tpu.dma_semaphore, #tpu.memory_space<semaphore_mem>> -> memref<1x!tpu.dma_semaphore, #tpu.memory_space<semaphore_mem>>
    %dma_start3A_25 = tpu.memref_squeeze %dma_start3A_24 : memref<1x!tpu.dma_semaphore, #tpu.memory_space<semaphore_mem>> -> memref<!tpu.dma_semaphore, #tpu.memory_space<semaphore_mem>>
    tpu.enqueue_indirect_dma source(%dma_start3A_23 : memref<100000x128xf32, #tpu.memory_space<hbm>>) target(%dma_start3A_18 : memref<16x128xf32, #tpu.memory_space<vmem>>) offsets(%dma_start3A_20 : memref<16xi32, #tpu.memory_space<vmem>>) semaphore(%dma_start3A_25 : memref<!tpu.dma_semaphore, #tpu.memory_space<semaphore_mem>>)
    %dma_start3A_26 = arith.constant 0 : i32
    %dma_start3A_27 = arith.constant 0 : i32
    %dma_start3A_28 = tpu.memref_slice %arg12[%rem3A_14, %dma_start3A_26, %dma_start3A_27] : memref<8x16x128xf32, #tpu.memory_space<vmem>> -> memref<1x16x128xf32, #tpu.memory_space<vmem>>
    %dma_start3A_29 = tpu.memref_squeeze %dma_start3A_28 : memref<1x16x128xf32, #tpu.memory_space<vmem>> -> memref<16x128xf32, #tpu.memory_space<vmem>>
    %dma_start3A_30 = arith.constant 0 : i32
    %dma_start3A_31 = tpu.memref_slice %arg9[%dma_start3A_30] : memref<512xi32, #tpu.memory_space<vmem>> -> memref<16xi32, #tpu.memory_space<vmem>>
    %dma_start3A_32 = arith.constant 0 : i32
    %dma_start3A_33 = arith.constant 0 : i32
    %dma_start3A_34 = tpu.memref_slice %arg6[%dma_start3A_32, %dma_start3A_33] : memref<100000x128xf32, #tpu.memory_space<hbm>> -> memref<100000x128xf32, #tpu.memory_space<hbm>>
    %dma_start3A_35 = tpu.memref_slice %arg17[%rem3A_14] : memref<8x!tpu.dma_semaphore, #tpu.memory_space<semaphore_mem>> -> memref<1x!tpu.dma_semaphore, #tpu.memory_space<semaphore_mem>>
    %dma_start3A_36 = tpu.memref_squeeze %dma_start3A_35 : memref<1x!tpu.dma_semaphore, #tpu.memory_space<semaphore_mem>> -> memref<!tpu.dma_semaphore, #tpu.memory_space<semaphore_mem>>
    tpu.enqueue_indirect_dma source(%dma_start3A_34 : memref<100000x128xf32, #tpu.memory_space<hbm>>) target(%dma_start3A_29 : memref<16x128xf32, #tpu.memory_space<vmem>>) offsets(%dma_start3A_31 : memref<16xi32, #tpu.memory_space<vmem>>) semaphore(%dma_start3A_36 : memref<!tpu.dma_semaphore, #tpu.memory_space<semaphore_mem>>)
    %dma_start3A_37 = arith.constant 0 : i32
    %dma_start3A_38 = arith.constant 0 : i32
    %dma_start3A_39 = tpu.memref_slice %arg13[%rem3A_14, %dma_start3A_37, %dma_start3A_38] : memref<8x16x128xf32, #tpu.memory_space<vmem>> -> memref<1x16x128xf32, #tpu.memory_space<vmem>>
    %dma_start3A_40 = tpu.memref_squeeze %dma_start3A_39 : memref<1x16x128xf32, #tpu.memory_space<vmem>> -> memref<16x128xf32, #tpu.memory_space<vmem>>
    %dma_start3A_41 = arith.constant 0 : i32
    %dma_start3A_42 = tpu.memref_slice %arg10[%dma_start3A_41] : memref<512xi32, #tpu.memory_space<vmem>> -> memref<16xi32, #tpu.memory_space<vmem>>
    %dma_start3A_43 = arith.constant 0 : i32
    %dma_start3A_44 = arith.constant 0 : i32
    %dma_start3A_45 = tpu.memref_slice %arg5[%dma_start3A_43, %dma_start3A_44] : memref<100000x128xf32, #tpu.memory_space<hbm>> -> memref<100000x128xf32, #tpu.memory_space<hbm>>
    %dma_start3A_46 = tpu.memref_slice %arg18[%rem3A_14] : memref<8x!tpu.dma_semaphore, #tpu.memory_space<semaphore_mem>> -> memref<1x!tpu.dma_semaphore, #tpu.memory_space<semaphore_mem>>
    %dma_start3A_47 = tpu.memref_squeeze %dma_start3A_46 : memref<1x!tpu.dma_semaphore, #tpu.memory_space<semaphore_mem>> -> memref<!tpu.dma_semaphore, #tpu.memory_space<semaphore_mem>>
    tpu.enqueue_indirect_dma source(%dma_start3A_45 : memref<100000x128xf32, #tpu.memory_space<hbm>>) target(%dma_start3A_40 : memref<16x128xf32, #tpu.memory_space<vmem>>) offsets(%dma_start3A_42 : memref<16xi32, #tpu.memory_space<vmem>>) semaphore(%dma_start3A_47 : memref<!tpu.dma_semaphore, #tpu.memory_space<semaphore_mem>>)
    %rem3A_48 = arith.constant 1 : i32
    %rem3A_49 = arith.constant 8 : i32
    %rem3A_50 = arith.remsi %rem3A_48, %rem3A_49 : i32
    %dma_start3A_51 = arith.constant 0 : i32
    %dma_start3A_52 = arith.constant 0 : i32
    %dma_start3A_53 = tpu.memref_slice %arg11[%rem3A_50, %dma_start3A_51, %dma_start3A_52] : memref<8x16x128xf32, #tpu.memory_space<vmem>> -> memref<1x16x128xf32, #tpu.memory_space<vmem>>
    %dma_start3A_54 = tpu.memref_squeeze %dma_start3A_53 : memref<1x16x128xf32, #tpu.memory_space<vmem>> -> memref<16x128xf32, #tpu.memory_space<vmem>>
    %dma_start3A_55 = arith.constant 16 : i32
    %dma_start3A_56 = tpu.memref_slice %arg8[%dma_start3A_55] : memref<512xi32, #tpu.memory_space<vmem>> -> memref<16xi32, #tpu.memory_space<vmem>>
    %dma_start3A_57 = arith.constant 0 : i32
    %dma_start3A_58 = arith.constant 0 : i32
    %dma_start3A_59 = tpu.memref_slice %arg5[%dma_start3A_57, %dma_start3A_58] : memref<100000x128xf32, #tpu.memory_space<hbm>> -> memref<100000x128xf32, #tpu.memory_space<hbm>>
    %dma_start3A_60 = tpu.memref_slice %arg16[%rem3A_50] : memref<8x!tpu.dma_semaphore, #tpu.memory_space<semaphore_mem>> -> memref<1x!tpu.dma_semaphore, #tpu.memory_space<semaphore_mem>>
    %dma_start3A_61 = tpu.memref_squeeze %dma_start3A_60 : memref<1x!tpu.dma_semaphore, #tpu.memory_space<semaphore_mem>> -> memref<!tpu.dma_semaphore, #tpu.memory_space<semaphore_mem>>
    tpu.enqueue_indirect_dma source(%dma_start3A_59 : memref<100000x128xf32, #tpu.memory_space<hbm>>) target(%dma_start3A_54 : memref<16x128xf32, #tpu.memory_space<vmem>>) offsets(%dma_start3A_56 : memref<16xi32, #tpu.memory_space<vmem>>) semaphore(%dma_start3A_61 : memref<!tpu.dma_semaphore, #tpu.memory_space<semaphore_mem>>)
    %dma_start3A_62 = arith.constant 0 : i32
    %dma_start3A_63 = arith.constant 0 : i32
    %dma_start3A_64 = tpu.memref_slice %arg12[%rem3A_50, %dma_start3A_62, %dma_start3A_63] : memref<8x16x128xf32, #tpu.memory_space<vmem>> -> memref<1x16x128xf32, #tpu.memory_space<vmem>>
    %dma_start3A_65 = tpu.memref_squeeze %dma_start3A_64 : memref<1x16x128xf32, #tpu.memory_space<vmem>> -> memref<16x128xf32, #tpu.memory_space<vmem>>
    %dma_start3A_66 = arith.constant 16 : i32
    %dma_start3A_67 = tpu.memref_slice %arg9[%dma_start3A_66] : memref<512xi32, #tpu.memory_space<vmem>> -> memref<16xi32, #tpu.memory_space<vmem>>
    %dma_start3A_68 = arith.constant 0 : i32
    %dma_start3A_69 = arith.constant 0 : i32
    %dma_start3A_70 = tpu.memref_slice %arg6[%dma_start3A_68, %dma_start3A_69] : memref<100000x128xf32, #tpu.memory_space<hbm>> -> memref<100000x128xf32, #tpu.memory_space<hbm>>
    %dma_start3A_71 = tpu.memref_slice %arg17[%rem3A_50] : memref<8x!tpu.dma_semaphore, #tpu.memory_space<semaphore_mem>> -> memref<1x!tpu.dma_semaphore, #tpu.memory_space<semaphore_mem>>
    %dma_start3A_72 = tpu.memref_squeeze %dma_start3A_71 : memref<1x!tpu.dma_semaphore, #tpu.memory_space<semaphore_mem>> -> memref<!tpu.dma_semaphore, #tpu.memory_space<semaphore_mem>>
    tpu.enqueue_indirect_dma source(%dma_start3A_70 : memref<100000x128xf32, #tpu.memory_space<hbm>>) target(%dma_start3A_65 : memref<16x128xf32, #tpu.memory_space<vmem>>) offsets(%dma_start3A_67 : memref<16xi32, #tpu.memory_space<vmem>>) semaphore(%dma_start3A_72 : memref<!tpu.dma_semaphore, #tpu.memory_space<semaphore_mem>>)
    %dma_start3A_73 = arith.constant 0 : i32
    %dma_start3A_74 = arith.constant 0 : i32
    %dma_start3A_75 = tpu.memref_slice %arg13[%rem3A_50, %dma_start3A_73, %dma_start3A_74] : memref<8x16x128xf32, #tpu.memory_space<vmem>> -> memref<1x16x128xf32, #tpu.memory_space<vmem>>
    %dma_start3A_76 = tpu.memref_squeeze %dma_start3A_75 : memref<1x16x128xf32, #tpu.memory_space<vmem>> -> memref<16x128xf32, #tpu.memory_space<vmem>>
    %dma_start3A_77 = arith.constant 16 : i32
    %dma_start3A_78 = tpu.memref_slice %arg10[%dma_start3A_77] : memref<512xi32, #tpu.memory_space<vmem>> -> memref<16xi32, #tpu.memory_space<vmem>>
    %dma_start3A_79 = arith.constant 0 : i32
    %dma_start3A_80 = arith.constant 0 : i32
    %dma_start3A_81 = tpu.memref_slice %arg5[%dma_start3A_79, %dma_start3A_80] : memref<100000x128xf32, #tpu.memory_space<hbm>> -> memref<100000x128xf32, #tpu.memory_space<hbm>>
    %dma_start3A_82 = tpu.memref_slice %arg18[%rem3A_50] : memref<8x!tpu.dma_semaphore, #tpu.memory_space<semaphore_mem>> -> memref<1x!tpu.dma_semaphore, #tpu.memory_space<semaphore_mem>>
    %dma_start3A_83 = tpu.memref_squeeze %dma_start3A_82 : memref<1x!tpu.dma_semaphore, #tpu.memory_space<semaphore_mem>> -> memref<!tpu.dma_semaphore, #tpu.memory_space<semaphore_mem>>
    tpu.enqueue_indirect_dma source(%dma_start3A_81 : memref<100000x128xf32, #tpu.memory_space<hbm>>) target(%dma_start3A_76 : memref<16x128xf32, #tpu.memory_space<vmem>>) offsets(%dma_start3A_78 : memref<16xi32, #tpu.memory_space<vmem>>) semaphore(%dma_start3A_83 : memref<!tpu.dma_semaphore, #tpu.memory_space<semaphore_mem>>)
    %rem3A_84 = arith.constant 2 : i32
    %rem3A_85 = arith.constant 8 : i32
    %rem3A_86 = arith.remsi %rem3A_84, %rem3A_85 : i32
    %dma_start3A_87 = arith.constant 0 : i32
    %dma_start3A_88 = arith.constant 0 : i32
    %dma_start3A_89 = tpu.memref_slice %arg11[%rem3A_86, %dma_start3A_87, %dma_start3A_88] : memref<8x16x128xf32, #tpu.memory_space<vmem>> -> memref<1x16x128xf32, #tpu.memory_space<vmem>>
    %dma_start3A_90 = tpu.memref_squeeze %dma_start3A_89 : memref<1x16x128xf32, #tpu.memory_space<vmem>> -> memref<16x128xf32, #tpu.memory_space<vmem>>
    %dma_start3A_91 = arith.constant 32 : i32
    %dma_start3A_92 = tpu.memref_slice %arg8[%dma_start3A_91] : memref<512xi32, #tpu.memory_space<vmem>> -> memref<16xi32, #tpu.memory_space<vmem>>
    %dma_start3A_93 = arith.constant 0 : i32
    %dma_start3A_94 = arith.constant 0 : i32
    %dma_start3A_95 = tpu.memref_slice %arg5[%dma_start3A_93, %dma_start3A_94] : memref<100000x128xf32, #tpu.memory_space<hbm>> -> memref<100000x128xf32, #tpu.memory_space<hbm>>
    %dma_start3A_96 = tpu.memref_slice %arg16[%rem3A_86] : memref<8x!tpu.dma_semaphore, #tpu.memory_space<semaphore_mem>> -> memref<1x!tpu.dma_semaphore, #tpu.memory_space<semaphore_mem>>
    %dma_start3A_97 = tpu.memref_squeeze %dma_start3A_96 : memref<1x!tpu.dma_semaphore, #tpu.memory_space<semaphore_mem>> -> memref<!tpu.dma_semaphore, #tpu.memory_space<semaphore_mem>>
    tpu.enqueue_indirect_dma source(%dma_start3A_95 : memref<100000x128xf32, #tpu.memory_space<hbm>>) target(%dma_start3A_90 : memref<16x128xf32, #tpu.memory_space<vmem>>) offsets(%dma_start3A_92 : memref<16xi32, #tpu.memory_space<vmem>>) semaphore(%dma_start3A_97 : memref<!tpu.dma_semaphore, #tpu.memory_space<semaphore_mem>>)
    %dma_start3A_98 = arith.constant 0 : i32
    %dma_start3A_99 = arith.constant 0 : i32
    %dma_start3A_100 = tpu.memref_slice %arg12[%rem3A_86, %dma_start3A_98, %dma_start3A_99] : memref<8x16x128xf32, #tpu.memory_space<vmem>> -> memref<1x16x128xf32, #tpu.memory_space<vmem>>
    %dma_start3A_101 = tpu.memref_squeeze %dma_start3A_100 : memref<1x16x128xf32, #tpu.memory_space<vmem>> -> memref<16x128xf32, #tpu.memory_space<vmem>>
    %dma_start3A_102 = arith.constant 32 : i32
    %dma_start3A_103 = tpu.memref_slice %arg9[%dma_start3A_102] : memref<512xi32, #tpu.memory_space<vmem>> -> memref<16xi32, #tpu.memory_space<vmem>>
    %dma_start3A_104 = arith.constant 0 : i32
    %dma_start3A_105 = arith.constant 0 : i32
    %dma_start3A_106 = tpu.memref_slice %arg6[%dma_start3A_104, %dma_start3A_105] : memref<100000x128xf32, #tpu.memory_space<hbm>> -> memref<100000x128xf32, #tpu.memory_space<hbm>>
    %dma_start3A_107 = tpu.memref_slice %arg17[%rem3A_86] : memref<8x!tpu.dma_semaphore, #tpu.memory_space<semaphore_mem>> -> memref<1x!tpu.dma_semaphore, #tpu.memory_space<semaphore_mem>>
    %dma_start3A_108 = tpu.memref_squeeze %dma_start3A_107 : memref<1x!tpu.dma_semaphore, #tpu.memory_space<semaphore_mem>> -> memref<!tpu.dma_semaphore, #tpu.memory_space<semaphore_mem>>
    tpu.enqueue_indirect_dma source(%dma_start3A_106 : memref<100000x128xf32, #tpu.memory_space<hbm>>) target(%dma_start3A_101 : memref<16x128xf32, #tpu.memory_space<vmem>>) offsets(%dma_start3A_103 : memref<16xi32, #tpu.memory_space<vmem>>) semaphore(%dma_start3A_108 : memref<!tpu.dma_semaphore, #tpu.memory_space<semaphore_mem>>)
    %dma_start3A_109 = arith.constant 0 : i32
    %dma_start3A_110 = arith.constant 0 : i32
    %dma_start3A_111 = tpu.memref_slice %arg13[%rem3A_86, %dma_start3A_109, %dma_start3A_110] : memref<8x16x128xf32, #tpu.memory_space<vmem>> -> memref<1x16x128xf32, #tpu.memory_space<vmem>>
    %dma_start3A_112 = tpu.memref_squeeze %dma_start3A_111 : memref<1x16x128xf32, #tpu.memory_space<vmem>> -> memref<16x128xf32, #tpu.memory_space<vmem>>
    %dma_start3A_113 = arith.constant 32 : i32
    %dma_start3A_114 = tpu.memref_slice %arg10[%dma_start3A_113] : memref<512xi32, #tpu.memory_space<vmem>> -> memref<16xi32, #tpu.memory_space<vmem>>
    %dma_start3A_115 = arith.constant 0 : i32
    %dma_start3A_116 = arith.constant 0 : i32
    %dma_start3A_117 = tpu.memref_slice %arg5[%dma_start3A_115, %dma_start3A_116] : memref<100000x128xf32, #tpu.memory_space<hbm>> -> memref<100000x128xf32, #tpu.memory_space<hbm>>
    %dma_start3A_118 = tpu.memref_slice %arg18[%rem3A_86] : memref<8x!tpu.dma_semaphore, #tpu.memory_space<semaphore_mem>> -> memref<1x!tpu.dma_semaphore, #tpu.memory_space<semaphore_mem>>
    %dma_start3A_119 = tpu.memref_squeeze %dma_start3A_118 : memref<1x!tpu.dma_semaphore, #tpu.memory_space<semaphore_mem>> -> memref<!tpu.dma_semaphore, #tpu.memory_space<semaphore_mem>>
    tpu.enqueue_indirect_dma source(%dma_start3A_117 : memref<100000x128xf32, #tpu.memory_space<hbm>>) target(%dma_start3A_112 : memref<16x128xf32, #tpu.memory_space<vmem>>) offsets(%dma_start3A_114 : memref<16xi32, #tpu.memory_space<vmem>>) semaphore(%dma_start3A_119 : memref<!tpu.dma_semaphore, #tpu.memory_space<semaphore_mem>>)
    %rem3A_120 = arith.constant 3 : i32
    %rem3A_121 = arith.constant 8 : i32
    %rem3A_122 = arith.remsi %rem3A_120, %rem3A_121 : i32
    %dma_start3A_123 = arith.constant 0 : i32
    %dma_start3A_124 = arith.constant 0 : i32
    %dma_start3A_125 = tpu.memref_slice %arg11[%rem3A_122, %dma_start3A_123, %dma_start3A_124] : memref<8x16x128xf32, #tpu.memory_space<vmem>> -> memref<1x16x128xf32, #tpu.memory_space<vmem>>
    %dma_start3A_126 = tpu.memref_squeeze %dma_start3A_125 : memref<1x16x128xf32, #tpu.memory_space<vmem>> -> memref<16x128xf32, #tpu.memory_space<vmem>>
    %dma_start3A_127 = arith.constant 48 : i32
    %dma_start3A_128 = tpu.memref_slice %arg8[%dma_start3A_127] : memref<512xi32, #tpu.memory_space<vmem>> -> memref<16xi32, #tpu.memory_space<vmem>>
    %dma_start3A_129 = arith.constant 0 : i32
    %dma_start3A_130 = arith.constant 0 : i32
    %dma_start3A_131 = tpu.memref_slice %arg5[%dma_start3A_129, %dma_start3A_130] : memref<100000x128xf32, #tpu.memory_space<hbm>> -> memref<100000x128xf32, #tpu.memory_space<hbm>>
    %dma_start3A_132 = tpu.memref_slice %arg16[%rem3A_122] : memref<8x!tpu.dma_semaphore, #tpu.memory_space<semaphore_mem>> -> memref<1x!tpu.dma_semaphore, #tpu.memory_space<semaphore_mem>>
    %dma_start3A_133 = tpu.memref_squeeze %dma_start3A_132 : memref<1x!tpu.dma_semaphore, #tpu.memory_space<semaphore_mem>> -> memref<!tpu.dma_semaphore, #tpu.memory_space<semaphore_mem>>
    tpu.enqueue_indirect_dma source(%dma_start3A_131 : memref<100000x128xf32, #tpu.memory_space<hbm>>) target(%dma_start3A_126 : memref<16x128xf32, #tpu.memory_space<vmem>>) offsets(%dma_start3A_128 : memref<16xi32, #tpu.memory_space<vmem>>) semaphore(%dma_start3A_133 : memref<!tpu.dma_semaphore, #tpu.memory_space<semaphore_mem>>)
    %dma_start3A_134 = arith.constant 0 : i32
    %dma_start3A_135 = arith.constant 0 : i32
    %dma_start3A_136 = tpu.memref_slice %arg12[%rem3A_122, %dma_start3A_134, %dma_start3A_135] : memref<8x16x128xf32, #tpu.memory_space<vmem>> -> memref<1x16x128xf32, #tpu.memory_space<vmem>>
    %dma_start3A_137 = tpu.memref_squeeze %dma_start3A_136 : memref<1x16x128xf32, #tpu.memory_space<vmem>> -> memref<16x128xf32, #tpu.memory_space<vmem>>
    %dma_start3A_138 = arith.constant 48 : i32
    %dma_start3A_139 = tpu.memref_slice %arg9[%dma_start3A_138] : memref<512xi32, #tpu.memory_space<vmem>> -> memref<16xi32, #tpu.memory_space<vmem>>
    %dma_start3A_140 = arith.constant 0 : i32
    %dma_start3A_141 = arith.constant 0 : i32
    %dma_start3A_142 = tpu.memref_slice %arg6[%dma_start3A_140, %dma_start3A_141] : memref<100000x128xf32, #tpu.memory_space<hbm>> -> memref<100000x128xf32, #tpu.memory_space<hbm>>
    %dma_start3A_143 = tpu.memref_slice %arg17[%rem3A_122] : memref<8x!tpu.dma_semaphore, #tpu.memory_space<semaphore_mem>> -> memref<1x!tpu.dma_semaphore, #tpu.memory_space<semaphore_mem>>
    %dma_start3A_144 = tpu.memref_squeeze %dma_start3A_143 : memref<1x!tpu.dma_semaphore, #tpu.memory_space<semaphore_mem>> -> memref<!tpu.dma_semaphore, #tpu.memory_space<semaphore_mem>>
    tpu.enqueue_indirect_dma source(%dma_start3A_142 : memref<100000x128xf32, #tpu.memory_space<hbm>>) target(%dma_start3A_137 : memref<16x128xf32, #tpu.memory_space<vmem>>) offsets(%dma_start3A_139 : memref<16xi32, #tpu.memory_space<vmem>>) semaphore(%dma_start3A_144 : memref<!tpu.dma_semaphore, #tpu.memory_space<semaphore_mem>>)
    %dma_start3A_145 = arith.constant 0 : i32
    %dma_start3A_146 = arith.constant 0 : i32
    %dma_start3A_147 = tpu.memref_slice %arg13[%rem3A_122, %dma_start3A_145, %dma_start3A_146] : memref<8x16x128xf32, #tpu.memory_space<vmem>> -> memref<1x16x128xf32, #tpu.memory_space<vmem>>
    %dma_start3A_148 = tpu.memref_squeeze %dma_start3A_147 : memref<1x16x128xf32, #tpu.memory_space<vmem>> -> memref<16x128xf32, #tpu.memory_space<vmem>>
    %dma_start3A_149 = arith.constant 48 : i32
    %dma_start3A_150 = tpu.memref_slice %arg10[%dma_start3A_149] : memref<512xi32, #tpu.memory_space<vmem>> -> memref<16xi32, #tpu.memory_space<vmem>>
    %dma_start3A_151 = arith.constant 0 : i32
    %dma_start3A_152 = arith.constant 0 : i32
    %dma_start3A_153 = tpu.memref_slice %arg5[%dma_start3A_151, %dma_start3A_152] : memref<100000x128xf32, #tpu.memory_space<hbm>> -> memref<100000x128xf32, #tpu.memory_space<hbm>>
    %dma_start3A_154 = tpu.memref_slice %arg18[%rem3A_122] : memref<8x!tpu.dma_semaphore, #tpu.memory_space<semaphore_mem>> -> memref<1x!tpu.dma_semaphore, #tpu.memory_space<semaphore_mem>>
    %dma_start3A_155 = tpu.memref_squeeze %dma_start3A_154 : memref<1x!tpu.dma_semaphore, #tpu.memory_space<semaphore_mem>> -> memref<!tpu.dma_semaphore, #tpu.memory_space<semaphore_mem>>
    tpu.enqueue_indirect_dma source(%dma_start3A_153 : memref<100000x128xf32, #tpu.memory_space<hbm>>) target(%dma_start3A_148 : memref<16x128xf32, #tpu.memory_space<vmem>>) offsets(%dma_start3A_150 : memref<16xi32, #tpu.memory_space<vmem>>) semaphore(%dma_start3A_155 : memref<!tpu.dma_semaphore, #tpu.memory_space<semaphore_mem>>)
    %rem3A_156 = arith.constant 4 : i32
    %rem3A_157 = arith.constant 8 : i32
    %rem3A_158 = arith.remsi %rem3A_156, %rem3A_157 : i32
    %dma_start3A_159 = arith.constant 0 : i32
    %dma_start3A_160 = arith.constant 0 : i32
    %dma_start3A_161 = tpu.memref_slice %arg11[%rem3A_158, %dma_start3A_159, %dma_start3A_160] : memref<8x16x128xf32, #tpu.memory_space<vmem>> -> memref<1x16x128xf32, #tpu.memory_space<vmem>>
    %dma_start3A_162 = tpu.memref_squeeze %dma_start3A_161 : memref<1x16x128xf32, #tpu.memory_space<vmem>> -> memref<16x128xf32, #tpu.memory_space<vmem>>
    %dma_start3A_163 = arith.constant 64 : i32
    %dma_start3A_164 = tpu.memref_slice %arg8[%dma_start3A_163] : memref<512xi32, #tpu.memory_space<vmem>> -> memref<16xi32, #tpu.memory_space<vmem>>
    %dma_start3A_165 = arith.constant 0 : i32
    %dma_start3A_166 = arith.constant 0 : i32
    %dma_start3A_167 = tpu.memref_slice %arg5[%dma_start3A_165, %dma_start3A_166] : memref<100000x128xf32, #tpu.memory_space<hbm>> -> memref<100000x128xf32, #tpu.memory_space<hbm>>
    %dma_start3A_168 = tpu.memref_slice %arg16[%rem3A_158] : memref<8x!tpu.dma_semaphore, #tpu.memory_space<semaphore_mem>> -> memref<1x!tpu.dma_semaphore, #tpu.memory_space<semaphore_mem>>
    %dma_start3A_169 = tpu.memref_squeeze %dma_start3A_168 : memref<1x!tpu.dma_semaphore, #tpu.memory_space<semaphore_mem>> -> memref<!tpu.dma_semaphore, #tpu.memory_space<semaphore_mem>>
    tpu.enqueue_indirect_dma source(%dma_start3A_167 : memref<100000x128xf32, #tpu.memory_space<hbm>>) target(%dma_start3A_162 : memref<16x128xf32, #tpu.memory_space<vmem>>) offsets(%dma_start3A_164 : memref<16xi32, #tpu.memory_space<vmem>>) semaphore(%dma_start3A_169 : memref<!tpu.dma_semaphore, #tpu.memory_space<semaphore_mem>>)
    %dma_start3A_170 = arith.constant 0 : i32
    %dma_start3A_171 = arith.constant 0 : i32
    %dma_start3A_172 = tpu.memref_slice %arg12[%rem3A_158, %dma_start3A_170, %dma_start3A_171] : memref<8x16x128xf32, #tpu.memory_space<vmem>> -> memref<1x16x128xf32, #tpu.memory_space<vmem>>
    %dma_start3A_173 = tpu.memref_squeeze %dma_start3A_172 : memref<1x16x128xf32, #tpu.memory_space<vmem>> -> memref<16x128xf32, #tpu.memory_space<vmem>>
    %dma_start3A_174 = arith.constant 64 : i32
    %dma_start3A_175 = tpu.memref_slice %arg9[%dma_start3A_174] : memref<512xi32, #tpu.memory_space<vmem>> -> memref<16xi32, #tpu.memory_space<vmem>>
    %dma_start3A_176 = arith.constant 0 : i32
    %dma_start3A_177 = arith.constant 0 : i32
    %dma_start3A_178 = tpu.memref_slice %arg6[%dma_start3A_176, %dma_start3A_177] : memref<100000x128xf32, #tpu.memory_space<hbm>> -> memref<100000x128xf32, #tpu.memory_space<hbm>>
    %dma_start3A_179 = tpu.memref_slice %arg17[%rem3A_158] : memref<8x!tpu.dma_semaphore, #tpu.memory_space<semaphore_mem>> -> memref<1x!tpu.dma_semaphore, #tpu.memory_space<semaphore_mem>>
    %dma_start3A_180 = tpu.memref_squeeze %dma_start3A_179 : memref<1x!tpu.dma_semaphore, #tpu.memory_space<semaphore_mem>> -> memref<!tpu.dma_semaphore, #tpu.memory_space<semaphore_mem>>
    tpu.enqueue_indirect_dma source(%dma_start3A_178 : memref<100000x128xf32, #tpu.memory_space<hbm>>) target(%dma_start3A_173 : memref<16x128xf32, #tpu.memory_space<vmem>>) offsets(%dma_start3A_175 : memref<16xi32, #tpu.memory_space<vmem>>) semaphore(%dma_start3A_180 : memref<!tpu.dma_semaphore, #tpu.memory_space<semaphore_mem>>)
    %dma_start3A_181 = arith.constant 0 : i32
    %dma_start3A_182 = arith.constant 0 : i32
    %dma_start3A_183 = tpu.memref_slice %arg13[%rem3A_158, %dma_start3A_181, %dma_start3A_182] : memref<8x16x128xf32, #tpu.memory_space<vmem>> -> memref<1x16x128xf32, #tpu.memory_space<vmem>>
    %dma_start3A_184 = tpu.memref_squeeze %dma_start3A_183 : memref<1x16x128xf32, #tpu.memory_space<vmem>> -> memref<16x128xf32, #tpu.memory_space<vmem>>
    %dma_start3A_185 = arith.constant 64 : i32
    %dma_start3A_186 = tpu.memref_slice %arg10[%dma_start3A_185] : memref<512xi32, #tpu.memory_space<vmem>> -> memref<16xi32, #tpu.memory_space<vmem>>
    %dma_start3A_187 = arith.constant 0 : i32
    %dma_start3A_188 = arith.constant 0 : i32
    %dma_start3A_189 = tpu.memref_slice %arg5[%dma_start3A_187, %dma_start3A_188] : memref<100000x128xf32, #tpu.memory_space<hbm>> -> memref<100000x128xf32, #tpu.memory_space<hbm>>
    %dma_start3A_190 = tpu.memref_slice %arg18[%rem3A_158] : memref<8x!tpu.dma_semaphore, #tpu.memory_space<semaphore_mem>> -> memref<1x!tpu.dma_semaphore, #tpu.memory_space<semaphore_mem>>
    %dma_start3A_191 = tpu.memref_squeeze %dma_start3A_190 : memref<1x!tpu.dma_semaphore, #tpu.memory_space<semaphore_mem>> -> memref<!tpu.dma_semaphore, #tpu.memory_space<semaphore_mem>>
    tpu.enqueue_indirect_dma source(%dma_start3A_189 : memref<100000x128xf32, #tpu.memory_space<hbm>>) target(%dma_start3A_184 : memref<16x128xf32, #tpu.memory_space<vmem>>) offsets(%dma_start3A_186 : memref<16xi32, #tpu.memory_space<vmem>>) semaphore(%dma_start3A_191 : memref<!tpu.dma_semaphore, #tpu.memory_space<semaphore_mem>>)
    %rem3A_192 = arith.constant 5 : i32
    %rem3A_193 = arith.constant 8 : i32
    %rem3A_194 = arith.remsi %rem3A_192, %rem3A_193 : i32
    %dma_start3A_195 = arith.constant 0 : i32
    %dma_start3A_196 = arith.constant 0 : i32
    %dma_start3A_197 = tpu.memref_slice %arg11[%rem3A_194, %dma_start3A_195, %dma_start3A_196] : memref<8x16x128xf32, #tpu.memory_space<vmem>> -> memref<1x16x128xf32, #tpu.memory_space<vmem>>
    %dma_start3A_198 = tpu.memref_squeeze %dma_start3A_197 : memref<1x16x128xf32, #tpu.memory_space<vmem>> -> memref<16x128xf32, #tpu.memory_space<vmem>>
    %dma_start3A_199 = arith.constant 80 : i32
    %dma_start3A_200 = tpu.memref_slice %arg8[%dma_start3A_199] : memref<512xi32, #tpu.memory_space<vmem>> -> memref<16xi32, #tpu.memory_space<vmem>>
    %dma_start3A_201 = arith.constant 0 : i32
    %dma_start3A_202 = arith.constant 0 : i32
    %dma_start3A_203 = tpu.memref_slice %arg5[%dma_start3A_201, %dma_start3A_202] : memref<100000x128xf32, #tpu.memory_space<hbm>> -> memref<100000x128xf32, #tpu.memory_space<hbm>>
    %dma_start3A_204 = tpu.memref_slice %arg16[%rem3A_194] : memref<8x!tpu.dma_semaphore, #tpu.memory_space<semaphore_mem>> -> memref<1x!tpu.dma_semaphore, #tpu.memory_space<semaphore_mem>>
    %dma_start3A_205 = tpu.memref_squeeze %dma_start3A_204 : memref<1x!tpu.dma_semaphore, #tpu.memory_space<semaphore_mem>> -> memref<!tpu.dma_semaphore, #tpu.memory_space<semaphore_mem>>
    tpu.enqueue_indirect_dma source(%dma_start3A_203 : memref<100000x128xf32, #tpu.memory_space<hbm>>) target(%dma_start3A_198 : memref<16x128xf32, #tpu.memory_space<vmem>>) offsets(%dma_start3A_200 : memref<16xi32, #tpu.memory_space<vmem>>) semaphore(%dma_start3A_205 : memref<!tpu.dma_semaphore, #tpu.memory_space<semaphore_mem>>)
    %dma_start3A_206 = arith.constant 0 : i32
    %dma_start3A_207 = arith.constant 0 : i32
    %dma_start3A_208 = tpu.memref_slice %arg12[%rem3A_194, %dma_start3A_206, %dma_start3A_207] : memref<8x16x128xf32, #tpu.memory_space<vmem>> -> memref<1x16x128xf32, #tpu.memory_space<vmem>>
    %dma_start3A_209 = tpu.memref_squeeze %dma_start3A_208 : memref<1x16x128xf32, #tpu.memory_space<vmem>> -> memref<16x128xf32, #tpu.memory_space<vmem>>
    %dma_start3A_210 = arith.constant 80 : i32
    %dma_start3A_211 = tpu.memref_slice %arg9[%dma_start3A_210] : memref<512xi32, #tpu.memory_space<vmem>> -> memref<16xi32, #tpu.memory_space<vmem>>
    %dma_start3A_212 = arith.constant 0 : i32
    %dma_start3A_213 = arith.constant 0 : i32
    %dma_start3A_214 = tpu.memref_slice %arg6[%dma_start3A_212, %dma_start3A_213] : memref<100000x128xf32, #tpu.memory_space<hbm>> -> memref<100000x128xf32, #tpu.memory_space<hbm>>
    %dma_start3A_215 = tpu.memref_slice %arg17[%rem3A_194] : memref<8x!tpu.dma_semaphore, #tpu.memory_space<semaphore_mem>> -> memref<1x!tpu.dma_semaphore, #tpu.memory_space<semaphore_mem>>
    %dma_start3A_216 = tpu.memref_squeeze %dma_start3A_215 : memref<1x!tpu.dma_semaphore, #tpu.memory_space<semaphore_mem>> -> memref<!tpu.dma_semaphore, #tpu.memory_space<semaphore_mem>>
    tpu.enqueue_indirect_dma source(%dma_start3A_214 : memref<100000x128xf32, #tpu.memory_space<hbm>>) target(%dma_start3A_209 : memref<16x128xf32, #tpu.memory_space<vmem>>) offsets(%dma_start3A_211 : memref<16xi32, #tpu.memory_space<vmem>>) semaphore(%dma_start3A_216 : memref<!tpu.dma_semaphore, #tpu.memory_space<semaphore_mem>>)
    %dma_start3A_217 = arith.constant 0 : i32
    %dma_start3A_218 = arith.constant 0 : i32
    %dma_start3A_219 = tpu.memref_slice %arg13[%rem3A_194, %dma_start3A_217, %dma_start3A_218] : memref<8x16x128xf32, #tpu.memory_space<vmem>> -> memref<1x16x128xf32, #tpu.memory_space<vmem>>
    %dma_start3A_220 = tpu.memref_squeeze %dma_start3A_219 : memref<1x16x128xf32, #tpu.memory_space<vmem>> -> memref<16x128xf32, #tpu.memory_space<vmem>>
    %dma_start3A_221 = arith.constant 80 : i32
    %dma_start3A_222 = tpu.memref_slice %arg10[%dma_start3A_221] : memref<512xi32, #tpu.memory_space<vmem>> -> memref<16xi32, #tpu.memory_space<vmem>>
    %dma_start3A_223 = arith.constant 0 : i32
    %dma_start3A_224 = arith.constant 0 : i32
    %dma_start3A_225 = tpu.memref_slice %arg5[%dma_start3A_223, %dma_start3A_224] : memref<100000x128xf32, #tpu.memory_space<hbm>> -> memref<100000x128xf32, #tpu.memory_space<hbm>>
    %dma_start3A_226 = tpu.memref_slice %arg18[%rem3A_194] : memref<8x!tpu.dma_semaphore, #tpu.memory_space<semaphore_mem>> -> memref<1x!tpu.dma_semaphore, #tpu.memory_space<semaphore_mem>>
    %dma_start3A_227 = tpu.memref_squeeze %dma_start3A_226 : memref<1x!tpu.dma_semaphore, #tpu.memory_space<semaphore_mem>> -> memref<!tpu.dma_semaphore, #tpu.memory_space<semaphore_mem>>
    tpu.enqueue_indirect_dma source(%dma_start3A_225 : memref<100000x128xf32, #tpu.memory_space<hbm>>) target(%dma_start3A_220 : memref<16x128xf32, #tpu.memory_space<vmem>>) offsets(%dma_start3A_222 : memref<16xi32, #tpu.memory_space<vmem>>) semaphore(%dma_start3A_227 : memref<!tpu.dma_semaphore, #tpu.memory_space<semaphore_mem>>)
    %rem3A_228 = arith.constant 6 : i32
    %rem3A_229 = arith.constant 8 : i32
    %rem3A_230 = arith.remsi %rem3A_228, %rem3A_229 : i32
    %dma_start3A_231 = arith.constant 0 : i32
    %dma_start3A_232 = arith.constant 0 : i32
    %dma_start3A_233 = tpu.memref_slice %arg11[%rem3A_230, %dma_start3A_231, %dma_start3A_232] : memref<8x16x128xf32, #tpu.memory_space<vmem>> -> memref<1x16x128xf32, #tpu.memory_space<vmem>>
    %dma_start3A_234 = tpu.memref_squeeze %dma_start3A_233 : memref<1x16x128xf32, #tpu.memory_space<vmem>> -> memref<16x128xf32, #tpu.memory_space<vmem>>
    %dma_start3A_235 = arith.constant 96 : i32
    %dma_start3A_236 = tpu.memref_slice %arg8[%dma_start3A_235] : memref<512xi32, #tpu.memory_space<vmem>> -> memref<16xi32, #tpu.memory_space<vmem>>
    %dma_start3A_237 = arith.constant 0 : i32
    %dma_start3A_238 = arith.constant 0 : i32
    %dma_start3A_239 = tpu.memref_slice %arg5[%dma_start3A_237, %dma_start3A_238] : memref<100000x128xf32, #tpu.memory_space<hbm>> -> memref<100000x128xf32, #tpu.memory_space<hbm>>
    %dma_start3A_240 = tpu.memref_slice %arg16[%rem3A_230] : memref<8x!tpu.dma_semaphore, #tpu.memory_space<semaphore_mem>> -> memref<1x!tpu.dma_semaphore, #tpu.memory_space<semaphore_mem>>
    %dma_start3A_241 = tpu.memref_squeeze %dma_start3A_240 : memref<1x!tpu.dma_semaphore, #tpu.memory_space<semaphore_mem>> -> memref<!tpu.dma_semaphore, #tpu.memory_space<semaphore_mem>>
    tpu.enqueue_indirect_dma source(%dma_start3A_239 : memref<100000x128xf32, #tpu.memory_space<hbm>>) target(%dma_start3A_234 : memref<16x128xf32, #tpu.memory_space<vmem>>) offsets(%dma_start3A_236 : memref<16xi32, #tpu.memory_space<vmem>>) semaphore(%dma_start3A_241 : memref<!tpu.dma_semaphore, #tpu.memory_space<semaphore_mem>>)
    %dma_start3A_242 = arith.constant 0 : i32
    %dma_start3A_243 = arith.constant 0 : i32
    %dma_start3A_244 = tpu.memref_slice %arg12[%rem3A_230, %dma_start3A_242, %dma_start3A_243] : memref<8x16x128xf32, #tpu.memory_space<vmem>> -> memref<1x16x128xf32, #tpu.memory_space<vmem>>
    %dma_start3A_245 = tpu.memref_squeeze %dma_start3A_244 : memref<1x16x128xf32, #tpu.memory_space<vmem>> -> memref<16x128xf32, #tpu.memory_space<vmem>>
    %dma_start3A_246 = arith.constant 96 : i32
    %dma_start3A_247 = tpu.memref_slice %arg9[%dma_start3A_246] : memref<512xi32, #tpu.memory_space<vmem>> -> memref<16xi32, #tpu.memory_space<vmem>>
    %dma_start3A_248 = arith.constant 0 : i32
    %dma_start3A_249 = arith.constant 0 : i32
    %dma_start3A_250 = tpu.memref_slice %arg6[%dma_start3A_248, %dma_start3A_249] : memref<100000x128xf32, #tpu.memory_space<hbm>> -> memref<100000x128xf32, #tpu.memory_space<hbm>>
    %dma_start3A_251 = tpu.memref_slice %arg17[%rem3A_230] : memref<8x!tpu.dma_semaphore, #tpu.memory_space<semaphore_mem>> -> memref<1x!tpu.dma_semaphore, #tpu.memory_space<semaphore_mem>>
    %dma_start3A_252 = tpu.memref_squeeze %dma_start3A_251 : memref<1x!tpu.dma_semaphore, #tpu.memory_space<semaphore_mem>> -> memref<!tpu.dma_semaphore, #tpu.memory_space<semaphore_mem>>
    tpu.enqueue_indirect_dma source(%dma_start3A_250 : memref<100000x128xf32, #tpu.memory_space<hbm>>) target(%dma_start3A_245 : memref<16x128xf32, #tpu.memory_space<vmem>>) offsets(%dma_start3A_247 : memref<16xi32, #tpu.memory_space<vmem>>) semaphore(%dma_start3A_252 : memref<!tpu.dma_semaphore, #tpu.memory_space<semaphore_mem>>)
    %dma_start3A_253 = arith.constant 0 : i32
    %dma_start3A_254 = arith.constant 0 : i32
    %dma_start3A_255 = tpu.memref_slice %arg13[%rem3A_230, %dma_start3A_253, %dma_start3A_254] : memref<8x16x128xf32, #tpu.memory_space<vmem>> -> memref<1x16x128xf32, #tpu.memory_space<vmem>>
    %dma_start3A_256 = tpu.memref_squeeze %dma_start3A_255 : memref<1x16x128xf32, #tpu.memory_space<vmem>> -> memref<16x128xf32, #tpu.memory_space<vmem>>
    %dma_start3A_257 = arith.constant 96 : i32
    %dma_start3A_258 = tpu.memref_slice %arg10[%dma_start3A_257] : memref<512xi32, #tpu.memory_space<vmem>> -> memref<16xi32, #tpu.memory_space<vmem>>
    %dma_start3A_259 = arith.constant 0 : i32
    %dma_start3A_260 = arith.constant 0 : i32
    %dma_start3A_261 = tpu.memref_slice %arg5[%dma_start3A_259, %dma_start3A_260] : memref<100000x128xf32, #tpu.memory_space<hbm>> -> memref<100000x128xf32, #tpu.memory_space<hbm>>
    %dma_start3A_262 = tpu.memref_slice %arg18[%rem3A_230] : memref<8x!tpu.dma_semaphore, #tpu.memory_space<semaphore_mem>> -> memref<1x!tpu.dma_semaphore, #tpu.memory_space<semaphore_mem>>
    %dma_start3A_263 = tpu.memref_squeeze %dma_start3A_262 : memref<1x!tpu.dma_semaphore, #tpu.memory_space<semaphore_mem>> -> memref<!tpu.dma_semaphore, #tpu.memory_space<semaphore_mem>>
    tpu.enqueue_indirect_dma source(%dma_start3A_261 : memref<100000x128xf32, #tpu.memory_space<hbm>>) target(%dma_start3A_256 : memref<16x128xf32, #tpu.memory_space<vmem>>) offsets(%dma_start3A_258 : memref<16xi32, #tpu.memory_space<vmem>>) semaphore(%dma_start3A_263 : memref<!tpu.dma_semaphore, #tpu.memory_space<semaphore_mem>>)
    %scan3A = arith.constant 0 : i32
    %scan3A_264 = arith.constant 32 : i32
    %scan3A_265 = arith.addi %scan3A, %scan3A_264 : i32
    %scan3A_266 = arith.constant 1 : i32
    scf.for %scan3A_268 = %scan3A to %scan3A_265 step %scan3A_266  : i32 {
      %mul3A_269 = arith.constant 1 : i32
      %mul3A_270 = arith.muli %scan3A_268, %mul3A_269 : i32
      %add3A_271 = arith.constant 0 : i32
      %add3A_272 = arith.addi %add3A_271, %mul3A_270 : i32
      %rem3A_273 = arith.constant 8 : i32
      %rem3A_274 = arith.remsi %add3A_272, %rem3A_273 : i32
      %add3A_275 = arith.constant 8 : i32
      %add3A_276 = arith.addi %add3A_272, %add3A_275 : i32
      %sub3A = arith.constant 1 : i32
      %sub3A_277 = arith.subi %add3A_276, %sub3A : i32
      %lt3A = arith.constant 32 : i32
      %lt3A_278 = arith.cmpi slt, %sub3A_277, %lt3A : i32
      %convert_element_type3A = arith.extui %lt3A_278 : i1 to i32
      %cond3A = arith.constant 0 : i32
      %cond3A_279 = arith.cmpi ne, %convert_element_type3A, %cond3A : i32
      scf.if %cond3A_279 {
        %add3A_2893 = arith.constant 8 : i32
        %add3A_2894 = arith.addi %add3A_272, %add3A_2893 : i32
        %sub3A_2895 = arith.constant 1 : i32
        %sub3A_2896 = arith.subi %add3A_2894, %sub3A_2895 : i32
        %rem3A_2897 = arith.constant 8 : i32
        %rem3A_2898 = arith.remsi %sub3A_2896, %rem3A_2897 : i32
        %mul3A_2899 = arith.constant 16 : i32
        %mul3A_2900 = arith.muli %sub3A_2896, %mul3A_2899 : i32
        %dma_start3A_2901 = arith.constant 0 : i32
        %dma_start3A_2902 = arith.constant 0 : i32
        %dma_start3A_2903 = tpu.memref_slice %arg11[%rem3A_2898, %dma_start3A_2901, %dma_start3A_2902] : memref<8x16x128xf32, #tpu.memory_space<vmem>> -> memref<1x16x128xf32, #tpu.memory_space<vmem>>
        %dma_start3A_2904 = tpu.memref_squeeze %dma_start3A_2903 : memref<1x16x128xf32, #tpu.memory_space<vmem>> -> memref<16x128xf32, #tpu.memory_space<vmem>>
        %dma_start3A_2905 = tpu.memref_slice %arg8[%mul3A_2900] : memref<512xi32, #tpu.memory_space<vmem>> -> memref<16xi32, #tpu.memory_space<vmem>>
        %dma_start3A_2906 = arith.constant 0 : i32
        %dma_start3A_2907 = arith.constant 0 : i32
        %dma_start3A_2908 = tpu.memref_slice %arg5[%dma_start3A_2906, %dma_start3A_2907] : memref<100000x128xf32, #tpu.memory_space<hbm>> -> memref<100000x128xf32, #tpu.memory_space<hbm>>
        %dma_start3A_2909 = tpu.memref_slice %arg16[%rem3A_2898] : memref<8x!tpu.dma_semaphore, #tpu.memory_space<semaphore_mem>> -> memref<1x!tpu.dma_semaphore, #tpu.memory_space<semaphore_mem>>
        %dma_start3A_2910 = tpu.memref_squeeze %dma_start3A_2909 : memref<1x!tpu.dma_semaphore, #tpu.memory_space<semaphore_mem>> -> memref<!tpu.dma_semaphore, #tpu.memory_space<semaphore_mem>>
        tpu.enqueue_indirect_dma source(%dma_start3A_2908 : memref<100000x128xf32, #tpu.memory_space<hbm>>) target(%dma_start3A_2904 : memref<16x128xf32, #tpu.memory_space<vmem>>) offsets(%dma_start3A_2905 : memref<16xi32, #tpu.memory_space<vmem>>) semaphore(%dma_start3A_2910 : memref<!tpu.dma_semaphore, #tpu.memory_space<semaphore_mem>>)
        %dma_start3A_2911 = arith.constant 0 : i32
        %dma_start3A_2912 = arith.constant 0 : i32
        %dma_start3A_2913 = tpu.memref_slice %arg12[%rem3A_2898, %dma_start3A_2911, %dma_start3A_2912] : memref<8x16x128xf32, #tpu.memory_space<vmem>> -> memref<1x16x128xf32, #tpu.memory_space<vmem>>
        %dma_start3A_2914 = tpu.memref_squeeze %dma_start3A_2913 : memref<1x16x128xf32, #tpu.memory_space<vmem>> -> memref<16x128xf32, #tpu.memory_space<vmem>>
        %dma_start3A_2915 = tpu.memref_slice %arg9[%mul3A_2900] : memref<512xi32, #tpu.memory_space<vmem>> -> memref<16xi32, #tpu.memory_space<vmem>>
        %dma_start3A_2916 = arith.constant 0 : i32
        %dma_start3A_2917 = arith.constant 0 : i32
        %dma_start3A_2918 = tpu.memref_slice %arg6[%dma_start3A_2916, %dma_start3A_2917] : memref<100000x128xf32, #tpu.memory_space<hbm>> -> memref<100000x128xf32, #tpu.memory_space<hbm>>
        %dma_start3A_2919 = tpu.memref_slice %arg17[%rem3A_2898] : memref<8x!tpu.dma_semaphore, #tpu.memory_space<semaphore_mem>> -> memref<1x!tpu.dma_semaphore, #tpu.memory_space<semaphore_mem>>
        %dma_start3A_2920 = tpu.memref_squeeze %dma_start3A_2919 : memref<1x!tpu.dma_semaphore, #tpu.memory_space<semaphore_mem>> -> memref<!tpu.dma_semaphore, #tpu.memory_space<semaphore_mem>>
        tpu.enqueue_indirect_dma source(%dma_start3A_2918 : memref<100000x128xf32, #tpu.memory_space<hbm>>) target(%dma_start3A_2914 : memref<16x128xf32, #tpu.memory_space<vmem>>) offsets(%dma_start3A_2915 : memref<16xi32, #tpu.memory_space<vmem>>) semaphore(%dma_start3A_2920 : memref<!tpu.dma_semaphore, #tpu.memory_space<semaphore_mem>>)
        %dma_start3A_2921 = arith.constant 0 : i32
        %dma_start3A_2922 = arith.constant 0 : i32
        %dma_start3A_2923 = tpu.memref_slice %arg13[%rem3A_2898, %dma_start3A_2921, %dma_start3A_2922] : memref<8x16x128xf32, #tpu.memory_space<vmem>> -> memref<1x16x128xf32, #tpu.memory_space<vmem>>
        %dma_start3A_2924 = tpu.memref_squeeze %dma_start3A_2923 : memref<1x16x128xf32, #tpu.memory_space<vmem>> -> memref<16x128xf32, #tpu.memory_space<vmem>>
        %dma_start3A_2925 = tpu.memref_slice %arg10[%mul3A_2900] : memref<512xi32, #tpu.memory_space<vmem>> -> memref<16xi32, #tpu.memory_space<vmem>>
        %dma_start3A_2926 = arith.constant 0 : i32
        %dma_start3A_2927 = arith.constant 0 : i32
        %dma_start3A_2928 = tpu.memref_slice %arg5[%dma_start3A_2926, %dma_start3A_2927] : memref<100000x128xf32, #tpu.memory_space<hbm>> -> memref<100000x128xf32, #tpu.memory_space<hbm>>
        %dma_start3A_2929 = tpu.memref_slice %arg18[%rem3A_2898] : memref<8x!tpu.dma_semaphore, #tpu.memory_space<semaphore_mem>> -> memref<1x!tpu.dma_semaphore, #tpu.memory_space<semaphore_mem>>
        %dma_start3A_2930 = tpu.memref_squeeze %dma_start3A_2929 : memref<1x!tpu.dma_semaphore, #tpu.memory_space<semaphore_mem>> -> memref<!tpu.dma_semaphore, #tpu.memory_space<semaphore_mem>>
        tpu.enqueue_indirect_dma source(%dma_start3A_2928 : memref<100000x128xf32, #tpu.memory_space<hbm>>) target(%dma_start3A_2924 : memref<16x128xf32, #tpu.memory_space<vmem>>) offsets(%dma_start3A_2925 : memref<16xi32, #tpu.memory_space<vmem>>) semaphore(%dma_start3A_2930 : memref<!tpu.dma_semaphore, #tpu.memory_space<semaphore_mem>>)
      } else {
      }
      %dma_wait3A_280 = arith.constant 0 : i32
      %dma_wait3A_281 = arith.constant 0 : i32
      %dma_wait3A_282 = tpu.memref_slice %arg11[%rem3A_274, %dma_wait3A_280, %dma_wait3A_281] : memref<8x16x128xf32, #tpu.memory_space<vmem>> -> memref<1x16x128xf32, #tpu.memory_space<vmem>>
      %dma_wait3A_283 = tpu.memref_squeeze %dma_wait3A_282 : memref<1x16x128xf32, #tpu.memory_space<vmem>> -> memref<16x128xf32, #tpu.memory_space<vmem>>
      %dma_wait3A_284 = arith.constant 0 : i32
      %dma_wait3A_285 = tpu.memref_slice %arg8[%dma_wait3A_284] : memref<512xi32, #tpu.memory_space<vmem>> -> memref<16xi32, #tpu.memory_space<vmem>>
      %dma_wait3A_286 = arith.constant 0 : i32
      %dma_wait3A_287 = arith.constant 0 : i32
      %dma_wait3A_288 = tpu.memref_slice %arg5[%dma_wait3A_286, %dma_wait3A_287] : memref<100000x128xf32, #tpu.memory_space<hbm>> -> memref<100000x128xf32, #tpu.memory_space<hbm>>
      %dma_wait3A_289 = tpu.memref_slice %arg16[%rem3A_274] : memref<8x!tpu.dma_semaphore, #tpu.memory_space<semaphore_mem>> -> memref<1x!tpu.dma_semaphore, #tpu.memory_space<semaphore_mem>>
      %dma_wait3A_290 = tpu.memref_squeeze %dma_wait3A_289 : memref<1x!tpu.dma_semaphore, #tpu.memory_space<semaphore_mem>> -> memref<!tpu.dma_semaphore, #tpu.memory_space<semaphore_mem>>
      tpu.wait_indirect_dma semaphore(%dma_wait3A_290 : memref<!tpu.dma_semaphore, #tpu.memory_space<semaphore_mem>>) src(%dma_wait3A_288 : memref<100000x128xf32, #tpu.memory_space<hbm>>) dst(%dma_wait3A_283 : memref<16x128xf32, #tpu.memory_space<vmem>>)
      %dma_wait3A_291 = arith.constant 0 : i32
      %dma_wait3A_292 = arith.constant 0 : i32
      %dma_wait3A_293 = tpu.memref_slice %arg12[%rem3A_274, %dma_wait3A_291, %dma_wait3A_292] : memref<8x16x128xf32, #tpu.memory_space<vmem>> -> memref<1x16x128xf32, #tpu.memory_space<vmem>>
      %dma_wait3A_294 = tpu.memref_squeeze %dma_wait3A_293 : memref<1x16x128xf32, #tpu.memory_space<vmem>> -> memref<16x128xf32, #tpu.memory_space<vmem>>
      %dma_wait3A_295 = arith.constant 0 : i32
      %dma_wait3A_296 = tpu.memref_slice %arg9[%dma_wait3A_295] : memref<512xi32, #tpu.memory_space<vmem>> -> memref<16xi32, #tpu.memory_space<vmem>>
      %dma_wait3A_297 = arith.constant 0 : i32
      %dma_wait3A_298 = arith.constant 0 : i32
      %dma_wait3A_299 = tpu.memref_slice %arg6[%dma_wait3A_297, %dma_wait3A_298] : memref<100000x128xf32, #tpu.memory_space<hbm>> -> memref<100000x128xf32, #tpu.memory_space<hbm>>
      %dma_wait3A_300 = tpu.memref_slice %arg17[%rem3A_274] : memref<8x!tpu.dma_semaphore, #tpu.memory_space<semaphore_mem>> -> memref<1x!tpu.dma_semaphore, #tpu.memory_space<semaphore_mem>>
      %dma_wait3A_301 = tpu.memref_squeeze %dma_wait3A_300 : memref<1x!tpu.dma_semaphore, #tpu.memory_space<semaphore_mem>> -> memref<!tpu.dma_semaphore, #tpu.memory_space<semaphore_mem>>
      tpu.wait_indirect_dma semaphore(%dma_wait3A_301 : memref<!tpu.dma_semaphore, #tpu.memory_space<semaphore_mem>>) src(%dma_wait3A_299 : memref<100000x128xf32, #tpu.memory_space<hbm>>) dst(%dma_wait3A_294 : memref<16x128xf32, #tpu.memory_space<vmem>>)
      %dma_wait3A_302 = arith.constant 0 : i32
      %dma_wait3A_303 = arith.constant 0 : i32
      %dma_wait3A_304 = tpu.memref_slice %arg13[%rem3A_274, %dma_wait3A_302, %dma_wait3A_303] : memref<8x16x128xf32, #tpu.memory_space<vmem>> -> memref<1x16x128xf32, #tpu.memory_space<vmem>>
      %dma_wait3A_305 = tpu.memref_squeeze %dma_wait3A_304 : memref<1x16x128xf32, #tpu.memory_space<vmem>> -> memref<16x128xf32, #tpu.memory_space<vmem>>
      %dma_wait3A_306 = arith.constant 0 : i32
      %dma_wait3A_307 = tpu.memref_slice %arg10[%dma_wait3A_306] : memref<512xi32, #tpu.memory_space<vmem>> -> memref<16xi32, #tpu.memory_space<vmem>>
      %dma_wait3A_308 = arith.constant 0 : i32
      %dma_wait3A_309 = arith.constant 0 : i32
      %dma_wait3A_310 = tpu.memref_slice %arg5[%dma_wait3A_308, %dma_wait3A_309] : memref<100000x128xf32, #tpu.memory_space<hbm>> -> memref<100000x128xf32, #tpu.memory_space<hbm>>
      %dma_wait3A_311 = tpu.memref_slice %arg18[%rem3A_274] : memref<8x!tpu.dma_semaphore, #tpu.memory_space<semaphore_mem>> -> memref<1x!tpu.dma_semaphore, #tpu.memory_space<semaphore_mem>>
      %dma_wait3A_312 = tpu.memref_squeeze %dma_wait3A_311 : memref<1x!tpu.dma_semaphore, #tpu.memory_space<semaphore_mem>> -> memref<!tpu.dma_semaphore, #tpu.memory_space<semaphore_mem>>
      tpu.wait_indirect_dma semaphore(%dma_wait3A_312 : memref<!tpu.dma_semaphore, #tpu.memory_space<semaphore_mem>>) src(%dma_wait3A_310 : memref<100000x128xf32, #tpu.memory_space<hbm>>) dst(%dma_wait3A_305 : memref<16x128xf32, #tpu.memory_space<vmem>>)
      %get3A = arith.constant 0 : i32
      %get3A_313 = arith.index_cast %rem3A_274 : i32 to index
      %get3A_314 = arith.index_cast %get3A : i32 to index
      %get3A_315 = arith.constant 0 : index
      %get3A_316 = tpu.vector_load %arg11[%get3A_313, %get3A_314, %get3A_315] {strides = array<i32>} : memref<8x16x128xf32, #tpu.memory_space<vmem>>, vector<16xf32>,
      %get3A_317 = arith.constant 0 : i32
      %get3A_318 = arith.index_cast %rem3A_274 : i32 to index
      %get3A_319 = arith.index_cast %get3A_317 : i32 to index
      %get3A_320 = arith.constant 0 : index
      %get3A_321 = tpu.vector_load %arg13[%get3A_318, %get3A_319, %get3A_320] {strides = array<i32>} : memref<8x16x128xf32, #tpu.memory_space<vmem>>, vector<16xf32>,
      %get3A_322 = arith.constant 0 : i32
      %get3A_323 = arith.index_cast %rem3A_274 : i32 to index
      %get3A_324 = arith.index_cast %get3A_322 : i32 to index
      %get3A_325 = arith.constant 0 : index
      %get3A_326 = tpu.vector_load %arg12[%get3A_323, %get3A_324, %get3A_325] {strides = array<i32>} : memref<8x16x128xf32, #tpu.memory_space<vmem>>, vector<16xf32>,
      %sub3A_327 = arith.subf %get3A_326, %get3A_321 : vector<16xf32>
      %add3A_328 = arith.addf %get3A_316, %sub3A_327 : vector<16xf32>
      %abs3A = math.absf %add3A_328 : vector<16xf32>
      %get3A_329 = arith.constant 0 : i32
      %get3A_330 = arith.index_cast %rem3A_274 : i32 to index
      %get3A_331 = arith.index_cast %get3A_329 : i32 to index
      %get3A_332 = arith.constant 16 : index
      %get3A_333 = tpu.vector_load %arg11[%get3A_330, %get3A_331, %get3A_332] {strides = array<i32>} : memref<8x16x128xf32, #tpu.memory_space<vmem>>, vector<16xf32>,
      %get3A_334 = arith.constant 0 : i32
      %get3A_335 = arith.index_cast %rem3A_274 : i32 to index
      %get3A_336 = arith.index_cast %get3A_334 : i32 to index
      %get3A_337 = arith.constant 16 : index
      %get3A_338 = tpu.vector_load %arg13[%get3A_335, %get3A_336, %get3A_337] {strides = array<i32>} : memref<8x16x128xf32, #tpu.memory_space<vmem>>, vector<16xf32>,
      %get3A_339 = arith.constant 0 : i32
      %get3A_340 = arith.index_cast %rem3A_274 : i32 to index
      %get3A_341 = arith.index_cast %get3A_339 : i32 to index
      %get3A_342 = arith.constant 16 : index
      %get3A_343 = tpu.vector_load %arg12[%get3A_340, %get3A_341, %get3A_342] {strides = array<i32>} : memref<8x16x128xf32, #tpu.memory_space<vmem>>, vector<16xf32>,
      %sub3A_344 = arith.subf %get3A_343, %get3A_338 : vector<16xf32>
      %add3A_345 = arith.addf %get3A_333, %sub3A_344 : vector<16xf32>
      %abs3A_346 = math.absf %add3A_345 : vector<16xf32>
      %get3A_347 = arith.constant 0 : i32
      %get3A_348 = arith.index_cast %rem3A_274 : i32 to index
      %get3A_349 = arith.index_cast %get3A_347 : i32 to index
      %get3A_350 = arith.constant 32 : index
      %get3A_351 = tpu.vector_load %arg11[%get3A_348, %get3A_349, %get3A_350] {strides = array<i32>} : memref<8x16x128xf32, #tpu.memory_space<vmem>>, vector<16xf32>,
      %get3A_352 = arith.constant 0 : i32
      %get3A_353 = arith.index_cast %rem3A_274 : i32 to index
      %get3A_354 = arith.index_cast %get3A_352 : i32 to index
      %get3A_355 = arith.constant 32 : index
      %get3A_356 = tpu.vector_load %arg13[%get3A_353, %get3A_354, %get3A_355] {strides = array<i32>} : memref<8x16x128xf32, #tpu.memory_space<vmem>>, vector<16xf32>,
      %get3A_357 = arith.constant 0 : i32
      %get3A_358 = arith.index_cast %rem3A_274 : i32 to index
      %get3A_359 = arith.index_cast %get3A_357 : i32 to index
      %get3A_360 = arith.constant 32 : index
      %get3A_361 = tpu.vector_load %arg12[%get3A_358, %get3A_359, %get3A_360] {strides = array<i32>} : memref<8x16x128xf32, #tpu.memory_space<vmem>>, vector<16xf32>,
      %sub3A_362 = arith.subf %get3A_361, %get3A_356 : vector<16xf32>
      %add3A_363 = arith.addf %get3A_351, %sub3A_362 : vector<16xf32>
      %abs3A_364 = math.absf %add3A_363 : vector<16xf32>
      %get3A_365 = arith.constant 0 : i32
      %get3A_366 = arith.index_cast %rem3A_274 : i32 to index
      %get3A_367 = arith.index_cast %get3A_365 : i32 to index
      %get3A_368 = arith.constant 48 : index
      %get3A_369 = tpu.vector_load %arg11[%get3A_366, %get3A_367, %get3A_368] {strides = array<i32>} : memref<8x16x128xf32, #tpu.memory_space<vmem>>, vector<16xf32>,
      %get3A_370 = arith.constant 0 : i32
      %get3A_371 = arith.index_cast %rem3A_274 : i32 to index
      %get3A_372 = arith.index_cast %get3A_370 : i32 to index
      %get3A_373 = arith.constant 48 : index
      %get3A_374 = tpu.vector_load %arg13[%get3A_371, %get3A_372, %get3A_373] {strides = array<i32>} : memref<8x16x128xf32, #tpu.memory_space<vmem>>, vector<16xf32>,
      %get3A_375 = arith.constant 0 : i32
      %get3A_376 = arith.index_cast %rem3A_274 : i32 to index
      %get3A_377 = arith.index_cast %get3A_375 : i32 to index
      %get3A_378 = arith.constant 48 : index
      %get3A_379 = tpu.vector_load %arg12[%get3A_376, %get3A_377, %get3A_378] {strides = array<i32>} : memref<8x16x128xf32, #tpu.memory_space<vmem>>, vector<16xf32>,
      %sub3A_380 = arith.subf %get3A_379, %get3A_374 : vector<16xf32>
      %add3A_381 = arith.addf %get3A_369, %sub3A_380 : vector<16xf32>
      %abs3A_382 = math.absf %add3A_381 : vector<16xf32>
      %get3A_383 = arith.constant 0 : i32
      %get3A_384 = arith.index_cast %rem3A_274 : i32 to index
      %get3A_385 = arith.index_cast %get3A_383 : i32 to index
      %get3A_386 = arith.constant 64 : index
      %get3A_387 = tpu.vector_load %arg11[%get3A_384, %get3A_385, %get3A_386] {strides = array<i32>} : memref<8x16x128xf32, #tpu.memory_space<vmem>>, vector<16xf32>,
      %get3A_388 = arith.constant 0 : i32
      %get3A_389 = arith.index_cast %rem3A_274 : i32 to index
      %get3A_390 = arith.index_cast %get3A_388 : i32 to index
      %get3A_391 = arith.constant 64 : index
      %get3A_392 = tpu.vector_load %arg13[%get3A_389, %get3A_390, %get3A_391] {strides = array<i32>} : memref<8x16x128xf32, #tpu.memory_space<vmem>>, vector<16xf32>,
      %get3A_393 = arith.constant 0 : i32
      %get3A_394 = arith.index_cast %rem3A_274 : i32 to index
      %get3A_395 = arith.index_cast %get3A_393 : i32 to index
      %get3A_396 = arith.constant 64 : index
      %get3A_397 = tpu.vector_load %arg12[%get3A_394, %get3A_395, %get3A_396] {strides = array<i32>} : memref<8x16x128xf32, #tpu.memory_space<vmem>>, vector<16xf32>,
      %sub3A_398 = arith.subf %get3A_397, %get3A_392 : vector<16xf32>
      %add3A_399 = arith.addf %get3A_387, %sub3A_398 : vector<16xf32>
      %abs3A_400 = math.absf %add3A_399 : vector<16xf32>
      %get3A_401 = arith.constant 0 : i32
      %get3A_402 = arith.index_cast %rem3A_274 : i32 to index
      %get3A_403 = arith.index_cast %get3A_401 : i32 to index
      %get3A_404 = arith.constant 80 : index
      %get3A_405 = tpu.vector_load %arg11[%get3A_402, %get3A_403, %get3A_404] {strides = array<i32>} : memref<8x16x128xf32, #tpu.memory_space<vmem>>, vector<16xf32>,
      %get3A_406 = arith.constant 0 : i32
      %get3A_407 = arith.index_cast %rem3A_274 : i32 to index
      %get3A_408 = arith.index_cast %get3A_406 : i32 to index
      %get3A_409 = arith.constant 80 : index
      %get3A_410 = tpu.vector_load %arg13[%get3A_407, %get3A_408, %get3A_409] {strides = array<i32>} : memref<8x16x128xf32, #tpu.memory_space<vmem>>, vector<16xf32>,
      %get3A_411 = arith.constant 0 : i32
      %get3A_412 = arith.index_cast %rem3A_274 : i32 to index
      %get3A_413 = arith.index_cast %get3A_411 : i32 to index
      %get3A_414 = arith.constant 80 : index
      %get3A_415 = tpu.vector_load %arg12[%get3A_412, %get3A_413, %get3A_414] {strides = array<i32>} : memref<8x16x128xf32, #tpu.memory_space<vmem>>, vector<16xf32>,
      %sub3A_416 = arith.subf %get3A_415, %get3A_410 : vector<16xf32>
      %add3A_417 = arith.addf %get3A_405, %sub3A_416 : vector<16xf32>
      %abs3A_418 = math.absf %add3A_417 : vector<16xf32>
      %get3A_419 = arith.constant 0 : i32
      %get3A_420 = arith.index_cast %rem3A_274 : i32 to index
      %get3A_421 = arith.index_cast %get3A_419 : i32 to index
      %get3A_422 = arith.constant 96 : index
      %get3A_423 = tpu.vector_load %arg11[%get3A_420, %get3A_421, %get3A_422] {strides = array<i32>} : memref<8x16x128xf32, #tpu.memory_space<vmem>>, vector<16xf32>,
      %get3A_424 = arith.constant 0 : i32
      %get3A_425 = arith.index_cast %rem3A_274 : i32 to index
      %get3A_426 = arith.index_cast %get3A_424 : i32 to index
      %get3A_427 = arith.constant 96 : index
      %get3A_428 = tpu.vector_load %arg13[%get3A_425, %get3A_426, %get3A_427] {strides = array<i32>} : memref<8x16x128xf32, #tpu.memory_space<vmem>>, vector<16xf32>,
      %get3A_429 = arith.constant 0 : i32
      %get3A_430 = arith.index_cast %rem3A_274 : i32 to index
      %get3A_431 = arith.index_cast %get3A_429 : i32 to index
      %get3A_432 = arith.constant 96 : index
      %get3A_433 = tpu.vector_load %arg12[%get3A_430, %get3A_431, %get3A_432] {strides = array<i32>} : memref<8x16x128xf32, #tpu.memory_space<vmem>>, vector<16xf32>,
      %sub3A_434 = arith.subf %get3A_433, %get3A_428 : vector<16xf32>
      %add3A_435 = arith.addf %get3A_423, %sub3A_434 : vector<16xf32>
      %abs3A_436 = math.absf %add3A_435 : vector<16xf32>
      %get3A_437 = arith.constant 0 : i32
      %get3A_438 = arith.index_cast %rem3A_274 : i32 to index
      %get3A_439 = arith.index_cast %get3A_437 : i32 to index
      %get3A_440 = arith.constant 112 : index
      %get3A_441 = tpu.vector_load %arg11[%get3A_438, %get3A_439, %get3A_440] {strides = array<i32>} : memref<8x16x128xf32, #tpu.memory_space<vmem>>, vector<16xf32>,
      %get3A_442 = arith.constant 0 : i32
      %get3A_443 = arith.index_cast %rem3A_274 : i32 to index
      %get3A_444 = arith.index_cast %get3A_442 : i32 to index
      %get3A_445 = arith.constant 112 : index
      %get3A_446 = tpu.vector_load %arg13[%get3A_443, %get3A_444, %get3A_445] {strides = array<i32>} : memref<8x16x128xf32, #tpu.memory_space<vmem>>, vector<16xf32>,
      %get3A_447 = arith.constant 0 : i32
      %get3A_448 = arith.index_cast %rem3A_274 : i32 to index
      %get3A_449 = arith.index_cast %get3A_447 : i32 to index
      %get3A_450 = arith.constant 112 : index
      %get3A_451 = tpu.vector_load %arg12[%get3A_448, %get3A_449, %get3A_450] {strides = array<i32>} : memref<8x16x128xf32, #tpu.memory_space<vmem>>, vector<16xf32>,
      %sub3A_452 = arith.subf %get3A_451, %get3A_446 : vector<16xf32>
      %add3A_453 = arith.addf %get3A_441, %sub3A_452 : vector<16xf32>
      %abs3A_454 = math.absf %add3A_453 : vector<16xf32>
      %add3A_455 = arith.addf %abs3A, %abs3A_346 : vector<16xf32>
      %add3A_456 = arith.addf %abs3A_364, %abs3A_382 : vector<16xf32>
      %add3A_457 = arith.addf %abs3A_400, %abs3A_418 : vector<16xf32>
      %add3A_458 = arith.addf %abs3A_436, %abs3A_454 : vector<16xf32>
      %add3A_459 = arith.addf %add3A_455, %add3A_456 : vector<16xf32>
      %add3A_460 = arith.addf %add3A_457, %add3A_458 : vector<16xf32>
      %add3A_461 = arith.addf %add3A_459, %add3A_460 : vector<16xf32>
      %swap3A = arith.constant 0 : index
      %swap3A_462 = tpu.vector_load %arg14[%swap3A] {strides = array<i32>} : memref<256xf32, #tpu.memory_space<vmem>>, vector<16xf32>,
      tpu.vector_store %arg14[%swap3A], %add3A_461 {strides = array<i32>} : memref<256xf32, #tpu.memory_space<vmem>>, vector<16xf32>,
      %get3A_463 = arith.constant 1 : i32
      %get3A_464 = arith.index_cast %rem3A_274 : i32 to index
      %get3A_465 = arith.index_cast %get3A_463 : i32 to index
      %get3A_466 = arith.constant 0 : index
      %get3A_467 = tpu.vector_load %arg11[%get3A_464, %get3A_465, %get3A_466] {strides = array<i32>} : memref<8x16x128xf32, #tpu.memory_space<vmem>>, vector<16xf32>,
      %get3A_468 = arith.constant 1 : i32
      %get3A_469 = arith.index_cast %rem3A_274 : i32 to index
      %get3A_470 = arith.index_cast %get3A_468 : i32 to index
      %get3A_471 = arith.constant 0 : index
      %get3A_472 = tpu.vector_load %arg13[%get3A_469, %get3A_470, %get3A_471] {strides = array<i32>} : memref<8x16x128xf32, #tpu.memory_space<vmem>>, vector<16xf32>,
      %get3A_473 = arith.constant 1 : i32
      %get3A_474 = arith.index_cast %rem3A_274 : i32 to index
      %get3A_475 = arith.index_cast %get3A_473 : i32 to index
      %get3A_476 = arith.constant 0 : index
      %get3A_477 = tpu.vector_load %arg12[%get3A_474, %get3A_475, %get3A_476] {strides = array<i32>} : memref<8x16x128xf32, #tpu.memory_space<vmem>>, vector<16xf32>,
      %sub3A_478 = arith.subf %get3A_477, %get3A_472 : vector<16xf32>
      %add3A_479 = arith.addf %get3A_467, %sub3A_478 : vector<16xf32>
      %abs3A_480 = math.absf %add3A_479 : vector<16xf32>
      %get3A_481 = arith.constant 1 : i32
      %get3A_482 = arith.index_cast %rem3A_274 : i32 to index
      %get3A_483 = arith.index_cast %get3A_481 : i32 to index
      %get3A_484 = arith.constant 16 : index
      %get3A_485 = tpu.vector_load %arg11[%get3A_482, %get3A_483, %get3A_484] {strides = array<i32>} : memref<8x16x128xf32, #tpu.memory_space<vmem>>, vector<16xf32>,
      %get3A_486 = arith.constant 1 : i32
      %get3A_487 = arith.index_cast %rem3A_274 : i32 to index
      %get3A_488 = arith.index_cast %get3A_486 : i32 to index
      %get3A_489 = arith.constant 16 : index
      %get3A_490 = tpu.vector_load %arg13[%get3A_487, %get3A_488, %get3A_489] {strides = array<i32>} : memref<8x16x128xf32, #tpu.memory_space<vmem>>, vector<16xf32>,
      %get3A_491 = arith.constant 1 : i32
      %get3A_492 = arith.index_cast %rem3A_274 : i32 to index
      %get3A_493 = arith.index_cast %get3A_491 : i32 to index
      %get3A_494 = arith.constant 16 : index
      %get3A_495 = tpu.vector_load %arg12[%get3A_492, %get3A_493, %get3A_494] {strides = array<i32>} : memref<8x16x128xf32, #tpu.memory_space<vmem>>, vector<16xf32>,
      %sub3A_496 = arith.subf %get3A_495, %get3A_490 : vector<16xf32>
      %add3A_497 = arith.addf %get3A_485, %sub3A_496 : vector<16xf32>
      %abs3A_498 = math.absf %add3A_497 : vector<16xf32>
      %get3A_499 = arith.constant 1 : i32
      %get3A_500 = arith.index_cast %rem3A_274 : i32 to index
      %get3A_501 = arith.index_cast %get3A_499 : i32 to index
      %get3A_502 = arith.constant 32 : index
      %get3A_503 = tpu.vector_load %arg11[%get3A_500, %get3A_501, %get3A_502] {strides = array<i32>} : memref<8x16x128xf32, #tpu.memory_space<vmem>>, vector<16xf32>,
      %get3A_504 = arith.constant 1 : i32
      %get3A_505 = arith.index_cast %rem3A_274 : i32 to index
      %get3A_506 = arith.index_cast %get3A_504 : i32 to index
      %get3A_507 = arith.constant 32 : index
      %get3A_508 = tpu.vector_load %arg13[%get3A_505, %get3A_506, %get3A_507] {strides = array<i32>} : memref<8x16x128xf32, #tpu.memory_space<vmem>>, vector<16xf32>,
      %get3A_509 = arith.constant 1 : i32
      %get3A_510 = arith.index_cast %rem3A_274 : i32 to index
      %get3A_511 = arith.index_cast %get3A_509 : i32 to index
      %get3A_512 = arith.constant 32 : index
      %get3A_513 = tpu.vector_load %arg12[%get3A_510, %get3A_511, %get3A_512] {strides = array<i32>} : memref<8x16x128xf32, #tpu.memory_space<vmem>>, vector<16xf32>,
      %sub3A_514 = arith.subf %get3A_513, %get3A_508 : vector<16xf32>
      %add3A_515 = arith.addf %get3A_503, %sub3A_514 : vector<16xf32>
      %abs3A_516 = math.absf %add3A_515 : vector<16xf32>
      %get3A_517 = arith.constant 1 : i32
      %get3A_518 = arith.index_cast %rem3A_274 : i32 to index
      %get3A_519 = arith.index_cast %get3A_517 : i32 to index
      %get3A_520 = arith.constant 48 : index
      %get3A_521 = tpu.vector_load %arg11[%get3A_518, %get3A_519, %get3A_520] {strides = array<i32>} : memref<8x16x128xf32, #tpu.memory_space<vmem>>, vector<16xf32>,
      %get3A_522 = arith.constant 1 : i32
      %get3A_523 = arith.index_cast %rem3A_274 : i32 to index
      %get3A_524 = arith.index_cast %get3A_522 : i32 to index
      %get3A_525 = arith.constant 48 : index
      %get3A_526 = tpu.vector_load %arg13[%get3A_523, %get3A_524, %get3A_525] {strides = array<i32>} : memref<8x16x128xf32, #tpu.memory_space<vmem>>, vector<16xf32>,
      %get3A_527 = arith.constant 1 : i32
      %get3A_528 = arith.index_cast %rem3A_274 : i32 to index
      %get3A_529 = arith.index_cast %get3A_527 : i32 to index
      %get3A_530 = arith.constant 48 : index
      %get3A_531 = tpu.vector_load %arg12[%get3A_528, %get3A_529, %get3A_530] {strides = array<i32>} : memref<8x16x128xf32, #tpu.memory_space<vmem>>, vector<16xf32>,
      %sub3A_532 = arith.subf %get3A_531, %get3A_526 : vector<16xf32>
      %add3A_533 = arith.addf %get3A_521, %sub3A_532 : vector<16xf32>
      %abs3A_534 = math.absf %add3A_533 : vector<16xf32>
      %get3A_535 = arith.constant 1 : i32
      %get3A_536 = arith.index_cast %rem3A_274 : i32 to index
      %get3A_537 = arith.index_cast %get3A_535 : i32 to index
      %get3A_538 = arith.constant 64 : index
      %get3A_539 = tpu.vector_load %arg11[%get3A_536, %get3A_537, %get3A_538] {strides = array<i32>} : memref<8x16x128xf32, #tpu.memory_space<vmem>>, vector<16xf32>,
      %get3A_540 = arith.constant 1 : i32
      %get3A_541 = arith.index_cast %rem3A_274 : i32 to index
      %get3A_542 = arith.index_cast %get3A_540 : i32 to index
      %get3A_543 = arith.constant 64 : index
      %get3A_544 = tpu.vector_load %arg13[%get3A_541, %get3A_542, %get3A_543] {strides = array<i32>} : memref<8x16x128xf32, #tpu.memory_space<vmem>>, vector<16xf32>,
      %get3A_545 = arith.constant 1 : i32
      %get3A_546 = arith.index_cast %rem3A_274 : i32 to index
      %get3A_547 = arith.index_cast %get3A_545 : i32 to index
      %get3A_548 = arith.constant 64 : index
      %get3A_549 = tpu.vector_load %arg12[%get3A_546, %get3A_547, %get3A_548] {strides = array<i32>} : memref<8x16x128xf32, #tpu.memory_space<vmem>>, vector<16xf32>,
      %sub3A_550 = arith.subf %get3A_549, %get3A_544 : vector<16xf32>
      %add3A_551 = arith.addf %get3A_539, %sub3A_550 : vector<16xf32>
      %abs3A_552 = math.absf %add3A_551 : vector<16xf32>
      %get3A_553 = arith.constant 1 : i32
      %get3A_554 = arith.index_cast %rem3A_274 : i32 to index
      %get3A_555 = arith.index_cast %get3A_553 : i32 to index
      %get3A_556 = arith.constant 80 : index
      %get3A_557 = tpu.vector_load %arg11[%get3A_554, %get3A_555, %get3A_556] {strides = array<i32>} : memref<8x16x128xf32, #tpu.memory_space<vmem>>, vector<16xf32>,
      %get3A_558 = arith.constant 1 : i32
      %get3A_559 = arith.index_cast %rem3A_274 : i32 to index
      %get3A_560 = arith.index_cast %get3A_558 : i32 to index
      %get3A_561 = arith.constant 80 : index
      %get3A_562 = tpu.vector_load %arg13[%get3A_559, %get3A_560, %get3A_561] {strides = array<i32>} : memref<8x16x128xf32, #tpu.memory_space<vmem>>, vector<16xf32>,
      %get3A_563 = arith.constant 1 : i32
      %get3A_564 = arith.index_cast %rem3A_274 : i32 to index
      %get3A_565 = arith.index_cast %get3A_563 : i32 to index
      %get3A_566 = arith.constant 80 : index
      %get3A_567 = tpu.vector_load %arg12[%get3A_564, %get3A_565, %get3A_566] {strides = array<i32>} : memref<8x16x128xf32, #tpu.memory_space<vmem>>, vector<16xf32>,
      %sub3A_568 = arith.subf %get3A_567, %get3A_562 : vector<16xf32>
      %add3A_569 = arith.addf %get3A_557, %sub3A_568 : vector<16xf32>
      %abs3A_570 = math.absf %add3A_569 : vector<16xf32>
      %get3A_571 = arith.constant 1 : i32
      %get3A_572 = arith.index_cast %rem3A_274 : i32 to index
      %get3A_573 = arith.index_cast %get3A_571 : i32 to index
      %get3A_574 = arith.constant 96 : index
      %get3A_575 = tpu.vector_load %arg11[%get3A_572, %get3A_573, %get3A_574] {strides = array<i32>} : memref<8x16x128xf32, #tpu.memory_space<vmem>>, vector<16xf32>,
      %get3A_576 = arith.constant 1 : i32
      %get3A_577 = arith.index_cast %rem3A_274 : i32 to index
      %get3A_578 = arith.index_cast %get3A_576 : i32 to index
      %get3A_579 = arith.constant 96 : index
      %get3A_580 = tpu.vector_load %arg13[%get3A_577, %get3A_578, %get3A_579] {strides = array<i32>} : memref<8x16x128xf32, #tpu.memory_space<vmem>>, vector<16xf32>,
      %get3A_581 = arith.constant 1 : i32
      %get3A_582 = arith.index_cast %rem3A_274 : i32 to index
      %get3A_583 = arith.index_cast %get3A_581 : i32 to index
      %get3A_584 = arith.constant 96 : index
      %get3A_585 = tpu.vector_load %arg12[%get3A_582, %get3A_583, %get3A_584] {strides = array<i32>} : memref<8x16x128xf32, #tpu.memory_space<vmem>>, vector<16xf32>,
      %sub3A_586 = arith.subf %get3A_585, %get3A_580 : vector<16xf32>
      %add3A_587 = arith.addf %get3A_575, %sub3A_586 : vector<16xf32>
      %abs3A_588 = math.absf %add3A_587 : vector<16xf32>
      %get3A_589 = arith.constant 1 : i32
      %get3A_590 = arith.index_cast %rem3A_274 : i32 to index
      %get3A_591 = arith.index_cast %get3A_589 : i32 to index
      %get3A_592 = arith.constant 112 : index
      %get3A_593 = tpu.vector_load %arg11[%get3A_590, %get3A_591, %get3A_592] {strides = array<i32>} : memref<8x16x128xf32, #tpu.memory_space<vmem>>, vector<16xf32>,
      %get3A_594 = arith.constant 1 : i32
      %get3A_595 = arith.index_cast %rem3A_274 : i32 to index
      %get3A_596 = arith.index_cast %get3A_594 : i32 to index
      %get3A_597 = arith.constant 112 : index
      %get3A_598 = tpu.vector_load %arg13[%get3A_595, %get3A_596, %get3A_597] {strides = array<i32>} : memref<8x16x128xf32, #tpu.memory_space<vmem>>, vector<16xf32>,
      %get3A_599 = arith.constant 1 : i32
      %get3A_600 = arith.index_cast %rem3A_274 : i32 to index
      %get3A_601 = arith.index_cast %get3A_599 : i32 to index
      %get3A_602 = arith.constant 112 : index
      %get3A_603 = tpu.vector_load %arg12[%get3A_600, %get3A_601, %get3A_602] {strides = array<i32>} : memref<8x16x128xf32, #tpu.memory_space<vmem>>, vector<16xf32>,
      %sub3A_604 = arith.subf %get3A_603, %get3A_598 : vector<16xf32>
      %add3A_605 = arith.addf %get3A_593, %sub3A_604 : vector<16xf32>
      %abs3A_606 = math.absf %add3A_605 : vector<16xf32>
      %add3A_607 = arith.addf %abs3A_480, %abs3A_498 : vector<16xf32>
      %add3A_608 = arith.addf %abs3A_516, %abs3A_534 : vector<16xf32>
      %add3A_609 = arith.addf %abs3A_552, %abs3A_570 : vector<16xf32>
      %add3A_610 = arith.addf %abs3A_588, %abs3A_606 : vector<16xf32>
      %add3A_611 = arith.addf %add3A_607, %add3A_608 : vector<16xf32>
      %add3A_612 = arith.addf %add3A_609, %add3A_610 : vector<16xf32>
      %add3A_613 = arith.addf %add3A_611, %add3A_612 : vector<16xf32>
      %swap3A_614 = arith.constant 16 : index
      %swap3A_615 = tpu.vector_load %arg14[%swap3A_614] {strides = array<i32>} : memref<256xf32, #tpu.memory_space<vmem>>, vector<16xf32>,
      tpu.vector_store %arg14[%swap3A_614], %add3A_613 {strides = array<i32>} : memref<256xf32, #tpu.memory_space<vmem>>, vector<16xf32>,
      %get3A_616 = arith.constant 2 : i32
      %get3A_617 = arith.index_cast %rem3A_274 : i32 to index
      %get3A_618 = arith.index_cast %get3A_616 : i32 to index
      %get3A_619 = arith.constant 0 : index
      %get3A_620 = tpu.vector_load %arg11[%get3A_617, %get3A_618, %get3A_619] {strides = array<i32>} : memref<8x16x128xf32, #tpu.memory_space<vmem>>, vector<16xf32>,
      %get3A_621 = arith.constant 2 : i32
      %get3A_622 = arith.index_cast %rem3A_274 : i32 to index
      %get3A_623 = arith.index_cast %get3A_621 : i32 to index
      %get3A_624 = arith.constant 0 : index
      %get3A_625 = tpu.vector_load %arg13[%get3A_622, %get3A_623, %get3A_624] {strides = array<i32>} : memref<8x16x128xf32, #tpu.memory_space<vmem>>, vector<16xf32>,
      %get3A_626 = arith.constant 2 : i32
      %get3A_627 = arith.index_cast %rem3A_274 : i32 to index
      %get3A_628 = arith.index_cast %get3A_626 : i32 to index
      %get3A_629 = arith.constant 0 : index
      %get3A_630 = tpu.vector_load %arg12[%get3A_627, %get3A_628, %get3A_629] {strides = array<i32>} : memref<8x16x128xf32, #tpu.memory_space<vmem>>, vector<16xf32>,
      %sub3A_631 = arith.subf %get3A_630, %get3A_625 : vector<16xf32>
      %add3A_632 = arith.addf %get3A_620, %sub3A_631 : vector<16xf32>
      %abs3A_633 = math.absf %add3A_632 : vector<16xf32>
      %get3A_634 = arith.constant 2 : i32
      %get3A_635 = arith.index_cast %rem3A_274 : i32 to index
      %get3A_636 = arith.index_cast %get3A_634 : i32 to index
      %get3A_637 = arith.constant 16 : index
      %get3A_638 = tpu.vector_load %arg11[%get3A_635, %get3A_636, %get3A_637] {strides = array<i32>} : memref<8x16x128xf32, #tpu.memory_space<vmem>>, vector<16xf32>,
      %get3A_639 = arith.constant 2 : i32
      %get3A_640 = arith.index_cast %rem3A_274 : i32 to index
      %get3A_641 = arith.index_cast %get3A_639 : i32 to index
      %get3A_642 = arith.constant 16 : index
      %get3A_643 = tpu.vector_load %arg13[%get3A_640, %get3A_641, %get3A_642] {strides = array<i32>} : memref<8x16x128xf32, #tpu.memory_space<vmem>>, vector<16xf32>,
      %get3A_644 = arith.constant 2 : i32
      %get3A_645 = arith.index_cast %rem3A_274 : i32 to index
      %get3A_646 = arith.index_cast %get3A_644 : i32 to index
      %get3A_647 = arith.constant 16 : index
      %get3A_648 = tpu.vector_load %arg12[%get3A_645, %get3A_646, %get3A_647] {strides = array<i32>} : memref<8x16x128xf32, #tpu.memory_space<vmem>>, vector<16xf32>,
      %sub3A_649 = arith.subf %get3A_648, %get3A_643 : vector<16xf32>
      %add3A_650 = arith.addf %get3A_638, %sub3A_649 : vector<16xf32>
      %abs3A_651 = math.absf %add3A_650 : vector<16xf32>
      %get3A_652 = arith.constant 2 : i32
      %get3A_653 = arith.index_cast %rem3A_274 : i32 to index
      %get3A_654 = arith.index_cast %get3A_652 : i32 to index
      %get3A_655 = arith.constant 32 : index
      %get3A_656 = tpu.vector_load %arg11[%get3A_653, %get3A_654, %get3A_655] {strides = array<i32>} : memref<8x16x128xf32, #tpu.memory_space<vmem>>, vector<16xf32>,
      %get3A_657 = arith.constant 2 : i32
      %get3A_658 = arith.index_cast %rem3A_274 : i32 to index
      %get3A_659 = arith.index_cast %get3A_657 : i32 to index
      %get3A_660 = arith.constant 32 : index
      %get3A_661 = tpu.vector_load %arg13[%get3A_658, %get3A_659, %get3A_660] {strides = array<i32>} : memref<8x16x128xf32, #tpu.memory_space<vmem>>, vector<16xf32>,
      %get3A_662 = arith.constant 2 : i32
      %get3A_663 = arith.index_cast %rem3A_274 : i32 to index
      %get3A_664 = arith.index_cast %get3A_662 : i32 to index
      %get3A_665 = arith.constant 32 : index
      %get3A_666 = tpu.vector_load %arg12[%get3A_663, %get3A_664, %get3A_665] {strides = array<i32>} : memref<8x16x128xf32, #tpu.memory_space<vmem>>, vector<16xf32>,
      %sub3A_667 = arith.subf %get3A_666, %get3A_661 : vector<16xf32>
      %add3A_668 = arith.addf %get3A_656, %sub3A_667 : vector<16xf32>
      %abs3A_669 = math.absf %add3A_668 : vector<16xf32>
      %get3A_670 = arith.constant 2 : i32
      %get3A_671 = arith.index_cast %rem3A_274 : i32 to index
      %get3A_672 = arith.index_cast %get3A_670 : i32 to index
      %get3A_673 = arith.constant 48 : index
      %get3A_674 = tpu.vector_load %arg11[%get3A_671, %get3A_672, %get3A_673] {strides = array<i32>} : memref<8x16x128xf32, #tpu.memory_space<vmem>>, vector<16xf32>,
      %get3A_675 = arith.constant 2 : i32
      %get3A_676 = arith.index_cast %rem3A_274 : i32 to index
      %get3A_677 = arith.index_cast %get3A_675 : i32 to index
      %get3A_678 = arith.constant 48 : index
      %get3A_679 = tpu.vector_load %arg13[%get3A_676, %get3A_677, %get3A_678] {strides = array<i32>} : memref<8x16x128xf32, #tpu.memory_space<vmem>>, vector<16xf32>,
      %get3A_680 = arith.constant 2 : i32
      %get3A_681 = arith.index_cast %rem3A_274 : i32 to index
      %get3A_682 = arith.index_cast %get3A_680 : i32 to index
      %get3A_683 = arith.constant 48 : index
      %get3A_684 = tpu.vector_load %arg12[%get3A_681, %get3A_682, %get3A_683] {strides = array<i32>} : memref<8x16x128xf32, #tpu.memory_space<vmem>>, vector<16xf32>,
      %sub3A_685 = arith.subf %get3A_684, %get3A_679 : vector<16xf32>
      %add3A_686 = arith.addf %get3A_674, %sub3A_685 : vector<16xf32>
      %abs3A_687 = math.absf %add3A_686 : vector<16xf32>
      %get3A_688 = arith.constant 2 : i32
      %get3A_689 = arith.index_cast %rem3A_274 : i32 to index
      %get3A_690 = arith.index_cast %get3A_688 : i32 to index
      %get3A_691 = arith.constant 64 : index
      %get3A_692 = tpu.vector_load %arg11[%get3A_689, %get3A_690, %get3A_691] {strides = array<i32>} : memref<8x16x128xf32, #tpu.memory_space<vmem>>, vector<16xf32>,
      %get3A_693 = arith.constant 2 : i32
      %get3A_694 = arith.index_cast %rem3A_274 : i32 to index
      %get3A_695 = arith.index_cast %get3A_693 : i32 to index
      %get3A_696 = arith.constant 64 : index
      %get3A_697 = tpu.vector_load %arg13[%get3A_694, %get3A_695, %get3A_696] {strides = array<i32>} : memref<8x16x128xf32, #tpu.memory_space<vmem>>, vector<16xf32>,
      %get3A_698 = arith.constant 2 : i32
      %get3A_699 = arith.index_cast %rem3A_274 : i32 to index
      %get3A_700 = arith.index_cast %get3A_698 : i32 to index
      %get3A_701 = arith.constant 64 : index
      %get3A_702 = tpu.vector_load %arg12[%get3A_699, %get3A_700, %get3A_701] {strides = array<i32>} : memref<8x16x128xf32, #tpu.memory_space<vmem>>, vector<16xf32>,
      %sub3A_703 = arith.subf %get3A_702, %get3A_697 : vector<16xf32>
      %add3A_704 = arith.addf %get3A_692, %sub3A_703 : vector<16xf32>
      %abs3A_705 = math.absf %add3A_704 : vector<16xf32>
      %get3A_706 = arith.constant 2 : i32
      %get3A_707 = arith.index_cast %rem3A_274 : i32 to index
      %get3A_708 = arith.index_cast %get3A_706 : i32 to index
      %get3A_709 = arith.constant 80 : index
      %get3A_710 = tpu.vector_load %arg11[%get3A_707, %get3A_708, %get3A_709] {strides = array<i32>} : memref<8x16x128xf32, #tpu.memory_space<vmem>>, vector<16xf32>,
      %get3A_711 = arith.constant 2 : i32
      %get3A_712 = arith.index_cast %rem3A_274 : i32 to index
      %get3A_713 = arith.index_cast %get3A_711 : i32 to index
      %get3A_714 = arith.constant 80 : index
      %get3A_715 = tpu.vector_load %arg13[%get3A_712, %get3A_713, %get3A_714] {strides = array<i32>} : memref<8x16x128xf32, #tpu.memory_space<vmem>>, vector<16xf32>,
      %get3A_716 = arith.constant 2 : i32
      %get3A_717 = arith.index_cast %rem3A_274 : i32 to index
      %get3A_718 = arith.index_cast %get3A_716 : i32 to index
      %get3A_719 = arith.constant 80 : index
      %get3A_720 = tpu.vector_load %arg12[%get3A_717, %get3A_718, %get3A_719] {strides = array<i32>} : memref<8x16x128xf32, #tpu.memory_space<vmem>>, vector<16xf32>,
      %sub3A_721 = arith.subf %get3A_720, %get3A_715 : vector<16xf32>
      %add3A_722 = arith.addf %get3A_710, %sub3A_721 : vector<16xf32>
      %abs3A_723 = math.absf %add3A_722 : vector<16xf32>
      %get3A_724 = arith.constant 2 : i32
      %get3A_725 = arith.index_cast %rem3A_274 : i32 to index
      %get3A_726 = arith.index_cast %get3A_724 : i32 to index
      %get3A_727 = arith.constant 96 : index
      %get3A_728 = tpu.vector_load %arg11[%get3A_725, %get3A_726, %get3A_727] {strides = array<i32>} : memref<8x16x128xf32, #tpu.memory_space<vmem>>, vector<16xf32>,
      %get3A_729 = arith.constant 2 : i32
      %get3A_730 = arith.index_cast %rem3A_274 : i32 to index
      %get3A_731 = arith.index_cast %get3A_729 : i32 to index
      %get3A_732 = arith.constant 96 : index
      %get3A_733 = tpu.vector_load %arg13[%get3A_730, %get3A_731, %get3A_732] {strides = array<i32>} : memref<8x16x128xf32, #tpu.memory_space<vmem>>, vector<16xf32>,
      %get3A_734 = arith.constant 2 : i32
      %get3A_735 = arith.index_cast %rem3A_274 : i32 to index
      %get3A_736 = arith.index_cast %get3A_734 : i32 to index
      %get3A_737 = arith.constant 96 : index
      %get3A_738 = tpu.vector_load %arg12[%get3A_735, %get3A_736, %get3A_737] {strides = array<i32>} : memref<8x16x128xf32, #tpu.memory_space<vmem>>, vector<16xf32>,
      %sub3A_739 = arith.subf %get3A_738, %get3A_733 : vector<16xf32>
      %add3A_740 = arith.addf %get3A_728, %sub3A_739 : vector<16xf32>
      %abs3A_741 = math.absf %add3A_740 : vector<16xf32>
      %get3A_742 = arith.constant 2 : i32
      %get3A_743 = arith.index_cast %rem3A_274 : i32 to index
      %get3A_744 = arith.index_cast %get3A_742 : i32 to index
      %get3A_745 = arith.constant 112 : index
      %get3A_746 = tpu.vector_load %arg11[%get3A_743, %get3A_744, %get3A_745] {strides = array<i32>} : memref<8x16x128xf32, #tpu.memory_space<vmem>>, vector<16xf32>,
      %get3A_747 = arith.constant 2 : i32
      %get3A_748 = arith.index_cast %rem3A_274 : i32 to index
      %get3A_749 = arith.index_cast %get3A_747 : i32 to index
      %get3A_750 = arith.constant 112 : index
      %get3A_751 = tpu.vector_load %arg13[%get3A_748, %get3A_749, %get3A_750] {strides = array<i32>} : memref<8x16x128xf32, #tpu.memory_space<vmem>>, vector<16xf32>,
      %get3A_752 = arith.constant 2 : i32
      %get3A_753 = arith.index_cast %rem3A_274 : i32 to index
      %get3A_754 = arith.index_cast %get3A_752 : i32 to index
      %get3A_755 = arith.constant 112 : index
      %get3A_756 = tpu.vector_load %arg12[%get3A_753, %get3A_754, %get3A_755] {strides = array<i32>} : memref<8x16x128xf32, #tpu.memory_space<vmem>>, vector<16xf32>,
      %sub3A_757 = arith.subf %get3A_756, %get3A_751 : vector<16xf32>
      %add3A_758 = arith.addf %get3A_746, %sub3A_757 : vector<16xf32>
      %abs3A_759 = math.absf %add3A_758 : vector<16xf32>
      %add3A_760 = arith.addf %abs3A_633, %abs3A_651 : vector<16xf32>
      %add3A_761 = arith.addf %abs3A_669, %abs3A_687 : vector<16xf32>
      %add3A_762 = arith.addf %abs3A_705, %abs3A_723 : vector<16xf32>
      %add3A_763 = arith.addf %abs3A_741, %abs3A_759 : vector<16xf32>
      %add3A_764 = arith.addf %add3A_760, %add3A_761 : vector<16xf32>
      %add3A_765 = arith.addf %add3A_762, %add3A_763 : vector<16xf32>
      %add3A_766 = arith.addf %add3A_764, %add3A_765 : vector<16xf32>
      %swap3A_767 = arith.constant 32 : index
      %swap3A_768 = tpu.vector_load %arg14[%swap3A_767] {strides = array<i32>} : memref<256xf32, #tpu.memory_space<vmem>>, vector<16xf32>,
      tpu.vector_store %arg14[%swap3A_767], %add3A_766 {strides = array<i32>} : memref<256xf32, #tpu.memory_space<vmem>>, vector<16xf32>,
      %get3A_769 = arith.constant 3 : i32
      %get3A_770 = arith.index_cast %rem3A_274 : i32 to index
      %get3A_771 = arith.index_cast %get3A_769 : i32 to index
      %get3A_772 = arith.constant 0 : index
      %get3A_773 = tpu.vector_load %arg11[%get3A_770, %get3A_771, %get3A_772] {strides = array<i32>} : memref<8x16x128xf32, #tpu.memory_space<vmem>>, vector<16xf32>,
      %get3A_774 = arith.constant 3 : i32
      %get3A_775 = arith.index_cast %rem3A_274 : i32 to index
      %get3A_776 = arith.index_cast %get3A_774 : i32 to index
      %get3A_777 = arith.constant 0 : index
      %get3A_778 = tpu.vector_load %arg13[%get3A_775, %get3A_776, %get3A_777] {strides = array<i32>} : memref<8x16x128xf32, #tpu.memory_space<vmem>>, vector<16xf32>,
      %get3A_779 = arith.constant 3 : i32
      %get3A_780 = arith.index_cast %rem3A_274 : i32 to index
      %get3A_781 = arith.index_cast %get3A_779 : i32 to index
      %get3A_782 = arith.constant 0 : index
      %get3A_783 = tpu.vector_load %arg12[%get3A_780, %get3A_781, %get3A_782] {strides = array<i32>} : memref<8x16x128xf32, #tpu.memory_space<vmem>>, vector<16xf32>,
      %sub3A_784 = arith.subf %get3A_783, %get3A_778 : vector<16xf32>
      %add3A_785 = arith.addf %get3A_773, %sub3A_784 : vector<16xf32>
      %abs3A_786 = math.absf %add3A_785 : vector<16xf32>
      %get3A_787 = arith.constant 3 : i32
      %get3A_788 = arith.index_cast %rem3A_274 : i32 to index
      %get3A_789 = arith.index_cast %get3A_787 : i32 to index
      %get3A_790 = arith.constant 16 : index
      %get3A_791 = tpu.vector_load %arg11[%get3A_788, %get3A_789, %get3A_790] {strides = array<i32>} : memref<8x16x128xf32, #tpu.memory_space<vmem>>, vector<16xf32>,
      %get3A_792 = arith.constant 3 : i32
      %get3A_793 = arith.index_cast %rem3A_274 : i32 to index
      %get3A_794 = arith.index_cast %get3A_792 : i32 to index
      %get3A_795 = arith.constant 16 : index
      %get3A_796 = tpu.vector_load %arg13[%get3A_793, %get3A_794, %get3A_795] {strides = array<i32>} : memref<8x16x128xf32, #tpu.memory_space<vmem>>, vector<16xf32>,
      %get3A_797 = arith.constant 3 : i32
      %get3A_798 = arith.index_cast %rem3A_274 : i32 to index
      %get3A_799 = arith.index_cast %get3A_797 : i32 to index
      %get3A_800 = arith.constant 16 : index
      %get3A_801 = tpu.vector_load %arg12[%get3A_798, %get3A_799, %get3A_800] {strides = array<i32>} : memref<8x16x128xf32, #tpu.memory_space<vmem>>, vector<16xf32>,
      %sub3A_802 = arith.subf %get3A_801, %get3A_796 : vector<16xf32>
      %add3A_803 = arith.addf %get3A_791, %sub3A_802 : vector<16xf32>
      %abs3A_804 = math.absf %add3A_803 : vector<16xf32>
      %get3A_805 = arith.constant 3 : i32
      %get3A_806 = arith.index_cast %rem3A_274 : i32 to index
      %get3A_807 = arith.index_cast %get3A_805 : i32 to index
      %get3A_808 = arith.constant 32 : index
      %get3A_809 = tpu.vector_load %arg11[%get3A_806, %get3A_807, %get3A_808] {strides = array<i32>} : memref<8x16x128xf32, #tpu.memory_space<vmem>>, vector<16xf32>,
      %get3A_810 = arith.constant 3 : i32
      %get3A_811 = arith.index_cast %rem3A_274 : i32 to index
      %get3A_812 = arith.index_cast %get3A_810 : i32 to index
      %get3A_813 = arith.constant 32 : index
      %get3A_814 = tpu.vector_load %arg13[%get3A_811, %get3A_812, %get3A_813] {strides = array<i32>} : memref<8x16x128xf32, #tpu.memory_space<vmem>>, vector<16xf32>,
      %get3A_815 = arith.constant 3 : i32
      %get3A_816 = arith.index_cast %rem3A_274 : i32 to index
      %get3A_817 = arith.index_cast %get3A_815 : i32 to index
      %get3A_818 = arith.constant 32 : index
      %get3A_819 = tpu.vector_load %arg12[%get3A_816, %get3A_817, %get3A_818] {strides = array<i32>} : memref<8x16x128xf32, #tpu.memory_space<vmem>>, vector<16xf32>,
      %sub3A_820 = arith.subf %get3A_819, %get3A_814 : vector<16xf32>
      %add3A_821 = arith.addf %get3A_809, %sub3A_820 : vector<16xf32>
      %abs3A_822 = math.absf %add3A_821 : vector<16xf32>
      %get3A_823 = arith.constant 3 : i32
      %get3A_824 = arith.index_cast %rem3A_274 : i32 to index
      %get3A_825 = arith.index_cast %get3A_823 : i32 to index
      %get3A_826 = arith.constant 48 : index
      %get3A_827 = tpu.vector_load %arg11[%get3A_824, %get3A_825, %get3A_826] {strides = array<i32>} : memref<8x16x128xf32, #tpu.memory_space<vmem>>, vector<16xf32>,
      %get3A_828 = arith.constant 3 : i32
      %get3A_829 = arith.index_cast %rem3A_274 : i32 to index
      %get3A_830 = arith.index_cast %get3A_828 : i32 to index
      %get3A_831 = arith.constant 48 : index
      %get3A_832 = tpu.vector_load %arg13[%get3A_829, %get3A_830, %get3A_831] {strides = array<i32>} : memref<8x16x128xf32, #tpu.memory_space<vmem>>, vector<16xf32>,
      %get3A_833 = arith.constant 3 : i32
      %get3A_834 = arith.index_cast %rem3A_274 : i32 to index
      %get3A_835 = arith.index_cast %get3A_833 : i32 to index
      %get3A_836 = arith.constant 48 : index
      %get3A_837 = tpu.vector_load %arg12[%get3A_834, %get3A_835, %get3A_836] {strides = array<i32>} : memref<8x16x128xf32, #tpu.memory_space<vmem>>, vector<16xf32>,
      %sub3A_838 = arith.subf %get3A_837, %get3A_832 : vector<16xf32>
      %add3A_839 = arith.addf %get3A_827, %sub3A_838 : vector<16xf32>
      %abs3A_840 = math.absf %add3A_839 : vector<16xf32>
      %get3A_841 = arith.constant 3 : i32
      %get3A_842 = arith.index_cast %rem3A_274 : i32 to index
      %get3A_843 = arith.index_cast %get3A_841 : i32 to index
      %get3A_844 = arith.constant 64 : index
      %get3A_845 = tpu.vector_load %arg11[%get3A_842, %get3A_843, %get3A_844] {strides = array<i32>} : memref<8x16x128xf32, #tpu.memory_space<vmem>>, vector<16xf32>,
      %get3A_846 = arith.constant 3 : i32
      %get3A_847 = arith.index_cast %rem3A_274 : i32 to index
      %get3A_848 = arith.index_cast %get3A_846 : i32 to index
      %get3A_849 = arith.constant 64 : index
      %get3A_850 = tpu.vector_load %arg13[%get3A_847, %get3A_848, %get3A_849] {strides = array<i32>} : memref<8x16x128xf32, #tpu.memory_space<vmem>>, vector<16xf32>,
      %get3A_851 = arith.constant 3 : i32
      %get3A_852 = arith.index_cast %rem3A_274 : i32 to index
      %get3A_853 = arith.index_cast %get3A_851 : i32 to index
      %get3A_854 = arith.constant 64 : index
      %get3A_855 = tpu.vector_load %arg12[%get3A_852, %get3A_853, %get3A_854] {strides = array<i32>} : memref<8x16x128xf32, #tpu.memory_space<vmem>>, vector<16xf32>,
      %sub3A_856 = arith.subf %get3A_855, %get3A_850 : vector<16xf32>
      %add3A_857 = arith.addf %get3A_845, %sub3A_856 : vector<16xf32>
      %abs3A_858 = math.absf %add3A_857 : vector<16xf32>
      %get3A_859 = arith.constant 3 : i32
      %get3A_860 = arith.index_cast %rem3A_274 : i32 to index
      %get3A_861 = arith.index_cast %get3A_859 : i32 to index
      %get3A_862 = arith.constant 80 : index
      %get3A_863 = tpu.vector_load %arg11[%get3A_860, %get3A_861, %get3A_862] {strides = array<i32>} : memref<8x16x128xf32, #tpu.memory_space<vmem>>, vector<16xf32>,
      %get3A_864 = arith.constant 3 : i32
      %get3A_865 = arith.index_cast %rem3A_274 : i32 to index
      %get3A_866 = arith.index_cast %get3A_864 : i32 to index
      %get3A_867 = arith.constant 80 : index
      %get3A_868 = tpu.vector_load %arg13[%get3A_865, %get3A_866, %get3A_867] {strides = array<i32>} : memref<8x16x128xf32, #tpu.memory_space<vmem>>, vector<16xf32>,
      %get3A_869 = arith.constant 3 : i32
      %get3A_870 = arith.index_cast %rem3A_274 : i32 to index
      %get3A_871 = arith.index_cast %get3A_869 : i32 to index
      %get3A_872 = arith.constant 80 : index
      %get3A_873 = tpu.vector_load %arg12[%get3A_870, %get3A_871, %get3A_872] {strides = array<i32>} : memref<8x16x128xf32, #tpu.memory_space<vmem>>, vector<16xf32>,
      %sub3A_874 = arith.subf %get3A_873, %get3A_868 : vector<16xf32>
      %add3A_875 = arith.addf %get3A_863, %sub3A_874 : vector<16xf32>
      %abs3A_876 = math.absf %add3A_875 : vector<16xf32>
      %get3A_877 = arith.constant 3 : i32
      %get3A_878 = arith.index_cast %rem3A_274 : i32 to index
      %get3A_879 = arith.index_cast %get3A_877 : i32 to index
      %get3A_880 = arith.constant 96 : index
      %get3A_881 = tpu.vector_load %arg11[%get3A_878, %get3A_879, %get3A_880] {strides = array<i32>} : memref<8x16x128xf32, #tpu.memory_space<vmem>>, vector<16xf32>,
      %get3A_882 = arith.constant 3 : i32
      %get3A_883 = arith.index_cast %rem3A_274 : i32 to index
      %get3A_884 = arith.index_cast %get3A_882 : i32 to index
      %get3A_885 = arith.constant 96 : index
      %get3A_886 = tpu.vector_load %arg13[%get3A_883, %get3A_884, %get3A_885] {strides = array<i32>} : memref<8x16x128xf32, #tpu.memory_space<vmem>>, vector<16xf32>,
      %get3A_887 = arith.constant 3 : i32
      %get3A_888 = arith.index_cast %rem3A_274 : i32 to index
      %get3A_889 = arith.index_cast %get3A_887 : i32 to index
      %get3A_890 = arith.constant 96 : index
      %get3A_891 = tpu.vector_load %arg12[%get3A_888, %get3A_889, %get3A_890] {strides = array<i32>} : memref<8x16x128xf32, #tpu.memory_space<vmem>>, vector<16xf32>,
      %sub3A_892 = arith.subf %get3A_891, %get3A_886 : vector<16xf32>
      %add3A_893 = arith.addf %get3A_881, %sub3A_892 : vector<16xf32>
      %abs3A_894 = math.absf %add3A_893 : vector<16xf32>
      %get3A_895 = arith.constant 3 : i32
      %get3A_896 = arith.index_cast %rem3A_274 : i32 to index
      %get3A_897 = arith.index_cast %get3A_895 : i32 to index
      %get3A_898 = arith.constant 112 : index
      %get3A_899 = tpu.vector_load %arg11[%get3A_896, %get3A_897, %get3A_898] {strides = array<i32>} : memref<8x16x128xf32, #tpu.memory_space<vmem>>, vector<16xf32>,
      %get3A_900 = arith.constant 3 : i32
      %get3A_901 = arith.index_cast %rem3A_274 : i32 to index
      %get3A_902 = arith.index_cast %get3A_900 : i32 to index
      %get3A_903 = arith.constant 112 : index
      %get3A_904 = tpu.vector_load %arg13[%get3A_901, %get3A_902, %get3A_903] {strides = array<i32>} : memref<8x16x128xf32, #tpu.memory_space<vmem>>, vector<16xf32>,
      %get3A_905 = arith.constant 3 : i32
      %get3A_906 = arith.index_cast %rem3A_274 : i32 to index
      %get3A_907 = arith.index_cast %get3A_905 : i32 to index
      %get3A_908 = arith.constant 112 : index
      %get3A_909 = tpu.vector_load %arg12[%get3A_906, %get3A_907, %get3A_908] {strides = array<i32>} : memref<8x16x128xf32, #tpu.memory_space<vmem>>, vector<16xf32>,
      %sub3A_910 = arith.subf %get3A_909, %get3A_904 : vector<16xf32>
      %add3A_911 = arith.addf %get3A_899, %sub3A_910 : vector<16xf32>
      %abs3A_912 = math.absf %add3A_911 : vector<16xf32>
      %add3A_913 = arith.addf %abs3A_786, %abs3A_804 : vector<16xf32>
      %add3A_914 = arith.addf %abs3A_822, %abs3A_840 : vector<16xf32>
      %add3A_915 = arith.addf %abs3A_858, %abs3A_876 : vector<16xf32>
      %add3A_916 = arith.addf %abs3A_894, %abs3A_912 : vector<16xf32>
      %add3A_917 = arith.addf %add3A_913, %add3A_914 : vector<16xf32>
      %add3A_918 = arith.addf %add3A_915, %add3A_916 : vector<16xf32>
      %add3A_919 = arith.addf %add3A_917, %add3A_918 : vector<16xf32>
      %swap3A_920 = arith.constant 48 : index
      %swap3A_921 = tpu.vector_load %arg14[%swap3A_920] {strides = array<i32>} : memref<256xf32, #tpu.memory_space<vmem>>, vector<16xf32>,
      tpu.vector_store %arg14[%swap3A_920], %add3A_919 {strides = array<i32>} : memref<256xf32, #tpu.memory_space<vmem>>, vector<16xf32>,
      %get3A_922 = arith.constant 4 : i32
      %get3A_923 = arith.index_cast %rem3A_274 : i32 to index
      %get3A_924 = arith.index_cast %get3A_922 : i32 to index
      %get3A_925 = arith.constant 0 : index
      %get3A_926 = tpu.vector_load %arg11[%get3A_923, %get3A_924, %get3A_925] {strides = array<i32>} : memref<8x16x128xf32, #tpu.memory_space<vmem>>, vector<16xf32>,
      %get3A_927 = arith.constant 4 : i32
      %get3A_928 = arith.index_cast %rem3A_274 : i32 to index
      %get3A_929 = arith.index_cast %get3A_927 : i32 to index
      %get3A_930 = arith.constant 0 : index
      %get3A_931 = tpu.vector_load %arg13[%get3A_928, %get3A_929, %get3A_930] {strides = array<i32>} : memref<8x16x128xf32, #tpu.memory_space<vmem>>, vector<16xf32>,
      %get3A_932 = arith.constant 4 : i32
      %get3A_933 = arith.index_cast %rem3A_274 : i32 to index
      %get3A_934 = arith.index_cast %get3A_932 : i32 to index
      %get3A_935 = arith.constant 0 : index
      %get3A_936 = tpu.vector_load %arg12[%get3A_933, %get3A_934, %get3A_935] {strides = array<i32>} : memref<8x16x128xf32, #tpu.memory_space<vmem>>, vector<16xf32>,
      %sub3A_937 = arith.subf %get3A_936, %get3A_931 : vector<16xf32>
      %add3A_938 = arith.addf %get3A_926, %sub3A_937 : vector<16xf32>
      %abs3A_939 = math.absf %add3A_938 : vector<16xf32>
      %get3A_940 = arith.constant 4 : i32
      %get3A_941 = arith.index_cast %rem3A_274 : i32 to index
      %get3A_942 = arith.index_cast %get3A_940 : i32 to index
      %get3A_943 = arith.constant 16 : index
      %get3A_944 = tpu.vector_load %arg11[%get3A_941, %get3A_942, %get3A_943] {strides = array<i32>} : memref<8x16x128xf32, #tpu.memory_space<vmem>>, vector<16xf32>,
      %get3A_945 = arith.constant 4 : i32
      %get3A_946 = arith.index_cast %rem3A_274 : i32 to index
      %get3A_947 = arith.index_cast %get3A_945 : i32 to index
      %get3A_948 = arith.constant 16 : index
      %get3A_949 = tpu.vector_load %arg13[%get3A_946, %get3A_947, %get3A_948] {strides = array<i32>} : memref<8x16x128xf32, #tpu.memory_space<vmem>>, vector<16xf32>,
      %get3A_950 = arith.constant 4 : i32
      %get3A_951 = arith.index_cast %rem3A_274 : i32 to index
      %get3A_952 = arith.index_cast %get3A_950 : i32 to index
      %get3A_953 = arith.constant 16 : index
      %get3A_954 = tpu.vector_load %arg12[%get3A_951, %get3A_952, %get3A_953] {strides = array<i32>} : memref<8x16x128xf32, #tpu.memory_space<vmem>>, vector<16xf32>,
      %sub3A_955 = arith.subf %get3A_954, %get3A_949 : vector<16xf32>
      %add3A_956 = arith.addf %get3A_944, %sub3A_955 : vector<16xf32>
      %abs3A_957 = math.absf %add3A_956 : vector<16xf32>
      %get3A_958 = arith.constant 4 : i32
      %get3A_959 = arith.index_cast %rem3A_274 : i32 to index
      %get3A_960 = arith.index_cast %get3A_958 : i32 to index
      %get3A_961 = arith.constant 32 : index
      %get3A_962 = tpu.vector_load %arg11[%get3A_959, %get3A_960, %get3A_961] {strides = array<i32>} : memref<8x16x128xf32, #tpu.memory_space<vmem>>, vector<16xf32>,
      %get3A_963 = arith.constant 4 : i32
      %get3A_964 = arith.index_cast %rem3A_274 : i32 to index
      %get3A_965 = arith.index_cast %get3A_963 : i32 to index
      %get3A_966 = arith.constant 32 : index
      %get3A_967 = tpu.vector_load %arg13[%get3A_964, %get3A_965, %get3A_966] {strides = array<i32>} : memref<8x16x128xf32, #tpu.memory_space<vmem>>, vector<16xf32>,
      %get3A_968 = arith.constant 4 : i32
      %get3A_969 = arith.index_cast %rem3A_274 : i32 to index
      %get3A_970 = arith.index_cast %get3A_968 : i32 to index
      %get3A_971 = arith.constant 32 : index
      %get3A_972 = tpu.vector_load %arg12[%get3A_969, %get3A_970, %get3A_971] {strides = array<i32>} : memref<8x16x128xf32, #tpu.memory_space<vmem>>, vector<16xf32>,
      %sub3A_973 = arith.subf %get3A_972, %get3A_967 : vector<16xf32>
      %add3A_974 = arith.addf %get3A_962, %sub3A_973 : vector<16xf32>
      %abs3A_975 = math.absf %add3A_974 : vector<16xf32>
      %get3A_976 = arith.constant 4 : i32
      %get3A_977 = arith.index_cast %rem3A_274 : i32 to index
      %get3A_978 = arith.index_cast %get3A_976 : i32 to index
      %get3A_979 = arith.constant 48 : index
      %get3A_980 = tpu.vector_load %arg11[%get3A_977, %get3A_978, %get3A_979] {strides = array<i32>} : memref<8x16x128xf32, #tpu.memory_space<vmem>>, vector<16xf32>,
      %get3A_981 = arith.constant 4 : i32
      %get3A_982 = arith.index_cast %rem3A_274 : i32 to index
      %get3A_983 = arith.index_cast %get3A_981 : i32 to index
      %get3A_984 = arith.constant 48 : index
      %get3A_985 = tpu.vector_load %arg13[%get3A_982, %get3A_983, %get3A_984] {strides = array<i32>} : memref<8x16x128xf32, #tpu.memory_space<vmem>>, vector<16xf32>,
      %get3A_986 = arith.constant 4 : i32
      %get3A_987 = arith.index_cast %rem3A_274 : i32 to index
      %get3A_988 = arith.index_cast %get3A_986 : i32 to index
      %get3A_989 = arith.constant 48 : index
      %get3A_990 = tpu.vector_load %arg12[%get3A_987, %get3A_988, %get3A_989] {strides = array<i32>} : memref<8x16x128xf32, #tpu.memory_space<vmem>>, vector<16xf32>,
      %sub3A_991 = arith.subf %get3A_990, %get3A_985 : vector<16xf32>
      %add3A_992 = arith.addf %get3A_980, %sub3A_991 : vector<16xf32>
      %abs3A_993 = math.absf %add3A_992 : vector<16xf32>
      %get3A_994 = arith.constant 4 : i32
      %get3A_995 = arith.index_cast %rem3A_274 : i32 to index
      %get3A_996 = arith.index_cast %get3A_994 : i32 to index
      %get3A_997 = arith.constant 64 : index
      %get3A_998 = tpu.vector_load %arg11[%get3A_995, %get3A_996, %get3A_997] {strides = array<i32>} : memref<8x16x128xf32, #tpu.memory_space<vmem>>, vector<16xf32>,
      %get3A_999 = arith.constant 4 : i32
      %get3A_1000 = arith.index_cast %rem3A_274 : i32 to index
      %get3A_1001 = arith.index_cast %get3A_999 : i32 to index
      %get3A_1002 = arith.constant 64 : index
      %get3A_1003 = tpu.vector_load %arg13[%get3A_1000, %get3A_1001, %get3A_1002] {strides = array<i32>} : memref<8x16x128xf32, #tpu.memory_space<vmem>>, vector<16xf32>,
      %get3A_1004 = arith.constant 4 : i32
      %get3A_1005 = arith.index_cast %rem3A_274 : i32 to index
      %get3A_1006 = arith.index_cast %get3A_1004 : i32 to index
      %get3A_1007 = arith.constant 64 : index
      %get3A_1008 = tpu.vector_load %arg12[%get3A_1005, %get3A_1006, %get3A_1007] {strides = array<i32>} : memref<8x16x128xf32, #tpu.memory_space<vmem>>, vector<16xf32>,
      %sub3A_1009 = arith.subf %get3A_1008, %get3A_1003 : vector<16xf32>
      %add3A_1010 = arith.addf %get3A_998, %sub3A_1009 : vector<16xf32>
      %abs3A_1011 = math.absf %add3A_1010 : vector<16xf32>
      %get3A_1012 = arith.constant 4 : i32
      %get3A_1013 = arith.index_cast %rem3A_274 : i32 to index
      %get3A_1014 = arith.index_cast %get3A_1012 : i32 to index
      %get3A_1015 = arith.constant 80 : index
      %get3A_1016 = tpu.vector_load %arg11[%get3A_1013, %get3A_1014, %get3A_1015] {strides = array<i32>} : memref<8x16x128xf32, #tpu.memory_space<vmem>>, vector<16xf32>,
      %get3A_1017 = arith.constant 4 : i32
      %get3A_1018 = arith.index_cast %rem3A_274 : i32 to index
      %get3A_1019 = arith.index_cast %get3A_1017 : i32 to index
      %get3A_1020 = arith.constant 80 : index
      %get3A_1021 = tpu.vector_load %arg13[%get3A_1018, %get3A_1019, %get3A_1020] {strides = array<i32>} : memref<8x16x128xf32, #tpu.memory_space<vmem>>, vector<16xf32>,
      %get3A_1022 = arith.constant 4 : i32
      %get3A_1023 = arith.index_cast %rem3A_274 : i32 to index
      %get3A_1024 = arith.index_cast %get3A_1022 : i32 to index
      %get3A_1025 = arith.constant 80 : index
      %get3A_1026 = tpu.vector_load %arg12[%get3A_1023, %get3A_1024, %get3A_1025] {strides = array<i32>} : memref<8x16x128xf32, #tpu.memory_space<vmem>>, vector<16xf32>,
      %sub3A_1027 = arith.subf %get3A_1026, %get3A_1021 : vector<16xf32>
      %add3A_1028 = arith.addf %get3A_1016, %sub3A_1027 : vector<16xf32>
      %abs3A_1029 = math.absf %add3A_1028 : vector<16xf32>
      %get3A_1030 = arith.constant 4 : i32
      %get3A_1031 = arith.index_cast %rem3A_274 : i32 to index
      %get3A_1032 = arith.index_cast %get3A_1030 : i32 to index
      %get3A_1033 = arith.constant 96 : index
      %get3A_1034 = tpu.vector_load %arg11[%get3A_1031, %get3A_1032, %get3A_1033] {strides = array<i32>} : memref<8x16x128xf32, #tpu.memory_space<vmem>>, vector<16xf32>,
      %get3A_1035 = arith.constant 4 : i32
      %get3A_1036 = arith.index_cast %rem3A_274 : i32 to index
      %get3A_1037 = arith.index_cast %get3A_1035 : i32 to index
      %get3A_1038 = arith.constant 96 : index
      %get3A_1039 = tpu.vector_load %arg13[%get3A_1036, %get3A_1037, %get3A_1038] {strides = array<i32>} : memref<8x16x128xf32, #tpu.memory_space<vmem>>, vector<16xf32>,
      %get3A_1040 = arith.constant 4 : i32
      %get3A_1041 = arith.index_cast %rem3A_274 : i32 to index
      %get3A_1042 = arith.index_cast %get3A_1040 : i32 to index
      %get3A_1043 = arith.constant 96 : index
      %get3A_1044 = tpu.vector_load %arg12[%get3A_1041, %get3A_1042, %get3A_1043] {strides = array<i32>} : memref<8x16x128xf32, #tpu.memory_space<vmem>>, vector<16xf32>,
      %sub3A_1045 = arith.subf %get3A_1044, %get3A_1039 : vector<16xf32>
      %add3A_1046 = arith.addf %get3A_1034, %sub3A_1045 : vector<16xf32>
      %abs3A_1047 = math.absf %add3A_1046 : vector<16xf32>
      %get3A_1048 = arith.constant 4 : i32
      %get3A_1049 = arith.index_cast %rem3A_274 : i32 to index
      %get3A_1050 = arith.index_cast %get3A_1048 : i32 to index
      %get3A_1051 = arith.constant 112 : index
      %get3A_1052 = tpu.vector_load %arg11[%get3A_1049, %get3A_1050, %get3A_1051] {strides = array<i32>} : memref<8x16x128xf32, #tpu.memory_space<vmem>>, vector<16xf32>,
      %get3A_1053 = arith.constant 4 : i32
      %get3A_1054 = arith.index_cast %rem3A_274 : i32 to index
      %get3A_1055 = arith.index_cast %get3A_1053 : i32 to index
      %get3A_1056 = arith.constant 112 : index
      %get3A_1057 = tpu.vector_load %arg13[%get3A_1054, %get3A_1055, %get3A_1056] {strides = array<i32>} : memref<8x16x128xf32, #tpu.memory_space<vmem>>, vector<16xf32>,
      %get3A_1058 = arith.constant 4 : i32
      %get3A_1059 = arith.index_cast %rem3A_274 : i32 to index
      %get3A_1060 = arith.index_cast %get3A_1058 : i32 to index
      %get3A_1061 = arith.constant 112 : index
      %get3A_1062 = tpu.vector_load %arg12[%get3A_1059, %get3A_1060, %get3A_1061] {strides = array<i32>} : memref<8x16x128xf32, #tpu.memory_space<vmem>>, vector<16xf32>,
      %sub3A_1063 = arith.subf %get3A_1062, %get3A_1057 : vector<16xf32>
      %add3A_1064 = arith.addf %get3A_1052, %sub3A_1063 : vector<16xf32>
      %abs3A_1065 = math.absf %add3A_1064 : vector<16xf32>
      %add3A_1066 = arith.addf %abs3A_939, %abs3A_957 : vector<16xf32>
      %add3A_1067 = arith.addf %abs3A_975, %abs3A_993 : vector<16xf32>
      %add3A_1068 = arith.addf %abs3A_1011, %abs3A_1029 : vector<16xf32>
      %add3A_1069 = arith.addf %abs3A_1047, %abs3A_1065 : vector<16xf32>
      %add3A_1070 = arith.addf %add3A_1066, %add3A_1067 : vector<16xf32>
      %add3A_1071 = arith.addf %add3A_1068, %add3A_1069 : vector<16xf32>
      %add3A_1072 = arith.addf %add3A_1070, %add3A_1071 : vector<16xf32>
      %swap3A_1073 = arith.constant 64 : index
      %swap3A_1074 = tpu.vector_load %arg14[%swap3A_1073] {strides = array<i32>} : memref<256xf32, #tpu.memory_space<vmem>>, vector<16xf32>,
      tpu.vector_store %arg14[%swap3A_1073], %add3A_1072 {strides = array<i32>} : memref<256xf32, #tpu.memory_space<vmem>>, vector<16xf32>,
      %get3A_1075 = arith.constant 5 : i32
      %get3A_1076 = arith.index_cast %rem3A_274 : i32 to index
      %get3A_1077 = arith.index_cast %get3A_1075 : i32 to index
      %get3A_1078 = arith.constant 0 : index
      %get3A_1079 = tpu.vector_load %arg11[%get3A_1076, %get3A_1077, %get3A_1078] {strides = array<i32>} : memref<8x16x128xf32, #tpu.memory_space<vmem>>, vector<16xf32>,
      %get3A_1080 = arith.constant 5 : i32
      %get3A_1081 = arith.index_cast %rem3A_274 : i32 to index
      %get3A_1082 = arith.index_cast %get3A_1080 : i32 to index
      %get3A_1083 = arith.constant 0 : index
      %get3A_1084 = tpu.vector_load %arg13[%get3A_1081, %get3A_1082, %get3A_1083] {strides = array<i32>} : memref<8x16x128xf32, #tpu.memory_space<vmem>>, vector<16xf32>,
      %get3A_1085 = arith.constant 5 : i32
      %get3A_1086 = arith.index_cast %rem3A_274 : i32 to index
      %get3A_1087 = arith.index_cast %get3A_1085 : i32 to index
      %get3A_1088 = arith.constant 0 : index
      %get3A_1089 = tpu.vector_load %arg12[%get3A_1086, %get3A_1087, %get3A_1088] {strides = array<i32>} : memref<8x16x128xf32, #tpu.memory_space<vmem>>, vector<16xf32>,
      %sub3A_1090 = arith.subf %get3A_1089, %get3A_1084 : vector<16xf32>
      %add3A_1091 = arith.addf %get3A_1079, %sub3A_1090 : vector<16xf32>
      %abs3A_1092 = math.absf %add3A_1091 : vector<16xf32>
      %get3A_1093 = arith.constant 5 : i32
      %get3A_1094 = arith.index_cast %rem3A_274 : i32 to index
      %get3A_1095 = arith.index_cast %get3A_1093 : i32 to index
      %get3A_1096 = arith.constant 16 : index
      %get3A_1097 = tpu.vector_load %arg11[%get3A_1094, %get3A_1095, %get3A_1096] {strides = array<i32>} : memref<8x16x128xf32, #tpu.memory_space<vmem>>, vector<16xf32>,
      %get3A_1098 = arith.constant 5 : i32
      %get3A_1099 = arith.index_cast %rem3A_274 : i32 to index
      %get3A_1100 = arith.index_cast %get3A_1098 : i32 to index
      %get3A_1101 = arith.constant 16 : index
      %get3A_1102 = tpu.vector_load %arg13[%get3A_1099, %get3A_1100, %get3A_1101] {strides = array<i32>} : memref<8x16x128xf32, #tpu.memory_space<vmem>>, vector<16xf32>,
      %get3A_1103 = arith.constant 5 : i32
      %get3A_1104 = arith.index_cast %rem3A_274 : i32 to index
      %get3A_1105 = arith.index_cast %get3A_1103 : i32 to index
      %get3A_1106 = arith.constant 16 : index
      %get3A_1107 = tpu.vector_load %arg12[%get3A_1104, %get3A_1105, %get3A_1106] {strides = array<i32>} : memref<8x16x128xf32, #tpu.memory_space<vmem>>, vector<16xf32>,
      %sub3A_1108 = arith.subf %get3A_1107, %get3A_1102 : vector<16xf32>
      %add3A_1109 = arith.addf %get3A_1097, %sub3A_1108 : vector<16xf32>
      %abs3A_1110 = math.absf %add3A_1109 : vector<16xf32>
      %get3A_1111 = arith.constant 5 : i32
      %get3A_1112 = arith.index_cast %rem3A_274 : i32 to index
      %get3A_1113 = arith.index_cast %get3A_1111 : i32 to index
      %get3A_1114 = arith.constant 32 : index
      %get3A_1115 = tpu.vector_load %arg11[%get3A_1112, %get3A_1113, %get3A_1114] {strides = array<i32>} : memref<8x16x128xf32, #tpu.memory_space<vmem>>, vector<16xf32>,
      %get3A_1116 = arith.constant 5 : i32
      %get3A_1117 = arith.index_cast %rem3A_274 : i32 to index
      %get3A_1118 = arith.index_cast %get3A_1116 : i32 to index
      %get3A_1119 = arith.constant 32 : index
      %get3A_1120 = tpu.vector_load %arg13[%get3A_1117, %get3A_1118, %get3A_1119] {strides = array<i32>} : memref<8x16x128xf32, #tpu.memory_space<vmem>>, vector<16xf32>,
      %get3A_1121 = arith.constant 5 : i32
      %get3A_1122 = arith.index_cast %rem3A_274 : i32 to index
      %get3A_1123 = arith.index_cast %get3A_1121 : i32 to index
      %get3A_1124 = arith.constant 32 : index
      %get3A_1125 = tpu.vector_load %arg12[%get3A_1122, %get3A_1123, %get3A_1124] {strides = array<i32>} : memref<8x16x128xf32, #tpu.memory_space<vmem>>, vector<16xf32>,
      %sub3A_1126 = arith.subf %get3A_1125, %get3A_1120 : vector<16xf32>
      %add3A_1127 = arith.addf %get3A_1115, %sub3A_1126 : vector<16xf32>
      %abs3A_1128 = math.absf %add3A_1127 : vector<16xf32>
      %get3A_1129 = arith.constant 5 : i32
      %get3A_1130 = arith.index_cast %rem3A_274 : i32 to index
      %get3A_1131 = arith.index_cast %get3A_1129 : i32 to index
      %get3A_1132 = arith.constant 48 : index
      %get3A_1133 = tpu.vector_load %arg11[%get3A_1130, %get3A_1131, %get3A_1132] {strides = array<i32>} : memref<8x16x128xf32, #tpu.memory_space<vmem>>, vector<16xf32>,
      %get3A_1134 = arith.constant 5 : i32
      %get3A_1135 = arith.index_cast %rem3A_274 : i32 to index
      %get3A_1136 = arith.index_cast %get3A_1134 : i32 to index
      %get3A_1137 = arith.constant 48 : index
      %get3A_1138 = tpu.vector_load %arg13[%get3A_1135, %get3A_1136, %get3A_1137] {strides = array<i32>} : memref<8x16x128xf32, #tpu.memory_space<vmem>>, vector<16xf32>,
      %get3A_1139 = arith.constant 5 : i32
      %get3A_1140 = arith.index_cast %rem3A_274 : i32 to index
      %get3A_1141 = arith.index_cast %get3A_1139 : i32 to index
      %get3A_1142 = arith.constant 48 : index
      %get3A_1143 = tpu.vector_load %arg12[%get3A_1140, %get3A_1141, %get3A_1142] {strides = array<i32>} : memref<8x16x128xf32, #tpu.memory_space<vmem>>, vector<16xf32>,
      %sub3A_1144 = arith.subf %get3A_1143, %get3A_1138 : vector<16xf32>
      %add3A_1145 = arith.addf %get3A_1133, %sub3A_1144 : vector<16xf32>
      %abs3A_1146 = math.absf %add3A_1145 : vector<16xf32>
      %get3A_1147 = arith.constant 5 : i32
      %get3A_1148 = arith.index_cast %rem3A_274 : i32 to index
      %get3A_1149 = arith.index_cast %get3A_1147 : i32 to index
      %get3A_1150 = arith.constant 64 : index
      %get3A_1151 = tpu.vector_load %arg11[%get3A_1148, %get3A_1149, %get3A_1150] {strides = array<i32>} : memref<8x16x128xf32, #tpu.memory_space<vmem>>, vector<16xf32>,
      %get3A_1152 = arith.constant 5 : i32
      %get3A_1153 = arith.index_cast %rem3A_274 : i32 to index
      %get3A_1154 = arith.index_cast %get3A_1152 : i32 to index
      %get3A_1155 = arith.constant 64 : index
      %get3A_1156 = tpu.vector_load %arg13[%get3A_1153, %get3A_1154, %get3A_1155] {strides = array<i32>} : memref<8x16x128xf32, #tpu.memory_space<vmem>>, vector<16xf32>,
      %get3A_1157 = arith.constant 5 : i32
      %get3A_1158 = arith.index_cast %rem3A_274 : i32 to index
      %get3A_1159 = arith.index_cast %get3A_1157 : i32 to index
      %get3A_1160 = arith.constant 64 : index
      %get3A_1161 = tpu.vector_load %arg12[%get3A_1158, %get3A_1159, %get3A_1160] {strides = array<i32>} : memref<8x16x128xf32, #tpu.memory_space<vmem>>, vector<16xf32>,
      %sub3A_1162 = arith.subf %get3A_1161, %get3A_1156 : vector<16xf32>
      %add3A_1163 = arith.addf %get3A_1151, %sub3A_1162 : vector<16xf32>
      %abs3A_1164 = math.absf %add3A_1163 : vector<16xf32>
      %get3A_1165 = arith.constant 5 : i32
      %get3A_1166 = arith.index_cast %rem3A_274 : i32 to index
      %get3A_1167 = arith.index_cast %get3A_1165 : i32 to index
      %get3A_1168 = arith.constant 80 : index
      %get3A_1169 = tpu.vector_load %arg11[%get3A_1166, %get3A_1167, %get3A_1168] {strides = array<i32>} : memref<8x16x128xf32, #tpu.memory_space<vmem>>, vector<16xf32>,
      %get3A_1170 = arith.constant 5 : i32
      %get3A_1171 = arith.index_cast %rem3A_274 : i32 to index
      %get3A_1172 = arith.index_cast %get3A_1170 : i32 to index
      %get3A_1173 = arith.constant 80 : index
      %get3A_1174 = tpu.vector_load %arg13[%get3A_1171, %get3A_1172, %get3A_1173] {strides = array<i32>} : memref<8x16x128xf32, #tpu.memory_space<vmem>>, vector<16xf32>,
      %get3A_1175 = arith.constant 5 : i32
      %get3A_1176 = arith.index_cast %rem3A_274 : i32 to index
      %get3A_1177 = arith.index_cast %get3A_1175 : i32 to index
      %get3A_1178 = arith.constant 80 : index
      %get3A_1179 = tpu.vector_load %arg12[%get3A_1176, %get3A_1177, %get3A_1178] {strides = array<i32>} : memref<8x16x128xf32, #tpu.memory_space<vmem>>, vector<16xf32>,
      %sub3A_1180 = arith.subf %get3A_1179, %get3A_1174 : vector<16xf32>
      %add3A_1181 = arith.addf %get3A_1169, %sub3A_1180 : vector<16xf32>
      %abs3A_1182 = math.absf %add3A_1181 : vector<16xf32>
      %get3A_1183 = arith.constant 5 : i32
      %get3A_1184 = arith.index_cast %rem3A_274 : i32 to index
      %get3A_1185 = arith.index_cast %get3A_1183 : i32 to index
      %get3A_1186 = arith.constant 96 : index
      %get3A_1187 = tpu.vector_load %arg11[%get3A_1184, %get3A_1185, %get3A_1186] {strides = array<i32>} : memref<8x16x128xf32, #tpu.memory_space<vmem>>, vector<16xf32>,
      %get3A_1188 = arith.constant 5 : i32
      %get3A_1189 = arith.index_cast %rem3A_274 : i32 to index
      %get3A_1190 = arith.index_cast %get3A_1188 : i32 to index
      %get3A_1191 = arith.constant 96 : index
      %get3A_1192 = tpu.vector_load %arg13[%get3A_1189, %get3A_1190, %get3A_1191] {strides = array<i32>} : memref<8x16x128xf32, #tpu.memory_space<vmem>>, vector<16xf32>,
      %get3A_1193 = arith.constant 5 : i32
      %get3A_1194 = arith.index_cast %rem3A_274 : i32 to index
      %get3A_1195 = arith.index_cast %get3A_1193 : i32 to index
      %get3A_1196 = arith.constant 96 : index
      %get3A_1197 = tpu.vector_load %arg12[%get3A_1194, %get3A_1195, %get3A_1196] {strides = array<i32>} : memref<8x16x128xf32, #tpu.memory_space<vmem>>, vector<16xf32>,
      %sub3A_1198 = arith.subf %get3A_1197, %get3A_1192 : vector<16xf32>
      %add3A_1199 = arith.addf %get3A_1187, %sub3A_1198 : vector<16xf32>
      %abs3A_1200 = math.absf %add3A_1199 : vector<16xf32>
      %get3A_1201 = arith.constant 5 : i32
      %get3A_1202 = arith.index_cast %rem3A_274 : i32 to index
      %get3A_1203 = arith.index_cast %get3A_1201 : i32 to index
      %get3A_1204 = arith.constant 112 : index
      %get3A_1205 = tpu.vector_load %arg11[%get3A_1202, %get3A_1203, %get3A_1204] {strides = array<i32>} : memref<8x16x128xf32, #tpu.memory_space<vmem>>, vector<16xf32>,
      %get3A_1206 = arith.constant 5 : i32
      %get3A_1207 = arith.index_cast %rem3A_274 : i32 to index
      %get3A_1208 = arith.index_cast %get3A_1206 : i32 to index
      %get3A_1209 = arith.constant 112 : index
      %get3A_1210 = tpu.vector_load %arg13[%get3A_1207, %get3A_1208, %get3A_1209] {strides = array<i32>} : memref<8x16x128xf32, #tpu.memory_space<vmem>>, vector<16xf32>,
      %get3A_1211 = arith.constant 5 : i32
      %get3A_1212 = arith.index_cast %rem3A_274 : i32 to index
      %get3A_1213 = arith.index_cast %get3A_1211 : i32 to index
      %get3A_1214 = arith.constant 112 : index
      %get3A_1215 = tpu.vector_load %arg12[%get3A_1212, %get3A_1213, %get3A_1214] {strides = array<i32>} : memref<8x16x128xf32, #tpu.memory_space<vmem>>, vector<16xf32>,
      %sub3A_1216 = arith.subf %get3A_1215, %get3A_1210 : vector<16xf32>
      %add3A_1217 = arith.addf %get3A_1205, %sub3A_1216 : vector<16xf32>
      %abs3A_1218 = math.absf %add3A_1217 : vector<16xf32>
      %add3A_1219 = arith.addf %abs3A_1092, %abs3A_1110 : vector<16xf32>
      %add3A_1220 = arith.addf %abs3A_1128, %abs3A_1146 : vector<16xf32>
      %add3A_1221 = arith.addf %abs3A_1164, %abs3A_1182 : vector<16xf32>
      %add3A_1222 = arith.addf %abs3A_1200, %abs3A_1218 : vector<16xf32>
      %add3A_1223 = arith.addf %add3A_1219, %add3A_1220 : vector<16xf32>
      %add3A_1224 = arith.addf %add3A_1221, %add3A_1222 : vector<16xf32>
      %add3A_1225 = arith.addf %add3A_1223, %add3A_1224 : vector<16xf32>
      %swap3A_1226 = arith.constant 80 : index
      %swap3A_1227 = tpu.vector_load %arg14[%swap3A_1226] {strides = array<i32>} : memref<256xf32, #tpu.memory_space<vmem>>, vector<16xf32>,
      tpu.vector_store %arg14[%swap3A_1226], %add3A_1225 {strides = array<i32>} : memref<256xf32, #tpu.memory_space<vmem>>, vector<16xf32>,
      %get3A_1228 = arith.constant 6 : i32
      %get3A_1229 = arith.index_cast %rem3A_274 : i32 to index
      %get3A_1230 = arith.index_cast %get3A_1228 : i32 to index
      %get3A_1231 = arith.constant 0 : index
      %get3A_1232 = tpu.vector_load %arg11[%get3A_1229, %get3A_1230, %get3A_1231] {strides = array<i32>} : memref<8x16x128xf32, #tpu.memory_space<vmem>>, vector<16xf32>,
      %get3A_1233 = arith.constant 6 : i32
      %get3A_1234 = arith.index_cast %rem3A_274 : i32 to index
      %get3A_1235 = arith.index_cast %get3A_1233 : i32 to index
      %get3A_1236 = arith.constant 0 : index
      %get3A_1237 = tpu.vector_load %arg13[%get3A_1234, %get3A_1235, %get3A_1236] {strides = array<i32>} : memref<8x16x128xf32, #tpu.memory_space<vmem>>, vector<16xf32>,
      %get3A_1238 = arith.constant 6 : i32
      %get3A_1239 = arith.index_cast %rem3A_274 : i32 to index
      %get3A_1240 = arith.index_cast %get3A_1238 : i32 to index
      %get3A_1241 = arith.constant 0 : index
      %get3A_1242 = tpu.vector_load %arg12[%get3A_1239, %get3A_1240, %get3A_1241] {strides = array<i32>} : memref<8x16x128xf32, #tpu.memory_space<vmem>>, vector<16xf32>,
      %sub3A_1243 = arith.subf %get3A_1242, %get3A_1237 : vector<16xf32>
      %add3A_1244 = arith.addf %get3A_1232, %sub3A_1243 : vector<16xf32>
      %abs3A_1245 = math.absf %add3A_1244 : vector<16xf32>
      %get3A_1246 = arith.constant 6 : i32
      %get3A_1247 = arith.index_cast %rem3A_274 : i32 to index
      %get3A_1248 = arith.index_cast %get3A_1246 : i32 to index
      %get3A_1249 = arith.constant 16 : index
      %get3A_1250 = tpu.vector_load %arg11[%get3A_1247, %get3A_1248, %get3A_1249] {strides = array<i32>} : memref<8x16x128xf32, #tpu.memory_space<vmem>>, vector<16xf32>,
      %get3A_1251 = arith.constant 6 : i32
      %get3A_1252 = arith.index_cast %rem3A_274 : i32 to index
      %get3A_1253 = arith.index_cast %get3A_1251 : i32 to index
      %get3A_1254 = arith.constant 16 : index
      %get3A_1255 = tpu.vector_load %arg13[%get3A_1252, %get3A_1253, %get3A_1254] {strides = array<i32>} : memref<8x16x128xf32, #tpu.memory_space<vmem>>, vector<16xf32>,
      %get3A_1256 = arith.constant 6 : i32
      %get3A_1257 = arith.index_cast %rem3A_274 : i32 to index
      %get3A_1258 = arith.index_cast %get3A_1256 : i32 to index
      %get3A_1259 = arith.constant 16 : index
      %get3A_1260 = tpu.vector_load %arg12[%get3A_1257, %get3A_1258, %get3A_1259] {strides = array<i32>} : memref<8x16x128xf32, #tpu.memory_space<vmem>>, vector<16xf32>,
      %sub3A_1261 = arith.subf %get3A_1260, %get3A_1255 : vector<16xf32>
      %add3A_1262 = arith.addf %get3A_1250, %sub3A_1261 : vector<16xf32>
      %abs3A_1263 = math.absf %add3A_1262 : vector<16xf32>
      %get3A_1264 = arith.constant 6 : i32
      %get3A_1265 = arith.index_cast %rem3A_274 : i32 to index
      %get3A_1266 = arith.index_cast %get3A_1264 : i32 to index
      %get3A_1267 = arith.constant 32 : index
      %get3A_1268 = tpu.vector_load %arg11[%get3A_1265, %get3A_1266, %get3A_1267] {strides = array<i32>} : memref<8x16x128xf32, #tpu.memory_space<vmem>>, vector<16xf32>,
      %get3A_1269 = arith.constant 6 : i32
      %get3A_1270 = arith.index_cast %rem3A_274 : i32 to index
      %get3A_1271 = arith.index_cast %get3A_1269 : i32 to index
      %get3A_1272 = arith.constant 32 : index
      %get3A_1273 = tpu.vector_load %arg13[%get3A_1270, %get3A_1271, %get3A_1272] {strides = array<i32>} : memref<8x16x128xf32, #tpu.memory_space<vmem>>, vector<16xf32>,
      %get3A_1274 = arith.constant 6 : i32
      %get3A_1275 = arith.index_cast %rem3A_274 : i32 to index
      %get3A_1276 = arith.index_cast %get3A_1274 : i32 to index
      %get3A_1277 = arith.constant 32 : index
      %get3A_1278 = tpu.vector_load %arg12[%get3A_1275, %get3A_1276, %get3A_1277] {strides = array<i32>} : memref<8x16x128xf32, #tpu.memory_space<vmem>>, vector<16xf32>,
      %sub3A_1279 = arith.subf %get3A_1278, %get3A_1273 : vector<16xf32>
      %add3A_1280 = arith.addf %get3A_1268, %sub3A_1279 : vector<16xf32>
      %abs3A_1281 = math.absf %add3A_1280 : vector<16xf32>
      %get3A_1282 = arith.constant 6 : i32
      %get3A_1283 = arith.index_cast %rem3A_274 : i32 to index
      %get3A_1284 = arith.index_cast %get3A_1282 : i32 to index
      %get3A_1285 = arith.constant 48 : index
      %get3A_1286 = tpu.vector_load %arg11[%get3A_1283, %get3A_1284, %get3A_1285] {strides = array<i32>} : memref<8x16x128xf32, #tpu.memory_space<vmem>>, vector<16xf32>,
      %get3A_1287 = arith.constant 6 : i32
      %get3A_1288 = arith.index_cast %rem3A_274 : i32 to index
      %get3A_1289 = arith.index_cast %get3A_1287 : i32 to index
      %get3A_1290 = arith.constant 48 : index
      %get3A_1291 = tpu.vector_load %arg13[%get3A_1288, %get3A_1289, %get3A_1290] {strides = array<i32>} : memref<8x16x128xf32, #tpu.memory_space<vmem>>, vector<16xf32>,
      %get3A_1292 = arith.constant 6 : i32
      %get3A_1293 = arith.index_cast %rem3A_274 : i32 to index
      %get3A_1294 = arith.index_cast %get3A_1292 : i32 to index
      %get3A_1295 = arith.constant 48 : index
      %get3A_1296 = tpu.vector_load %arg12[%get3A_1293, %get3A_1294, %get3A_1295] {strides = array<i32>} : memref<8x16x128xf32, #tpu.memory_space<vmem>>, vector<16xf32>,
      %sub3A_1297 = arith.subf %get3A_1296, %get3A_1291 : vector<16xf32>
      %add3A_1298 = arith.addf %get3A_1286, %sub3A_1297 : vector<16xf32>
      %abs3A_1299 = math.absf %add3A_1298 : vector<16xf32>
      %get3A_1300 = arith.constant 6 : i32
      %get3A_1301 = arith.index_cast %rem3A_274 : i32 to index
      %get3A_1302 = arith.index_cast %get3A_1300 : i32 to index
      %get3A_1303 = arith.constant 64 : index
      %get3A_1304 = tpu.vector_load %arg11[%get3A_1301, %get3A_1302, %get3A_1303] {strides = array<i32>} : memref<8x16x128xf32, #tpu.memory_space<vmem>>, vector<16xf32>,
      %get3A_1305 = arith.constant 6 : i32
      %get3A_1306 = arith.index_cast %rem3A_274 : i32 to index
      %get3A_1307 = arith.index_cast %get3A_1305 : i32 to index
      %get3A_1308 = arith.constant 64 : index
      %get3A_1309 = tpu.vector_load %arg13[%get3A_1306, %get3A_1307, %get3A_1308] {strides = array<i32>} : memref<8x16x128xf32, #tpu.memory_space<vmem>>, vector<16xf32>,
      %get3A_1310 = arith.constant 6 : i32
      %get3A_1311 = arith.index_cast %rem3A_274 : i32 to index
      %get3A_1312 = arith.index_cast %get3A_1310 : i32 to index
      %get3A_1313 = arith.constant 64 : index
      %get3A_1314 = tpu.vector_load %arg12[%get3A_1311, %get3A_1312, %get3A_1313] {strides = array<i32>} : memref<8x16x128xf32, #tpu.memory_space<vmem>>, vector<16xf32>,
      %sub3A_1315 = arith.subf %get3A_1314, %get3A_1309 : vector<16xf32>
      %add3A_1316 = arith.addf %get3A_1304, %sub3A_1315 : vector<16xf32>
      %abs3A_1317 = math.absf %add3A_1316 : vector<16xf32>
      %get3A_1318 = arith.constant 6 : i32
      %get3A_1319 = arith.index_cast %rem3A_274 : i32 to index
      %get3A_1320 = arith.index_cast %get3A_1318 : i32 to index
      %get3A_1321 = arith.constant 80 : index
      %get3A_1322 = tpu.vector_load %arg11[%get3A_1319, %get3A_1320, %get3A_1321] {strides = array<i32>} : memref<8x16x128xf32, #tpu.memory_space<vmem>>, vector<16xf32>,
      %get3A_1323 = arith.constant 6 : i32
      %get3A_1324 = arith.index_cast %rem3A_274 : i32 to index
      %get3A_1325 = arith.index_cast %get3A_1323 : i32 to index
      %get3A_1326 = arith.constant 80 : index
      %get3A_1327 = tpu.vector_load %arg13[%get3A_1324, %get3A_1325, %get3A_1326] {strides = array<i32>} : memref<8x16x128xf32, #tpu.memory_space<vmem>>, vector<16xf32>,
      %get3A_1328 = arith.constant 6 : i32
      %get3A_1329 = arith.index_cast %rem3A_274 : i32 to index
      %get3A_1330 = arith.index_cast %get3A_1328 : i32 to index
      %get3A_1331 = arith.constant 80 : index
      %get3A_1332 = tpu.vector_load %arg12[%get3A_1329, %get3A_1330, %get3A_1331] {strides = array<i32>} : memref<8x16x128xf32, #tpu.memory_space<vmem>>, vector<16xf32>,
      %sub3A_1333 = arith.subf %get3A_1332, %get3A_1327 : vector<16xf32>
      %add3A_1334 = arith.addf %get3A_1322, %sub3A_1333 : vector<16xf32>
      %abs3A_1335 = math.absf %add3A_1334 : vector<16xf32>
      %get3A_1336 = arith.constant 6 : i32
      %get3A_1337 = arith.index_cast %rem3A_274 : i32 to index
      %get3A_1338 = arith.index_cast %get3A_1336 : i32 to index
      %get3A_1339 = arith.constant 96 : index
      %get3A_1340 = tpu.vector_load %arg11[%get3A_1337, %get3A_1338, %get3A_1339] {strides = array<i32>} : memref<8x16x128xf32, #tpu.memory_space<vmem>>, vector<16xf32>,
      %get3A_1341 = arith.constant 6 : i32
      %get3A_1342 = arith.index_cast %rem3A_274 : i32 to index
      %get3A_1343 = arith.index_cast %get3A_1341 : i32 to index
      %get3A_1344 = arith.constant 96 : index
      %get3A_1345 = tpu.vector_load %arg13[%get3A_1342, %get3A_1343, %get3A_1344] {strides = array<i32>} : memref<8x16x128xf32, #tpu.memory_space<vmem>>, vector<16xf32>,
      %get3A_1346 = arith.constant 6 : i32
      %get3A_1347 = arith.index_cast %rem3A_274 : i32 to index
      %get3A_1348 = arith.index_cast %get3A_1346 : i32 to index
      %get3A_1349 = arith.constant 96 : index
      %get3A_1350 = tpu.vector_load %arg12[%get3A_1347, %get3A_1348, %get3A_1349] {strides = array<i32>} : memref<8x16x128xf32, #tpu.memory_space<vmem>>, vector<16xf32>,
      %sub3A_1351 = arith.subf %get3A_1350, %get3A_1345 : vector<16xf32>
      %add3A_1352 = arith.addf %get3A_1340, %sub3A_1351 : vector<16xf32>
      %abs3A_1353 = math.absf %add3A_1352 : vector<16xf32>
      %get3A_1354 = arith.constant 6 : i32
      %get3A_1355 = arith.index_cast %rem3A_274 : i32 to index
      %get3A_1356 = arith.index_cast %get3A_1354 : i32 to index
      %get3A_1357 = arith.constant 112 : index
      %get3A_1358 = tpu.vector_load %arg11[%get3A_1355, %get3A_1356, %get3A_1357] {strides = array<i32>} : memref<8x16x128xf32, #tpu.memory_space<vmem>>, vector<16xf32>,
      %get3A_1359 = arith.constant 6 : i32
      %get3A_1360 = arith.index_cast %rem3A_274 : i32 to index
      %get3A_1361 = arith.index_cast %get3A_1359 : i32 to index
      %get3A_1362 = arith.constant 112 : index
      %get3A_1363 = tpu.vector_load %arg13[%get3A_1360, %get3A_1361, %get3A_1362] {strides = array<i32>} : memref<8x16x128xf32, #tpu.memory_space<vmem>>, vector<16xf32>,
      %get3A_1364 = arith.constant 6 : i32
      %get3A_1365 = arith.index_cast %rem3A_274 : i32 to index
      %get3A_1366 = arith.index_cast %get3A_1364 : i32 to index
      %get3A_1367 = arith.constant 112 : index
      %get3A_1368 = tpu.vector_load %arg12[%get3A_1365, %get3A_1366, %get3A_1367] {strides = array<i32>} : memref<8x16x128xf32, #tpu.memory_space<vmem>>, vector<16xf32>,
      %sub3A_1369 = arith.subf %get3A_1368, %get3A_1363 : vector<16xf32>
      %add3A_1370 = arith.addf %get3A_1358, %sub3A_1369 : vector<16xf32>
      %abs3A_1371 = math.absf %add3A_1370 : vector<16xf32>
      %add3A_1372 = arith.addf %abs3A_1245, %abs3A_1263 : vector<16xf32>
      %add3A_1373 = arith.addf %abs3A_1281, %abs3A_1299 : vector<16xf32>
      %add3A_1374 = arith.addf %abs3A_1317, %abs3A_1335 : vector<16xf32>
      %add3A_1375 = arith.addf %abs3A_1353, %abs3A_1371 : vector<16xf32>
      %add3A_1376 = arith.addf %add3A_1372, %add3A_1373 : vector<16xf32>
      %add3A_1377 = arith.addf %add3A_1374, %add3A_1375 : vector<16xf32>
      %add3A_1378 = arith.addf %add3A_1376, %add3A_1377 : vector<16xf32>
      %swap3A_1379 = arith.constant 96 : index
      %swap3A_1380 = tpu.vector_load %arg14[%swap3A_1379] {strides = array<i32>} : memref<256xf32, #tpu.memory_space<vmem>>, vector<16xf32>,
      tpu.vector_store %arg14[%swap3A_1379], %add3A_1378 {strides = array<i32>} : memref<256xf32, #tpu.memory_space<vmem>>, vector<16xf32>,
      %get3A_1381 = arith.constant 7 : i32
      %get3A_1382 = arith.index_cast %rem3A_274 : i32 to index
      %get3A_1383 = arith.index_cast %get3A_1381 : i32 to index
      %get3A_1384 = arith.constant 0 : index
      %get3A_1385 = tpu.vector_load %arg11[%get3A_1382, %get3A_1383, %get3A_1384] {strides = array<i32>} : memref<8x16x128xf32, #tpu.memory_space<vmem>>, vector<16xf32>,
      %get3A_1386 = arith.constant 7 : i32
      %get3A_1387 = arith.index_cast %rem3A_274 : i32 to index
      %get3A_1388 = arith.index_cast %get3A_1386 : i32 to index
      %get3A_1389 = arith.constant 0 : index
      %get3A_1390 = tpu.vector_load %arg13[%get3A_1387, %get3A_1388, %get3A_1389] {strides = array<i32>} : memref<8x16x128xf32, #tpu.memory_space<vmem>>, vector<16xf32>,
      %get3A_1391 = arith.constant 7 : i32
      %get3A_1392 = arith.index_cast %rem3A_274 : i32 to index
      %get3A_1393 = arith.index_cast %get3A_1391 : i32 to index
      %get3A_1394 = arith.constant 0 : index
      %get3A_1395 = tpu.vector_load %arg12[%get3A_1392, %get3A_1393, %get3A_1394] {strides = array<i32>} : memref<8x16x128xf32, #tpu.memory_space<vmem>>, vector<16xf32>,
      %sub3A_1396 = arith.subf %get3A_1395, %get3A_1390 : vector<16xf32>
      %add3A_1397 = arith.addf %get3A_1385, %sub3A_1396 : vector<16xf32>
      %abs3A_1398 = math.absf %add3A_1397 : vector<16xf32>
      %get3A_1399 = arith.constant 7 : i32
      %get3A_1400 = arith.index_cast %rem3A_274 : i32 to index
      %get3A_1401 = arith.index_cast %get3A_1399 : i32 to index
      %get3A_1402 = arith.constant 16 : index
      %get3A_1403 = tpu.vector_load %arg11[%get3A_1400, %get3A_1401, %get3A_1402] {strides = array<i32>} : memref<8x16x128xf32, #tpu.memory_space<vmem>>, vector<16xf32>,
      %get3A_1404 = arith.constant 7 : i32
      %get3A_1405 = arith.index_cast %rem3A_274 : i32 to index
      %get3A_1406 = arith.index_cast %get3A_1404 : i32 to index
      %get3A_1407 = arith.constant 16 : index
      %get3A_1408 = tpu.vector_load %arg13[%get3A_1405, %get3A_1406, %get3A_1407] {strides = array<i32>} : memref<8x16x128xf32, #tpu.memory_space<vmem>>, vector<16xf32>,
      %get3A_1409 = arith.constant 7 : i32
      %get3A_1410 = arith.index_cast %rem3A_274 : i32 to index
      %get3A_1411 = arith.index_cast %get3A_1409 : i32 to index
      %get3A_1412 = arith.constant 16 : index
      %get3A_1413 = tpu.vector_load %arg12[%get3A_1410, %get3A_1411, %get3A_1412] {strides = array<i32>} : memref<8x16x128xf32, #tpu.memory_space<vmem>>, vector<16xf32>,
      %sub3A_1414 = arith.subf %get3A_1413, %get3A_1408 : vector<16xf32>
      %add3A_1415 = arith.addf %get3A_1403, %sub3A_1414 : vector<16xf32>
      %abs3A_1416 = math.absf %add3A_1415 : vector<16xf32>
      %get3A_1417 = arith.constant 7 : i32
      %get3A_1418 = arith.index_cast %rem3A_274 : i32 to index
      %get3A_1419 = arith.index_cast %get3A_1417 : i32 to index
      %get3A_1420 = arith.constant 32 : index
      %get3A_1421 = tpu.vector_load %arg11[%get3A_1418, %get3A_1419, %get3A_1420] {strides = array<i32>} : memref<8x16x128xf32, #tpu.memory_space<vmem>>, vector<16xf32>,
      %get3A_1422 = arith.constant 7 : i32
      %get3A_1423 = arith.index_cast %rem3A_274 : i32 to index
      %get3A_1424 = arith.index_cast %get3A_1422 : i32 to index
      %get3A_1425 = arith.constant 32 : index
      %get3A_1426 = tpu.vector_load %arg13[%get3A_1423, %get3A_1424, %get3A_1425] {strides = array<i32>} : memref<8x16x128xf32, #tpu.memory_space<vmem>>, vector<16xf32>,
      %get3A_1427 = arith.constant 7 : i32
      %get3A_1428 = arith.index_cast %rem3A_274 : i32 to index
      %get3A_1429 = arith.index_cast %get3A_1427 : i32 to index
      %get3A_1430 = arith.constant 32 : index
      %get3A_1431 = tpu.vector_load %arg12[%get3A_1428, %get3A_1429, %get3A_1430] {strides = array<i32>} : memref<8x16x128xf32, #tpu.memory_space<vmem>>, vector<16xf32>,
      %sub3A_1432 = arith.subf %get3A_1431, %get3A_1426 : vector<16xf32>
      %add3A_1433 = arith.addf %get3A_1421, %sub3A_1432 : vector<16xf32>
      %abs3A_1434 = math.absf %add3A_1433 : vector<16xf32>
      %get3A_1435 = arith.constant 7 : i32
      %get3A_1436 = arith.index_cast %rem3A_274 : i32 to index
      %get3A_1437 = arith.index_cast %get3A_1435 : i32 to index
      %get3A_1438 = arith.constant 48 : index
      %get3A_1439 = tpu.vector_load %arg11[%get3A_1436, %get3A_1437, %get3A_1438] {strides = array<i32>} : memref<8x16x128xf32, #tpu.memory_space<vmem>>, vector<16xf32>,
      %get3A_1440 = arith.constant 7 : i32
      %get3A_1441 = arith.index_cast %rem3A_274 : i32 to index
      %get3A_1442 = arith.index_cast %get3A_1440 : i32 to index
      %get3A_1443 = arith.constant 48 : index
      %get3A_1444 = tpu.vector_load %arg13[%get3A_1441, %get3A_1442, %get3A_1443] {strides = array<i32>} : memref<8x16x128xf32, #tpu.memory_space<vmem>>, vector<16xf32>,
      %get3A_1445 = arith.constant 7 : i32
      %get3A_1446 = arith.index_cast %rem3A_274 : i32 to index
      %get3A_1447 = arith.index_cast %get3A_1445 : i32 to index
      %get3A_1448 = arith.constant 48 : index
      %get3A_1449 = tpu.vector_load %arg12[%get3A_1446, %get3A_1447, %get3A_1448] {strides = array<i32>} : memref<8x16x128xf32, #tpu.memory_space<vmem>>, vector<16xf32>,
      %sub3A_1450 = arith.subf %get3A_1449, %get3A_1444 : vector<16xf32>
      %add3A_1451 = arith.addf %get3A_1439, %sub3A_1450 : vector<16xf32>
      %abs3A_1452 = math.absf %add3A_1451 : vector<16xf32>
      %get3A_1453 = arith.constant 7 : i32
      %get3A_1454 = arith.index_cast %rem3A_274 : i32 to index
      %get3A_1455 = arith.index_cast %get3A_1453 : i32 to index
      %get3A_1456 = arith.constant 64 : index
      %get3A_1457 = tpu.vector_load %arg11[%get3A_1454, %get3A_1455, %get3A_1456] {strides = array<i32>} : memref<8x16x128xf32, #tpu.memory_space<vmem>>, vector<16xf32>,
      %get3A_1458 = arith.constant 7 : i32
      %get3A_1459 = arith.index_cast %rem3A_274 : i32 to index
      %get3A_1460 = arith.index_cast %get3A_1458 : i32 to index
      %get3A_1461 = arith.constant 64 : index
      %get3A_1462 = tpu.vector_load %arg13[%get3A_1459, %get3A_1460, %get3A_1461] {strides = array<i32>} : memref<8x16x128xf32, #tpu.memory_space<vmem>>, vector<16xf32>,
      %get3A_1463 = arith.constant 7 : i32
      %get3A_1464 = arith.index_cast %rem3A_274 : i32 to index
      %get3A_1465 = arith.index_cast %get3A_1463 : i32 to index
      %get3A_1466 = arith.constant 64 : index
      %get3A_1467 = tpu.vector_load %arg12[%get3A_1464, %get3A_1465, %get3A_1466] {strides = array<i32>} : memref<8x16x128xf32, #tpu.memory_space<vmem>>, vector<16xf32>,
      %sub3A_1468 = arith.subf %get3A_1467, %get3A_1462 : vector<16xf32>
      %add3A_1469 = arith.addf %get3A_1457, %sub3A_1468 : vector<16xf32>
      %abs3A_1470 = math.absf %add3A_1469 : vector<16xf32>
      %get3A_1471 = arith.constant 7 : i32
      %get3A_1472 = arith.index_cast %rem3A_274 : i32 to index
      %get3A_1473 = arith.index_cast %get3A_1471 : i32 to index
      %get3A_1474 = arith.constant 80 : index
      %get3A_1475 = tpu.vector_load %arg11[%get3A_1472, %get3A_1473, %get3A_1474] {strides = array<i32>} : memref<8x16x128xf32, #tpu.memory_space<vmem>>, vector<16xf32>,
      %get3A_1476 = arith.constant 7 : i32
      %get3A_1477 = arith.index_cast %rem3A_274 : i32 to index
      %get3A_1478 = arith.index_cast %get3A_1476 : i32 to index
      %get3A_1479 = arith.constant 80 : index
      %get3A_1480 = tpu.vector_load %arg13[%get3A_1477, %get3A_1478, %get3A_1479] {strides = array<i32>} : memref<8x16x128xf32, #tpu.memory_space<vmem>>, vector<16xf32>,
      %get3A_1481 = arith.constant 7 : i32
      %get3A_1482 = arith.index_cast %rem3A_274 : i32 to index
      %get3A_1483 = arith.index_cast %get3A_1481 : i32 to index
      %get3A_1484 = arith.constant 80 : index
      %get3A_1485 = tpu.vector_load %arg12[%get3A_1482, %get3A_1483, %get3A_1484] {strides = array<i32>} : memref<8x16x128xf32, #tpu.memory_space<vmem>>, vector<16xf32>,
      %sub3A_1486 = arith.subf %get3A_1485, %get3A_1480 : vector<16xf32>
      %add3A_1487 = arith.addf %get3A_1475, %sub3A_1486 : vector<16xf32>
      %abs3A_1488 = math.absf %add3A_1487 : vector<16xf32>
      %get3A_1489 = arith.constant 7 : i32
      %get3A_1490 = arith.index_cast %rem3A_274 : i32 to index
      %get3A_1491 = arith.index_cast %get3A_1489 : i32 to index
      %get3A_1492 = arith.constant 96 : index
      %get3A_1493 = tpu.vector_load %arg11[%get3A_1490, %get3A_1491, %get3A_1492] {strides = array<i32>} : memref<8x16x128xf32, #tpu.memory_space<vmem>>, vector<16xf32>,
      %get3A_1494 = arith.constant 7 : i32
      %get3A_1495 = arith.index_cast %rem3A_274 : i32 to index
      %get3A_1496 = arith.index_cast %get3A_1494 : i32 to index
      %get3A_1497 = arith.constant 96 : index
      %get3A_1498 = tpu.vector_load %arg13[%get3A_1495, %get3A_1496, %get3A_1497] {strides = array<i32>} : memref<8x16x128xf32, #tpu.memory_space<vmem>>, vector<16xf32>,
      %get3A_1499 = arith.constant 7 : i32
      %get3A_1500 = arith.index_cast %rem3A_274 : i32 to index
      %get3A_1501 = arith.index_cast %get3A_1499 : i32 to index
      %get3A_1502 = arith.constant 96 : index
      %get3A_1503 = tpu.vector_load %arg12[%get3A_1500, %get3A_1501, %get3A_1502] {strides = array<i32>} : memref<8x16x128xf32, #tpu.memory_space<vmem>>, vector<16xf32>,
      %sub3A_1504 = arith.subf %get3A_1503, %get3A_1498 : vector<16xf32>
      %add3A_1505 = arith.addf %get3A_1493, %sub3A_1504 : vector<16xf32>
      %abs3A_1506 = math.absf %add3A_1505 : vector<16xf32>
      %get3A_1507 = arith.constant 7 : i32
      %get3A_1508 = arith.index_cast %rem3A_274 : i32 to index
      %get3A_1509 = arith.index_cast %get3A_1507 : i32 to index
      %get3A_1510 = arith.constant 112 : index
      %get3A_1511 = tpu.vector_load %arg11[%get3A_1508, %get3A_1509, %get3A_1510] {strides = array<i32>} : memref<8x16x128xf32, #tpu.memory_space<vmem>>, vector<16xf32>,
      %get3A_1512 = arith.constant 7 : i32
      %get3A_1513 = arith.index_cast %rem3A_274 : i32 to index
      %get3A_1514 = arith.index_cast %get3A_1512 : i32 to index
      %get3A_1515 = arith.constant 112 : index
      %get3A_1516 = tpu.vector_load %arg13[%get3A_1513, %get3A_1514, %get3A_1515] {strides = array<i32>} : memref<8x16x128xf32, #tpu.memory_space<vmem>>, vector<16xf32>,
      %get3A_1517 = arith.constant 7 : i32
      %get3A_1518 = arith.index_cast %rem3A_274 : i32 to index
      %get3A_1519 = arith.index_cast %get3A_1517 : i32 to index
      %get3A_1520 = arith.constant 112 : index
      %get3A_1521 = tpu.vector_load %arg12[%get3A_1518, %get3A_1519, %get3A_1520] {strides = array<i32>} : memref<8x16x128xf32, #tpu.memory_space<vmem>>, vector<16xf32>,
      %sub3A_1522 = arith.subf %get3A_1521, %get3A_1516 : vector<16xf32>
      %add3A_1523 = arith.addf %get3A_1511, %sub3A_1522 : vector<16xf32>
      %abs3A_1524 = math.absf %add3A_1523 : vector<16xf32>
      %add3A_1525 = arith.addf %abs3A_1398, %abs3A_1416 : vector<16xf32>
      %add3A_1526 = arith.addf %abs3A_1434, %abs3A_1452 : vector<16xf32>
      %add3A_1527 = arith.addf %abs3A_1470, %abs3A_1488 : vector<16xf32>
      %add3A_1528 = arith.addf %abs3A_1506, %abs3A_1524 : vector<16xf32>
      %add3A_1529 = arith.addf %add3A_1525, %add3A_1526 : vector<16xf32>
      %add3A_1530 = arith.addf %add3A_1527, %add3A_1528 : vector<16xf32>
      %add3A_1531 = arith.addf %add3A_1529, %add3A_1530 : vector<16xf32>
      %swap3A_1532 = arith.constant 112 : index
      %swap3A_1533 = tpu.vector_load %arg14[%swap3A_1532] {strides = array<i32>} : memref<256xf32, #tpu.memory_space<vmem>>, vector<16xf32>,
      tpu.vector_store %arg14[%swap3A_1532], %add3A_1531 {strides = array<i32>} : memref<256xf32, #tpu.memory_space<vmem>>, vector<16xf32>,
      %get3A_1534 = arith.constant 8 : i32
      %get3A_1535 = arith.index_cast %rem3A_274 : i32 to index
      %get3A_1536 = arith.index_cast %get3A_1534 : i32 to index
      %get3A_1537 = arith.constant 0 : index
      %get3A_1538 = tpu.vector_load %arg11[%get3A_1535, %get3A_1536, %get3A_1537] {strides = array<i32>} : memref<8x16x128xf32, #tpu.memory_space<vmem>>, vector<16xf32>,
      %get3A_1539 = arith.constant 8 : i32
      %get3A_1540 = arith.index_cast %rem3A_274 : i32 to index
      %get3A_1541 = arith.index_cast %get3A_1539 : i32 to index
      %get3A_1542 = arith.constant 0 : index
      %get3A_1543 = tpu.vector_load %arg13[%get3A_1540, %get3A_1541, %get3A_1542] {strides = array<i32>} : memref<8x16x128xf32, #tpu.memory_space<vmem>>, vector<16xf32>,
      %get3A_1544 = arith.constant 8 : i32
      %get3A_1545 = arith.index_cast %rem3A_274 : i32 to index
      %get3A_1546 = arith.index_cast %get3A_1544 : i32 to index
      %get3A_1547 = arith.constant 0 : index
      %get3A_1548 = tpu.vector_load %arg12[%get3A_1545, %get3A_1546, %get3A_1547] {strides = array<i32>} : memref<8x16x128xf32, #tpu.memory_space<vmem>>, vector<16xf32>,
      %sub3A_1549 = arith.subf %get3A_1548, %get3A_1543 : vector<16xf32>
      %add3A_1550 = arith.addf %get3A_1538, %sub3A_1549 : vector<16xf32>
      %abs3A_1551 = math.absf %add3A_1550 : vector<16xf32>
      %get3A_1552 = arith.constant 8 : i32
      %get3A_1553 = arith.index_cast %rem3A_274 : i32 to index
      %get3A_1554 = arith.index_cast %get3A_1552 : i32 to index
      %get3A_1555 = arith.constant 16 : index
      %get3A_1556 = tpu.vector_load %arg11[%get3A_1553, %get3A_1554, %get3A_1555] {strides = array<i32>} : memref<8x16x128xf32, #tpu.memory_space<vmem>>, vector<16xf32>,
      %get3A_1557 = arith.constant 8 : i32
      %get3A_1558 = arith.index_cast %rem3A_274 : i32 to index
      %get3A_1559 = arith.index_cast %get3A_1557 : i32 to index
      %get3A_1560 = arith.constant 16 : index
      %get3A_1561 = tpu.vector_load %arg13[%get3A_1558, %get3A_1559, %get3A_1560] {strides = array<i32>} : memref<8x16x128xf32, #tpu.memory_space<vmem>>, vector<16xf32>,
      %get3A_1562 = arith.constant 8 : i32
      %get3A_1563 = arith.index_cast %rem3A_274 : i32 to index
      %get3A_1564 = arith.index_cast %get3A_1562 : i32 to index
      %get3A_1565 = arith.constant 16 : index
      %get3A_1566 = tpu.vector_load %arg12[%get3A_1563, %get3A_1564, %get3A_1565] {strides = array<i32>} : memref<8x16x128xf32, #tpu.memory_space<vmem>>, vector<16xf32>,
      %sub3A_1567 = arith.subf %get3A_1566, %get3A_1561 : vector<16xf32>
      %add3A_1568 = arith.addf %get3A_1556, %sub3A_1567 : vector<16xf32>
      %abs3A_1569 = math.absf %add3A_1568 : vector<16xf32>
      %get3A_1570 = arith.constant 8 : i32
      %get3A_1571 = arith.index_cast %rem3A_274 : i32 to index
      %get3A_1572 = arith.index_cast %get3A_1570 : i32 to index
      %get3A_1573 = arith.constant 32 : index
      %get3A_1574 = tpu.vector_load %arg11[%get3A_1571, %get3A_1572, %get3A_1573] {strides = array<i32>} : memref<8x16x128xf32, #tpu.memory_space<vmem>>, vector<16xf32>,
      %get3A_1575 = arith.constant 8 : i32
      %get3A_1576 = arith.index_cast %rem3A_274 : i32 to index
      %get3A_1577 = arith.index_cast %get3A_1575 : i32 to index
      %get3A_1578 = arith.constant 32 : index
      %get3A_1579 = tpu.vector_load %arg13[%get3A_1576, %get3A_1577, %get3A_1578] {strides = array<i32>} : memref<8x16x128xf32, #tpu.memory_space<vmem>>, vector<16xf32>,
      %get3A_1580 = arith.constant 8 : i32
      %get3A_1581 = arith.index_cast %rem3A_274 : i32 to index
      %get3A_1582 = arith.index_cast %get3A_1580 : i32 to index
      %get3A_1583 = arith.constant 32 : index
      %get3A_1584 = tpu.vector_load %arg12[%get3A_1581, %get3A_1582, %get3A_1583] {strides = array<i32>} : memref<8x16x128xf32, #tpu.memory_space<vmem>>, vector<16xf32>,
      %sub3A_1585 = arith.subf %get3A_1584, %get3A_1579 : vector<16xf32>
      %add3A_1586 = arith.addf %get3A_1574, %sub3A_1585 : vector<16xf32>
      %abs3A_1587 = math.absf %add3A_1586 : vector<16xf32>
      %get3A_1588 = arith.constant 8 : i32
      %get3A_1589 = arith.index_cast %rem3A_274 : i32 to index
      %get3A_1590 = arith.index_cast %get3A_1588 : i32 to index
      %get3A_1591 = arith.constant 48 : index
      %get3A_1592 = tpu.vector_load %arg11[%get3A_1589, %get3A_1590, %get3A_1591] {strides = array<i32>} : memref<8x16x128xf32, #tpu.memory_space<vmem>>, vector<16xf32>,
      %get3A_1593 = arith.constant 8 : i32
      %get3A_1594 = arith.index_cast %rem3A_274 : i32 to index
      %get3A_1595 = arith.index_cast %get3A_1593 : i32 to index
      %get3A_1596 = arith.constant 48 : index
      %get3A_1597 = tpu.vector_load %arg13[%get3A_1594, %get3A_1595, %get3A_1596] {strides = array<i32>} : memref<8x16x128xf32, #tpu.memory_space<vmem>>, vector<16xf32>,
      %get3A_1598 = arith.constant 8 : i32
      %get3A_1599 = arith.index_cast %rem3A_274 : i32 to index
      %get3A_1600 = arith.index_cast %get3A_1598 : i32 to index
      %get3A_1601 = arith.constant 48 : index
      %get3A_1602 = tpu.vector_load %arg12[%get3A_1599, %get3A_1600, %get3A_1601] {strides = array<i32>} : memref<8x16x128xf32, #tpu.memory_space<vmem>>, vector<16xf32>,
      %sub3A_1603 = arith.subf %get3A_1602, %get3A_1597 : vector<16xf32>
      %add3A_1604 = arith.addf %get3A_1592, %sub3A_1603 : vector<16xf32>
      %abs3A_1605 = math.absf %add3A_1604 : vector<16xf32>
      %get3A_1606 = arith.constant 8 : i32
      %get3A_1607 = arith.index_cast %rem3A_274 : i32 to index
      %get3A_1608 = arith.index_cast %get3A_1606 : i32 to index
      %get3A_1609 = arith.constant 64 : index
      %get3A_1610 = tpu.vector_load %arg11[%get3A_1607, %get3A_1608, %get3A_1609] {strides = array<i32>} : memref<8x16x128xf32, #tpu.memory_space<vmem>>, vector<16xf32>,
      %get3A_1611 = arith.constant 8 : i32
      %get3A_1612 = arith.index_cast %rem3A_274 : i32 to index
      %get3A_1613 = arith.index_cast %get3A_1611 : i32 to index
      %get3A_1614 = arith.constant 64 : index
      %get3A_1615 = tpu.vector_load %arg13[%get3A_1612, %get3A_1613, %get3A_1614] {strides = array<i32>} : memref<8x16x128xf32, #tpu.memory_space<vmem>>, vector<16xf32>,
      %get3A_1616 = arith.constant 8 : i32
      %get3A_1617 = arith.index_cast %rem3A_274 : i32 to index
      %get3A_1618 = arith.index_cast %get3A_1616 : i32 to index
      %get3A_1619 = arith.constant 64 : index
      %get3A_1620 = tpu.vector_load %arg12[%get3A_1617, %get3A_1618, %get3A_1619] {strides = array<i32>} : memref<8x16x128xf32, #tpu.memory_space<vmem>>, vector<16xf32>,
      %sub3A_1621 = arith.subf %get3A_1620, %get3A_1615 : vector<16xf32>
      %add3A_1622 = arith.addf %get3A_1610, %sub3A_1621 : vector<16xf32>
      %abs3A_1623 = math.absf %add3A_1622 : vector<16xf32>
      %get3A_1624 = arith.constant 8 : i32
      %get3A_1625 = arith.index_cast %rem3A_274 : i32 to index
      %get3A_1626 = arith.index_cast %get3A_1624 : i32 to index
      %get3A_1627 = arith.constant 80 : index
      %get3A_1628 = tpu.vector_load %arg11[%get3A_1625, %get3A_1626, %get3A_1627] {strides = array<i32>} : memref<8x16x128xf32, #tpu.memory_space<vmem>>, vector<16xf32>,
      %get3A_1629 = arith.constant 8 : i32
      %get3A_1630 = arith.index_cast %rem3A_274 : i32 to index
      %get3A_1631 = arith.index_cast %get3A_1629 : i32 to index
      %get3A_1632 = arith.constant 80 : index
      %get3A_1633 = tpu.vector_load %arg13[%get3A_1630, %get3A_1631, %get3A_1632] {strides = array<i32>} : memref<8x16x128xf32, #tpu.memory_space<vmem>>, vector<16xf32>,
      %get3A_1634 = arith.constant 8 : i32
      %get3A_1635 = arith.index_cast %rem3A_274 : i32 to index
      %get3A_1636 = arith.index_cast %get3A_1634 : i32 to index
      %get3A_1637 = arith.constant 80 : index
      %get3A_1638 = tpu.vector_load %arg12[%get3A_1635, %get3A_1636, %get3A_1637] {strides = array<i32>} : memref<8x16x128xf32, #tpu.memory_space<vmem>>, vector<16xf32>,
      %sub3A_1639 = arith.subf %get3A_1638, %get3A_1633 : vector<16xf32>
      %add3A_1640 = arith.addf %get3A_1628, %sub3A_1639 : vector<16xf32>
      %abs3A_1641 = math.absf %add3A_1640 : vector<16xf32>
      %get3A_1642 = arith.constant 8 : i32
      %get3A_1643 = arith.index_cast %rem3A_274 : i32 to index
      %get3A_1644 = arith.index_cast %get3A_1642 : i32 to index
      %get3A_1645 = arith.constant 96 : index
      %get3A_1646 = tpu.vector_load %arg11[%get3A_1643, %get3A_1644, %get3A_1645] {strides = array<i32>} : memref<8x16x128xf32, #tpu.memory_space<vmem>>, vector<16xf32>,
      %get3A_1647 = arith.constant 8 : i32
      %get3A_1648 = arith.index_cast %rem3A_274 : i32 to index
      %get3A_1649 = arith.index_cast %get3A_1647 : i32 to index
      %get3A_1650 = arith.constant 96 : index
      %get3A_1651 = tpu.vector_load %arg13[%get3A_1648, %get3A_1649, %get3A_1650] {strides = array<i32>} : memref<8x16x128xf32, #tpu.memory_space<vmem>>, vector<16xf32>,
      %get3A_1652 = arith.constant 8 : i32
      %get3A_1653 = arith.index_cast %rem3A_274 : i32 to index
      %get3A_1654 = arith.index_cast %get3A_1652 : i32 to index
      %get3A_1655 = arith.constant 96 : index
      %get3A_1656 = tpu.vector_load %arg12[%get3A_1653, %get3A_1654, %get3A_1655] {strides = array<i32>} : memref<8x16x128xf32, #tpu.memory_space<vmem>>, vector<16xf32>,
      %sub3A_1657 = arith.subf %get3A_1656, %get3A_1651 : vector<16xf32>
      %add3A_1658 = arith.addf %get3A_1646, %sub3A_1657 : vector<16xf32>
      %abs3A_1659 = math.absf %add3A_1658 : vector<16xf32>
      %get3A_1660 = arith.constant 8 : i32
      %get3A_1661 = arith.index_cast %rem3A_274 : i32 to index
      %get3A_1662 = arith.index_cast %get3A_1660 : i32 to index
      %get3A_1663 = arith.constant 112 : index
      %get3A_1664 = tpu.vector_load %arg11[%get3A_1661, %get3A_1662, %get3A_1663] {strides = array<i32>} : memref<8x16x128xf32, #tpu.memory_space<vmem>>, vector<16xf32>,
      %get3A_1665 = arith.constant 8 : i32
      %get3A_1666 = arith.index_cast %rem3A_274 : i32 to index
      %get3A_1667 = arith.index_cast %get3A_1665 : i32 to index
      %get3A_1668 = arith.constant 112 : index
      %get3A_1669 = tpu.vector_load %arg13[%get3A_1666, %get3A_1667, %get3A_1668] {strides = array<i32>} : memref<8x16x128xf32, #tpu.memory_space<vmem>>, vector<16xf32>,
      %get3A_1670 = arith.constant 8 : i32
      %get3A_1671 = arith.index_cast %rem3A_274 : i32 to index
      %get3A_1672 = arith.index_cast %get3A_1670 : i32 to index
      %get3A_1673 = arith.constant 112 : index
      %get3A_1674 = tpu.vector_load %arg12[%get3A_1671, %get3A_1672, %get3A_1673] {strides = array<i32>} : memref<8x16x128xf32, #tpu.memory_space<vmem>>, vector<16xf32>,
      %sub3A_1675 = arith.subf %get3A_1674, %get3A_1669 : vector<16xf32>
      %add3A_1676 = arith.addf %get3A_1664, %sub3A_1675 : vector<16xf32>
      %abs3A_1677 = math.absf %add3A_1676 : vector<16xf32>
      %add3A_1678 = arith.addf %abs3A_1551, %abs3A_1569 : vector<16xf32>
      %add3A_1679 = arith.addf %abs3A_1587, %abs3A_1605 : vector<16xf32>
      %add3A_1680 = arith.addf %abs3A_1623, %abs3A_1641 : vector<16xf32>
      %add3A_1681 = arith.addf %abs3A_1659, %abs3A_1677 : vector<16xf32>
      %add3A_1682 = arith.addf %add3A_1678, %add3A_1679 : vector<16xf32>
      %add3A_1683 = arith.addf %add3A_1680, %add3A_1681 : vector<16xf32>
      %add3A_1684 = arith.addf %add3A_1682, %add3A_1683 : vector<16xf32>
      %swap3A_1685 = arith.constant 128 : index
      %swap3A_1686 = tpu.vector_load %arg14[%swap3A_1685] {strides = array<i32>} : memref<256xf32, #tpu.memory_space<vmem>>, vector<16xf32>,
      tpu.vector_store %arg14[%swap3A_1685], %add3A_1684 {strides = array<i32>} : memref<256xf32, #tpu.memory_space<vmem>>, vector<16xf32>,
      %get3A_1687 = arith.constant 9 : i32
      %get3A_1688 = arith.index_cast %rem3A_274 : i32 to index
      %get3A_1689 = arith.index_cast %get3A_1687 : i32 to index
      %get3A_1690 = arith.constant 0 : index
      %get3A_1691 = tpu.vector_load %arg11[%get3A_1688, %get3A_1689, %get3A_1690] {strides = array<i32>} : memref<8x16x128xf32, #tpu.memory_space<vmem>>, vector<16xf32>,
      %get3A_1692 = arith.constant 9 : i32
      %get3A_1693 = arith.index_cast %rem3A_274 : i32 to index
      %get3A_1694 = arith.index_cast %get3A_1692 : i32 to index
      %get3A_1695 = arith.constant 0 : index
      %get3A_1696 = tpu.vector_load %arg13[%get3A_1693, %get3A_1694, %get3A_1695] {strides = array<i32>} : memref<8x16x128xf32, #tpu.memory_space<vmem>>, vector<16xf32>,
      %get3A_1697 = arith.constant 9 : i32
      %get3A_1698 = arith.index_cast %rem3A_274 : i32 to index
      %get3A_1699 = arith.index_cast %get3A_1697 : i32 to index
      %get3A_1700 = arith.constant 0 : index
      %get3A_1701 = tpu.vector_load %arg12[%get3A_1698, %get3A_1699, %get3A_1700] {strides = array<i32>} : memref<8x16x128xf32, #tpu.memory_space<vmem>>, vector<16xf32>,
      %sub3A_1702 = arith.subf %get3A_1701, %get3A_1696 : vector<16xf32>
      %add3A_1703 = arith.addf %get3A_1691, %sub3A_1702 : vector<16xf32>
      %abs3A_1704 = math.absf %add3A_1703 : vector<16xf32>
      %get3A_1705 = arith.constant 9 : i32
      %get3A_1706 = arith.index_cast %rem3A_274 : i32 to index
      %get3A_1707 = arith.index_cast %get3A_1705 : i32 to index
      %get3A_1708 = arith.constant 16 : index
      %get3A_1709 = tpu.vector_load %arg11[%get3A_1706, %get3A_1707, %get3A_1708] {strides = array<i32>} : memref<8x16x128xf32, #tpu.memory_space<vmem>>, vector<16xf32>,
      %get3A_1710 = arith.constant 9 : i32
      %get3A_1711 = arith.index_cast %rem3A_274 : i32 to index
      %get3A_1712 = arith.index_cast %get3A_1710 : i32 to index
      %get3A_1713 = arith.constant 16 : index
      %get3A_1714 = tpu.vector_load %arg13[%get3A_1711, %get3A_1712, %get3A_1713] {strides = array<i32>} : memref<8x16x128xf32, #tpu.memory_space<vmem>>, vector<16xf32>,
      %get3A_1715 = arith.constant 9 : i32
      %get3A_1716 = arith.index_cast %rem3A_274 : i32 to index
      %get3A_1717 = arith.index_cast %get3A_1715 : i32 to index
      %get3A_1718 = arith.constant 16 : index
      %get3A_1719 = tpu.vector_load %arg12[%get3A_1716, %get3A_1717, %get3A_1718] {strides = array<i32>} : memref<8x16x128xf32, #tpu.memory_space<vmem>>, vector<16xf32>,
      %sub3A_1720 = arith.subf %get3A_1719, %get3A_1714 : vector<16xf32>
      %add3A_1721 = arith.addf %get3A_1709, %sub3A_1720 : vector<16xf32>
      %abs3A_1722 = math.absf %add3A_1721 : vector<16xf32>
      %get3A_1723 = arith.constant 9 : i32
      %get3A_1724 = arith.index_cast %rem3A_274 : i32 to index
      %get3A_1725 = arith.index_cast %get3A_1723 : i32 to index
      %get3A_1726 = arith.constant 32 : index
      %get3A_1727 = tpu.vector_load %arg11[%get3A_1724, %get3A_1725, %get3A_1726] {strides = array<i32>} : memref<8x16x128xf32, #tpu.memory_space<vmem>>, vector<16xf32>,
      %get3A_1728 = arith.constant 9 : i32
      %get3A_1729 = arith.index_cast %rem3A_274 : i32 to index
      %get3A_1730 = arith.index_cast %get3A_1728 : i32 to index
      %get3A_1731 = arith.constant 32 : index
      %get3A_1732 = tpu.vector_load %arg13[%get3A_1729, %get3A_1730, %get3A_1731] {strides = array<i32>} : memref<8x16x128xf32, #tpu.memory_space<vmem>>, vector<16xf32>,
      %get3A_1733 = arith.constant 9 : i32
      %get3A_1734 = arith.index_cast %rem3A_274 : i32 to index
      %get3A_1735 = arith.index_cast %get3A_1733 : i32 to index
      %get3A_1736 = arith.constant 32 : index
      %get3A_1737 = tpu.vector_load %arg12[%get3A_1734, %get3A_1735, %get3A_1736] {strides = array<i32>} : memref<8x16x128xf32, #tpu.memory_space<vmem>>, vector<16xf32>,
      %sub3A_1738 = arith.subf %get3A_1737, %get3A_1732 : vector<16xf32>
      %add3A_1739 = arith.addf %get3A_1727, %sub3A_1738 : vector<16xf32>
      %abs3A_1740 = math.absf %add3A_1739 : vector<16xf32>
      %get3A_1741 = arith.constant 9 : i32
      %get3A_1742 = arith.index_cast %rem3A_274 : i32 to index
      %get3A_1743 = arith.index_cast %get3A_1741 : i32 to index
      %get3A_1744 = arith.constant 48 : index
      %get3A_1745 = tpu.vector_load %arg11[%get3A_1742, %get3A_1743, %get3A_1744] {strides = array<i32>} : memref<8x16x128xf32, #tpu.memory_space<vmem>>, vector<16xf32>,
      %get3A_1746 = arith.constant 9 : i32
      %get3A_1747 = arith.index_cast %rem3A_274 : i32 to index
      %get3A_1748 = arith.index_cast %get3A_1746 : i32 to index
      %get3A_1749 = arith.constant 48 : index
      %get3A_1750 = tpu.vector_load %arg13[%get3A_1747, %get3A_1748, %get3A_1749] {strides = array<i32>} : memref<8x16x128xf32, #tpu.memory_space<vmem>>, vector<16xf32>,
      %get3A_1751 = arith.constant 9 : i32
      %get3A_1752 = arith.index_cast %rem3A_274 : i32 to index
      %get3A_1753 = arith.index_cast %get3A_1751 : i32 to index
      %get3A_1754 = arith.constant 48 : index
      %get3A_1755 = tpu.vector_load %arg12[%get3A_1752, %get3A_1753, %get3A_1754] {strides = array<i32>} : memref<8x16x128xf32, #tpu.memory_space<vmem>>, vector<16xf32>,
      %sub3A_1756 = arith.subf %get3A_1755, %get3A_1750 : vector<16xf32>
      %add3A_1757 = arith.addf %get3A_1745, %sub3A_1756 : vector<16xf32>
      %abs3A_1758 = math.absf %add3A_1757 : vector<16xf32>
      %get3A_1759 = arith.constant 9 : i32
      %get3A_1760 = arith.index_cast %rem3A_274 : i32 to index
      %get3A_1761 = arith.index_cast %get3A_1759 : i32 to index
      %get3A_1762 = arith.constant 64 : index
      %get3A_1763 = tpu.vector_load %arg11[%get3A_1760, %get3A_1761, %get3A_1762] {strides = array<i32>} : memref<8x16x128xf32, #tpu.memory_space<vmem>>, vector<16xf32>,
      %get3A_1764 = arith.constant 9 : i32
      %get3A_1765 = arith.index_cast %rem3A_274 : i32 to index
      %get3A_1766 = arith.index_cast %get3A_1764 : i32 to index
      %get3A_1767 = arith.constant 64 : index
      %get3A_1768 = tpu.vector_load %arg13[%get3A_1765, %get3A_1766, %get3A_1767] {strides = array<i32>} : memref<8x16x128xf32, #tpu.memory_space<vmem>>, vector<16xf32>,
      %get3A_1769 = arith.constant 9 : i32
      %get3A_1770 = arith.index_cast %rem3A_274 : i32 to index
      %get3A_1771 = arith.index_cast %get3A_1769 : i32 to index
      %get3A_1772 = arith.constant 64 : index
      %get3A_1773 = tpu.vector_load %arg12[%get3A_1770, %get3A_1771, %get3A_1772] {strides = array<i32>} : memref<8x16x128xf32, #tpu.memory_space<vmem>>, vector<16xf32>,
      %sub3A_1774 = arith.subf %get3A_1773, %get3A_1768 : vector<16xf32>
      %add3A_1775 = arith.addf %get3A_1763, %sub3A_1774 : vector<16xf32>
      %abs3A_1776 = math.absf %add3A_1775 : vector<16xf32>
      %get3A_1777 = arith.constant 9 : i32
      %get3A_1778 = arith.index_cast %rem3A_274 : i32 to index
      %get3A_1779 = arith.index_cast %get3A_1777 : i32 to index
      %get3A_1780 = arith.constant 80 : index
      %get3A_1781 = tpu.vector_load %arg11[%get3A_1778, %get3A_1779, %get3A_1780] {strides = array<i32>} : memref<8x16x128xf32, #tpu.memory_space<vmem>>, vector<16xf32>,
      %get3A_1782 = arith.constant 9 : i32
      %get3A_1783 = arith.index_cast %rem3A_274 : i32 to index
      %get3A_1784 = arith.index_cast %get3A_1782 : i32 to index
      %get3A_1785 = arith.constant 80 : index
      %get3A_1786 = tpu.vector_load %arg13[%get3A_1783, %get3A_1784, %get3A_1785] {strides = array<i32>} : memref<8x16x128xf32, #tpu.memory_space<vmem>>, vector<16xf32>,
      %get3A_1787 = arith.constant 9 : i32
      %get3A_1788 = arith.index_cast %rem3A_274 : i32 to index
      %get3A_1789 = arith.index_cast %get3A_1787 : i32 to index
      %get3A_1790 = arith.constant 80 : index
      %get3A_1791 = tpu.vector_load %arg12[%get3A_1788, %get3A_1789, %get3A_1790] {strides = array<i32>} : memref<8x16x128xf32, #tpu.memory_space<vmem>>, vector<16xf32>,
      %sub3A_1792 = arith.subf %get3A_1791, %get3A_1786 : vector<16xf32>
      %add3A_1793 = arith.addf %get3A_1781, %sub3A_1792 : vector<16xf32>
      %abs3A_1794 = math.absf %add3A_1793 : vector<16xf32>
      %get3A_1795 = arith.constant 9 : i32
      %get3A_1796 = arith.index_cast %rem3A_274 : i32 to index
      %get3A_1797 = arith.index_cast %get3A_1795 : i32 to index
      %get3A_1798 = arith.constant 96 : index
      %get3A_1799 = tpu.vector_load %arg11[%get3A_1796, %get3A_1797, %get3A_1798] {strides = array<i32>} : memref<8x16x128xf32, #tpu.memory_space<vmem>>, vector<16xf32>,
      %get3A_1800 = arith.constant 9 : i32
      %get3A_1801 = arith.index_cast %rem3A_274 : i32 to index
      %get3A_1802 = arith.index_cast %get3A_1800 : i32 to index
      %get3A_1803 = arith.constant 96 : index
      %get3A_1804 = tpu.vector_load %arg13[%get3A_1801, %get3A_1802, %get3A_1803] {strides = array<i32>} : memref<8x16x128xf32, #tpu.memory_space<vmem>>, vector<16xf32>,
      %get3A_1805 = arith.constant 9 : i32
      %get3A_1806 = arith.index_cast %rem3A_274 : i32 to index
      %get3A_1807 = arith.index_cast %get3A_1805 : i32 to index
      %get3A_1808 = arith.constant 96 : index
      %get3A_1809 = tpu.vector_load %arg12[%get3A_1806, %get3A_1807, %get3A_1808] {strides = array<i32>} : memref<8x16x128xf32, #tpu.memory_space<vmem>>, vector<16xf32>,
      %sub3A_1810 = arith.subf %get3A_1809, %get3A_1804 : vector<16xf32>
      %add3A_1811 = arith.addf %get3A_1799, %sub3A_1810 : vector<16xf32>
      %abs3A_1812 = math.absf %add3A_1811 : vector<16xf32>
      %get3A_1813 = arith.constant 9 : i32
      %get3A_1814 = arith.index_cast %rem3A_274 : i32 to index
      %get3A_1815 = arith.index_cast %get3A_1813 : i32 to index
      %get3A_1816 = arith.constant 112 : index
      %get3A_1817 = tpu.vector_load %arg11[%get3A_1814, %get3A_1815, %get3A_1816] {strides = array<i32>} : memref<8x16x128xf32, #tpu.memory_space<vmem>>, vector<16xf32>,
      %get3A_1818 = arith.constant 9 : i32
      %get3A_1819 = arith.index_cast %rem3A_274 : i32 to index
      %get3A_1820 = arith.index_cast %get3A_1818 : i32 to index
      %get3A_1821 = arith.constant 112 : index
      %get3A_1822 = tpu.vector_load %arg13[%get3A_1819, %get3A_1820, %get3A_1821] {strides = array<i32>} : memref<8x16x128xf32, #tpu.memory_space<vmem>>, vector<16xf32>,
      %get3A_1823 = arith.constant 9 : i32
      %get3A_1824 = arith.index_cast %rem3A_274 : i32 to index
      %get3A_1825 = arith.index_cast %get3A_1823 : i32 to index
      %get3A_1826 = arith.constant 112 : index
      %get3A_1827 = tpu.vector_load %arg12[%get3A_1824, %get3A_1825, %get3A_1826] {strides = array<i32>} : memref<8x16x128xf32, #tpu.memory_space<vmem>>, vector<16xf32>,
      %sub3A_1828 = arith.subf %get3A_1827, %get3A_1822 : vector<16xf32>
      %add3A_1829 = arith.addf %get3A_1817, %sub3A_1828 : vector<16xf32>
      %abs3A_1830 = math.absf %add3A_1829 : vector<16xf32>
      %add3A_1831 = arith.addf %abs3A_1704, %abs3A_1722 : vector<16xf32>
      %add3A_1832 = arith.addf %abs3A_1740, %abs3A_1758 : vector<16xf32>
      %add3A_1833 = arith.addf %abs3A_1776, %abs3A_1794 : vector<16xf32>
      %add3A_1834 = arith.addf %abs3A_1812, %abs3A_1830 : vector<16xf32>
      %add3A_1835 = arith.addf %add3A_1831, %add3A_1832 : vector<16xf32>
      %add3A_1836 = arith.addf %add3A_1833, %add3A_1834 : vector<16xf32>
      %add3A_1837 = arith.addf %add3A_1835, %add3A_1836 : vector<16xf32>
      %swap3A_1838 = arith.constant 144 : index
      %swap3A_1839 = tpu.vector_load %arg14[%swap3A_1838] {strides = array<i32>} : memref<256xf32, #tpu.memory_space<vmem>>, vector<16xf32>,
      tpu.vector_store %arg14[%swap3A_1838], %add3A_1837 {strides = array<i32>} : memref<256xf32, #tpu.memory_space<vmem>>, vector<16xf32>,
      %get3A_1840 = arith.constant 10 : i32
      %get3A_1841 = arith.index_cast %rem3A_274 : i32 to index
      %get3A_1842 = arith.index_cast %get3A_1840 : i32 to index
      %get3A_1843 = arith.constant 0 : index
      %get3A_1844 = tpu.vector_load %arg11[%get3A_1841, %get3A_1842, %get3A_1843] {strides = array<i32>} : memref<8x16x128xf32, #tpu.memory_space<vmem>>, vector<16xf32>,
      %get3A_1845 = arith.constant 10 : i32
      %get3A_1846 = arith.index_cast %rem3A_274 : i32 to index
      %get3A_1847 = arith.index_cast %get3A_1845 : i32 to index
      %get3A_1848 = arith.constant 0 : index
      %get3A_1849 = tpu.vector_load %arg13[%get3A_1846, %get3A_1847, %get3A_1848] {strides = array<i32>} : memref<8x16x128xf32, #tpu.memory_space<vmem>>, vector<16xf32>,
      %get3A_1850 = arith.constant 10 : i32
      %get3A_1851 = arith.index_cast %rem3A_274 : i32 to index
      %get3A_1852 = arith.index_cast %get3A_1850 : i32 to index
      %get3A_1853 = arith.constant 0 : index
      %get3A_1854 = tpu.vector_load %arg12[%get3A_1851, %get3A_1852, %get3A_1853] {strides = array<i32>} : memref<8x16x128xf32, #tpu.memory_space<vmem>>, vector<16xf32>,
      %sub3A_1855 = arith.subf %get3A_1854, %get3A_1849 : vector<16xf32>
      %add3A_1856 = arith.addf %get3A_1844, %sub3A_1855 : vector<16xf32>
      %abs3A_1857 = math.absf %add3A_1856 : vector<16xf32>
      %get3A_1858 = arith.constant 10 : i32
      %get3A_1859 = arith.index_cast %rem3A_274 : i32 to index
      %get3A_1860 = arith.index_cast %get3A_1858 : i32 to index
      %get3A_1861 = arith.constant 16 : index
      %get3A_1862 = tpu.vector_load %arg11[%get3A_1859, %get3A_1860, %get3A_1861] {strides = array<i32>} : memref<8x16x128xf32, #tpu.memory_space<vmem>>, vector<16xf32>,
      %get3A_1863 = arith.constant 10 : i32
      %get3A_1864 = arith.index_cast %rem3A_274 : i32 to index
      %get3A_1865 = arith.index_cast %get3A_1863 : i32 to index
      %get3A_1866 = arith.constant 16 : index
      %get3A_1867 = tpu.vector_load %arg13[%get3A_1864, %get3A_1865, %get3A_1866] {strides = array<i32>} : memref<8x16x128xf32, #tpu.memory_space<vmem>>, vector<16xf32>,
      %get3A_1868 = arith.constant 10 : i32
      %get3A_1869 = arith.index_cast %rem3A_274 : i32 to index
      %get3A_1870 = arith.index_cast %get3A_1868 : i32 to index
      %get3A_1871 = arith.constant 16 : index
      %get3A_1872 = tpu.vector_load %arg12[%get3A_1869, %get3A_1870, %get3A_1871] {strides = array<i32>} : memref<8x16x128xf32, #tpu.memory_space<vmem>>, vector<16xf32>,
      %sub3A_1873 = arith.subf %get3A_1872, %get3A_1867 : vector<16xf32>
      %add3A_1874 = arith.addf %get3A_1862, %sub3A_1873 : vector<16xf32>
      %abs3A_1875 = math.absf %add3A_1874 : vector<16xf32>
      %get3A_1876 = arith.constant 10 : i32
      %get3A_1877 = arith.index_cast %rem3A_274 : i32 to index
      %get3A_1878 = arith.index_cast %get3A_1876 : i32 to index
      %get3A_1879 = arith.constant 32 : index
      %get3A_1880 = tpu.vector_load %arg11[%get3A_1877, %get3A_1878, %get3A_1879] {strides = array<i32>} : memref<8x16x128xf32, #tpu.memory_space<vmem>>, vector<16xf32>,
      %get3A_1881 = arith.constant 10 : i32
      %get3A_1882 = arith.index_cast %rem3A_274 : i32 to index
      %get3A_1883 = arith.index_cast %get3A_1881 : i32 to index
      %get3A_1884 = arith.constant 32 : index
      %get3A_1885 = tpu.vector_load %arg13[%get3A_1882, %get3A_1883, %get3A_1884] {strides = array<i32>} : memref<8x16x128xf32, #tpu.memory_space<vmem>>, vector<16xf32>,
      %get3A_1886 = arith.constant 10 : i32
      %get3A_1887 = arith.index_cast %rem3A_274 : i32 to index
      %get3A_1888 = arith.index_cast %get3A_1886 : i32 to index
      %get3A_1889 = arith.constant 32 : index
      %get3A_1890 = tpu.vector_load %arg12[%get3A_1887, %get3A_1888, %get3A_1889] {strides = array<i32>} : memref<8x16x128xf32, #tpu.memory_space<vmem>>, vector<16xf32>,
      %sub3A_1891 = arith.subf %get3A_1890, %get3A_1885 : vector<16xf32>
      %add3A_1892 = arith.addf %get3A_1880, %sub3A_1891 : vector<16xf32>
      %abs3A_1893 = math.absf %add3A_1892 : vector<16xf32>
      %get3A_1894 = arith.constant 10 : i32
      %get3A_1895 = arith.index_cast %rem3A_274 : i32 to index
      %get3A_1896 = arith.index_cast %get3A_1894 : i32 to index
      %get3A_1897 = arith.constant 48 : index
      %get3A_1898 = tpu.vector_load %arg11[%get3A_1895, %get3A_1896, %get3A_1897] {strides = array<i32>} : memref<8x16x128xf32, #tpu.memory_space<vmem>>, vector<16xf32>,
      %get3A_1899 = arith.constant 10 : i32
      %get3A_1900 = arith.index_cast %rem3A_274 : i32 to index
      %get3A_1901 = arith.index_cast %get3A_1899 : i32 to index
      %get3A_1902 = arith.constant 48 : index
      %get3A_1903 = tpu.vector_load %arg13[%get3A_1900, %get3A_1901, %get3A_1902] {strides = array<i32>} : memref<8x16x128xf32, #tpu.memory_space<vmem>>, vector<16xf32>,
      %get3A_1904 = arith.constant 10 : i32
      %get3A_1905 = arith.index_cast %rem3A_274 : i32 to index
      %get3A_1906 = arith.index_cast %get3A_1904 : i32 to index
      %get3A_1907 = arith.constant 48 : index
      %get3A_1908 = tpu.vector_load %arg12[%get3A_1905, %get3A_1906, %get3A_1907] {strides = array<i32>} : memref<8x16x128xf32, #tpu.memory_space<vmem>>, vector<16xf32>,
      %sub3A_1909 = arith.subf %get3A_1908, %get3A_1903 : vector<16xf32>
      %add3A_1910 = arith.addf %get3A_1898, %sub3A_1909 : vector<16xf32>
      %abs3A_1911 = math.absf %add3A_1910 : vector<16xf32>
      %get3A_1912 = arith.constant 10 : i32
      %get3A_1913 = arith.index_cast %rem3A_274 : i32 to index
      %get3A_1914 = arith.index_cast %get3A_1912 : i32 to index
      %get3A_1915 = arith.constant 64 : index
      %get3A_1916 = tpu.vector_load %arg11[%get3A_1913, %get3A_1914, %get3A_1915] {strides = array<i32>} : memref<8x16x128xf32, #tpu.memory_space<vmem>>, vector<16xf32>,
      %get3A_1917 = arith.constant 10 : i32
      %get3A_1918 = arith.index_cast %rem3A_274 : i32 to index
      %get3A_1919 = arith.index_cast %get3A_1917 : i32 to index
      %get3A_1920 = arith.constant 64 : index
      %get3A_1921 = tpu.vector_load %arg13[%get3A_1918, %get3A_1919, %get3A_1920] {strides = array<i32>} : memref<8x16x128xf32, #tpu.memory_space<vmem>>, vector<16xf32>,
      %get3A_1922 = arith.constant 10 : i32
      %get3A_1923 = arith.index_cast %rem3A_274 : i32 to index
      %get3A_1924 = arith.index_cast %get3A_1922 : i32 to index
      %get3A_1925 = arith.constant 64 : index
      %get3A_1926 = tpu.vector_load %arg12[%get3A_1923, %get3A_1924, %get3A_1925] {strides = array<i32>} : memref<8x16x128xf32, #tpu.memory_space<vmem>>, vector<16xf32>,
      %sub3A_1927 = arith.subf %get3A_1926, %get3A_1921 : vector<16xf32>
      %add3A_1928 = arith.addf %get3A_1916, %sub3A_1927 : vector<16xf32>
      %abs3A_1929 = math.absf %add3A_1928 : vector<16xf32>
      %get3A_1930 = arith.constant 10 : i32
      %get3A_1931 = arith.index_cast %rem3A_274 : i32 to index
      %get3A_1932 = arith.index_cast %get3A_1930 : i32 to index
      %get3A_1933 = arith.constant 80 : index
      %get3A_1934 = tpu.vector_load %arg11[%get3A_1931, %get3A_1932, %get3A_1933] {strides = array<i32>} : memref<8x16x128xf32, #tpu.memory_space<vmem>>, vector<16xf32>,
      %get3A_1935 = arith.constant 10 : i32
      %get3A_1936 = arith.index_cast %rem3A_274 : i32 to index
      %get3A_1937 = arith.index_cast %get3A_1935 : i32 to index
      %get3A_1938 = arith.constant 80 : index
      %get3A_1939 = tpu.vector_load %arg13[%get3A_1936, %get3A_1937, %get3A_1938] {strides = array<i32>} : memref<8x16x128xf32, #tpu.memory_space<vmem>>, vector<16xf32>,
      %get3A_1940 = arith.constant 10 : i32
      %get3A_1941 = arith.index_cast %rem3A_274 : i32 to index
      %get3A_1942 = arith.index_cast %get3A_1940 : i32 to index
      %get3A_1943 = arith.constant 80 : index
      %get3A_1944 = tpu.vector_load %arg12[%get3A_1941, %get3A_1942, %get3A_1943] {strides = array<i32>} : memref<8x16x128xf32, #tpu.memory_space<vmem>>, vector<16xf32>,
      %sub3A_1945 = arith.subf %get3A_1944, %get3A_1939 : vector<16xf32>
      %add3A_1946 = arith.addf %get3A_1934, %sub3A_1945 : vector<16xf32>
      %abs3A_1947 = math.absf %add3A_1946 : vector<16xf32>
      %get3A_1948 = arith.constant 10 : i32
      %get3A_1949 = arith.index_cast %rem3A_274 : i32 to index
      %get3A_1950 = arith.index_cast %get3A_1948 : i32 to index
      %get3A_1951 = arith.constant 96 : index
      %get3A_1952 = tpu.vector_load %arg11[%get3A_1949, %get3A_1950, %get3A_1951] {strides = array<i32>} : memref<8x16x128xf32, #tpu.memory_space<vmem>>, vector<16xf32>,
      %get3A_1953 = arith.constant 10 : i32
      %get3A_1954 = arith.index_cast %rem3A_274 : i32 to index
      %get3A_1955 = arith.index_cast %get3A_1953 : i32 to index
      %get3A_1956 = arith.constant 96 : index
      %get3A_1957 = tpu.vector_load %arg13[%get3A_1954, %get3A_1955, %get3A_1956] {strides = array<i32>} : memref<8x16x128xf32, #tpu.memory_space<vmem>>, vector<16xf32>,
      %get3A_1958 = arith.constant 10 : i32
      %get3A_1959 = arith.index_cast %rem3A_274 : i32 to index
      %get3A_1960 = arith.index_cast %get3A_1958 : i32 to index
      %get3A_1961 = arith.constant 96 : index
      %get3A_1962 = tpu.vector_load %arg12[%get3A_1959, %get3A_1960, %get3A_1961] {strides = array<i32>} : memref<8x16x128xf32, #tpu.memory_space<vmem>>, vector<16xf32>,
      %sub3A_1963 = arith.subf %get3A_1962, %get3A_1957 : vector<16xf32>
      %add3A_1964 = arith.addf %get3A_1952, %sub3A_1963 : vector<16xf32>
      %abs3A_1965 = math.absf %add3A_1964 : vector<16xf32>
      %get3A_1966 = arith.constant 10 : i32
      %get3A_1967 = arith.index_cast %rem3A_274 : i32 to index
      %get3A_1968 = arith.index_cast %get3A_1966 : i32 to index
      %get3A_1969 = arith.constant 112 : index
      %get3A_1970 = tpu.vector_load %arg11[%get3A_1967, %get3A_1968, %get3A_1969] {strides = array<i32>} : memref<8x16x128xf32, #tpu.memory_space<vmem>>, vector<16xf32>,
      %get3A_1971 = arith.constant 10 : i32
      %get3A_1972 = arith.index_cast %rem3A_274 : i32 to index
      %get3A_1973 = arith.index_cast %get3A_1971 : i32 to index
      %get3A_1974 = arith.constant 112 : index
      %get3A_1975 = tpu.vector_load %arg13[%get3A_1972, %get3A_1973, %get3A_1974] {strides = array<i32>} : memref<8x16x128xf32, #tpu.memory_space<vmem>>, vector<16xf32>,
      %get3A_1976 = arith.constant 10 : i32
      %get3A_1977 = arith.index_cast %rem3A_274 : i32 to index
      %get3A_1978 = arith.index_cast %get3A_1976 : i32 to index
      %get3A_1979 = arith.constant 112 : index
      %get3A_1980 = tpu.vector_load %arg12[%get3A_1977, %get3A_1978, %get3A_1979] {strides = array<i32>} : memref<8x16x128xf32, #tpu.memory_space<vmem>>, vector<16xf32>,
      %sub3A_1981 = arith.subf %get3A_1980, %get3A_1975 : vector<16xf32>
      %add3A_1982 = arith.addf %get3A_1970, %sub3A_1981 : vector<16xf32>
      %abs3A_1983 = math.absf %add3A_1982 : vector<16xf32>
      %add3A_1984 = arith.addf %abs3A_1857, %abs3A_1875 : vector<16xf32>
      %add3A_1985 = arith.addf %abs3A_1893, %abs3A_1911 : vector<16xf32>
      %add3A_1986 = arith.addf %abs3A_1929, %abs3A_1947 : vector<16xf32>
      %add3A_1987 = arith.addf %abs3A_1965, %abs3A_1983 : vector<16xf32>
      %add3A_1988 = arith.addf %add3A_1984, %add3A_1985 : vector<16xf32>
      %add3A_1989 = arith.addf %add3A_1986, %add3A_1987 : vector<16xf32>
      %add3A_1990 = arith.addf %add3A_1988, %add3A_1989 : vector<16xf32>
      %swap3A_1991 = arith.constant 160 : index
      %swap3A_1992 = tpu.vector_load %arg14[%swap3A_1991] {strides = array<i32>} : memref<256xf32, #tpu.memory_space<vmem>>, vector<16xf32>,
      tpu.vector_store %arg14[%swap3A_1991], %add3A_1990 {strides = array<i32>} : memref<256xf32, #tpu.memory_space<vmem>>, vector<16xf32>,
      %get3A_1993 = arith.constant 11 : i32
      %get3A_1994 = arith.index_cast %rem3A_274 : i32 to index
      %get3A_1995 = arith.index_cast %get3A_1993 : i32 to index
      %get3A_1996 = arith.constant 0 : index
      %get3A_1997 = tpu.vector_load %arg11[%get3A_1994, %get3A_1995, %get3A_1996] {strides = array<i32>} : memref<8x16x128xf32, #tpu.memory_space<vmem>>, vector<16xf32>,
      %get3A_1998 = arith.constant 11 : i32
      %get3A_1999 = arith.index_cast %rem3A_274 : i32 to index
      %get3A_2000 = arith.index_cast %get3A_1998 : i32 to index
      %get3A_2001 = arith.constant 0 : index
      %get3A_2002 = tpu.vector_load %arg13[%get3A_1999, %get3A_2000, %get3A_2001] {strides = array<i32>} : memref<8x16x128xf32, #tpu.memory_space<vmem>>, vector<16xf32>,
      %get3A_2003 = arith.constant 11 : i32
      %get3A_2004 = arith.index_cast %rem3A_274 : i32 to index
      %get3A_2005 = arith.index_cast %get3A_2003 : i32 to index
      %get3A_2006 = arith.constant 0 : index
      %get3A_2007 = tpu.vector_load %arg12[%get3A_2004, %get3A_2005, %get3A_2006] {strides = array<i32>} : memref<8x16x128xf32, #tpu.memory_space<vmem>>, vector<16xf32>,
      %sub3A_2008 = arith.subf %get3A_2007, %get3A_2002 : vector<16xf32>
      %add3A_2009 = arith.addf %get3A_1997, %sub3A_2008 : vector<16xf32>
      %abs3A_2010 = math.absf %add3A_2009 : vector<16xf32>
      %get3A_2011 = arith.constant 11 : i32
      %get3A_2012 = arith.index_cast %rem3A_274 : i32 to index
      %get3A_2013 = arith.index_cast %get3A_2011 : i32 to index
      %get3A_2014 = arith.constant 16 : index
      %get3A_2015 = tpu.vector_load %arg11[%get3A_2012, %get3A_2013, %get3A_2014] {strides = array<i32>} : memref<8x16x128xf32, #tpu.memory_space<vmem>>, vector<16xf32>,
      %get3A_2016 = arith.constant 11 : i32
      %get3A_2017 = arith.index_cast %rem3A_274 : i32 to index
      %get3A_2018 = arith.index_cast %get3A_2016 : i32 to index
      %get3A_2019 = arith.constant 16 : index
      %get3A_2020 = tpu.vector_load %arg13[%get3A_2017, %get3A_2018, %get3A_2019] {strides = array<i32>} : memref<8x16x128xf32, #tpu.memory_space<vmem>>, vector<16xf32>,
      %get3A_2021 = arith.constant 11 : i32
      %get3A_2022 = arith.index_cast %rem3A_274 : i32 to index
      %get3A_2023 = arith.index_cast %get3A_2021 : i32 to index
      %get3A_2024 = arith.constant 16 : index
      %get3A_2025 = tpu.vector_load %arg12[%get3A_2022, %get3A_2023, %get3A_2024] {strides = array<i32>} : memref<8x16x128xf32, #tpu.memory_space<vmem>>, vector<16xf32>,
      %sub3A_2026 = arith.subf %get3A_2025, %get3A_2020 : vector<16xf32>
      %add3A_2027 = arith.addf %get3A_2015, %sub3A_2026 : vector<16xf32>
      %abs3A_2028 = math.absf %add3A_2027 : vector<16xf32>
      %get3A_2029 = arith.constant 11 : i32
      %get3A_2030 = arith.index_cast %rem3A_274 : i32 to index
      %get3A_2031 = arith.index_cast %get3A_2029 : i32 to index
      %get3A_2032 = arith.constant 32 : index
      %get3A_2033 = tpu.vector_load %arg11[%get3A_2030, %get3A_2031, %get3A_2032] {strides = array<i32>} : memref<8x16x128xf32, #tpu.memory_space<vmem>>, vector<16xf32>,
      %get3A_2034 = arith.constant 11 : i32
      %get3A_2035 = arith.index_cast %rem3A_274 : i32 to index
      %get3A_2036 = arith.index_cast %get3A_2034 : i32 to index
      %get3A_2037 = arith.constant 32 : index
      %get3A_2038 = tpu.vector_load %arg13[%get3A_2035, %get3A_2036, %get3A_2037] {strides = array<i32>} : memref<8x16x128xf32, #tpu.memory_space<vmem>>, vector<16xf32>,
      %get3A_2039 = arith.constant 11 : i32
      %get3A_2040 = arith.index_cast %rem3A_274 : i32 to index
      %get3A_2041 = arith.index_cast %get3A_2039 : i32 to index
      %get3A_2042 = arith.constant 32 : index
      %get3A_2043 = tpu.vector_load %arg12[%get3A_2040, %get3A_2041, %get3A_2042] {strides = array<i32>} : memref<8x16x128xf32, #tpu.memory_space<vmem>>, vector<16xf32>,
      %sub3A_2044 = arith.subf %get3A_2043, %get3A_2038 : vector<16xf32>
      %add3A_2045 = arith.addf %get3A_2033, %sub3A_2044 : vector<16xf32>
      %abs3A_2046 = math.absf %add3A_2045 : vector<16xf32>
      %get3A_2047 = arith.constant 11 : i32
      %get3A_2048 = arith.index_cast %rem3A_274 : i32 to index
      %get3A_2049 = arith.index_cast %get3A_2047 : i32 to index
      %get3A_2050 = arith.constant 48 : index
      %get3A_2051 = tpu.vector_load %arg11[%get3A_2048, %get3A_2049, %get3A_2050] {strides = array<i32>} : memref<8x16x128xf32, #tpu.memory_space<vmem>>, vector<16xf32>,
      %get3A_2052 = arith.constant 11 : i32
      %get3A_2053 = arith.index_cast %rem3A_274 : i32 to index
      %get3A_2054 = arith.index_cast %get3A_2052 : i32 to index
      %get3A_2055 = arith.constant 48 : index
      %get3A_2056 = tpu.vector_load %arg13[%get3A_2053, %get3A_2054, %get3A_2055] {strides = array<i32>} : memref<8x16x128xf32, #tpu.memory_space<vmem>>, vector<16xf32>,
      %get3A_2057 = arith.constant 11 : i32
      %get3A_2058 = arith.index_cast %rem3A_274 : i32 to index
      %get3A_2059 = arith.index_cast %get3A_2057 : i32 to index
      %get3A_2060 = arith.constant 48 : index
      %get3A_2061 = tpu.vector_load %arg12[%get3A_2058, %get3A_2059, %get3A_2060] {strides = array<i32>} : memref<8x16x128xf32, #tpu.memory_space<vmem>>, vector<16xf32>,
      %sub3A_2062 = arith.subf %get3A_2061, %get3A_2056 : vector<16xf32>
      %add3A_2063 = arith.addf %get3A_2051, %sub3A_2062 : vector<16xf32>
      %abs3A_2064 = math.absf %add3A_2063 : vector<16xf32>
      %get3A_2065 = arith.constant 11 : i32
      %get3A_2066 = arith.index_cast %rem3A_274 : i32 to index
      %get3A_2067 = arith.index_cast %get3A_2065 : i32 to index
      %get3A_2068 = arith.constant 64 : index
      %get3A_2069 = tpu.vector_load %arg11[%get3A_2066, %get3A_2067, %get3A_2068] {strides = array<i32>} : memref<8x16x128xf32, #tpu.memory_space<vmem>>, vector<16xf32>,
      %get3A_2070 = arith.constant 11 : i32
      %get3A_2071 = arith.index_cast %rem3A_274 : i32 to index
      %get3A_2072 = arith.index_cast %get3A_2070 : i32 to index
      %get3A_2073 = arith.constant 64 : index
      %get3A_2074 = tpu.vector_load %arg13[%get3A_2071, %get3A_2072, %get3A_2073] {strides = array<i32>} : memref<8x16x128xf32, #tpu.memory_space<vmem>>, vector<16xf32>,
      %get3A_2075 = arith.constant 11 : i32
      %get3A_2076 = arith.index_cast %rem3A_274 : i32 to index
      %get3A_2077 = arith.index_cast %get3A_2075 : i32 to index
      %get3A_2078 = arith.constant 64 : index
      %get3A_2079 = tpu.vector_load %arg12[%get3A_2076, %get3A_2077, %get3A_2078] {strides = array<i32>} : memref<8x16x128xf32, #tpu.memory_space<vmem>>, vector<16xf32>,
      %sub3A_2080 = arith.subf %get3A_2079, %get3A_2074 : vector<16xf32>
      %add3A_2081 = arith.addf %get3A_2069, %sub3A_2080 : vector<16xf32>
      %abs3A_2082 = math.absf %add3A_2081 : vector<16xf32>
      %get3A_2083 = arith.constant 11 : i32
      %get3A_2084 = arith.index_cast %rem3A_274 : i32 to index
      %get3A_2085 = arith.index_cast %get3A_2083 : i32 to index
      %get3A_2086 = arith.constant 80 : index
      %get3A_2087 = tpu.vector_load %arg11[%get3A_2084, %get3A_2085, %get3A_2086] {strides = array<i32>} : memref<8x16x128xf32, #tpu.memory_space<vmem>>, vector<16xf32>,
      %get3A_2088 = arith.constant 11 : i32
      %get3A_2089 = arith.index_cast %rem3A_274 : i32 to index
      %get3A_2090 = arith.index_cast %get3A_2088 : i32 to index
      %get3A_2091 = arith.constant 80 : index
      %get3A_2092 = tpu.vector_load %arg13[%get3A_2089, %get3A_2090, %get3A_2091] {strides = array<i32>} : memref<8x16x128xf32, #tpu.memory_space<vmem>>, vector<16xf32>,
      %get3A_2093 = arith.constant 11 : i32
      %get3A_2094 = arith.index_cast %rem3A_274 : i32 to index
      %get3A_2095 = arith.index_cast %get3A_2093 : i32 to index
      %get3A_2096 = arith.constant 80 : index
      %get3A_2097 = tpu.vector_load %arg12[%get3A_2094, %get3A_2095, %get3A_2096] {strides = array<i32>} : memref<8x16x128xf32, #tpu.memory_space<vmem>>, vector<16xf32>,
      %sub3A_2098 = arith.subf %get3A_2097, %get3A_2092 : vector<16xf32>
      %add3A_2099 = arith.addf %get3A_2087, %sub3A_2098 : vector<16xf32>
      %abs3A_2100 = math.absf %add3A_2099 : vector<16xf32>
      %get3A_2101 = arith.constant 11 : i32
      %get3A_2102 = arith.index_cast %rem3A_274 : i32 to index
      %get3A_2103 = arith.index_cast %get3A_2101 : i32 to index
      %get3A_2104 = arith.constant 96 : index
      %get3A_2105 = tpu.vector_load %arg11[%get3A_2102, %get3A_2103, %get3A_2104] {strides = array<i32>} : memref<8x16x128xf32, #tpu.memory_space<vmem>>, vector<16xf32>,
      %get3A_2106 = arith.constant 11 : i32
      %get3A_2107 = arith.index_cast %rem3A_274 : i32 to index
      %get3A_2108 = arith.index_cast %get3A_2106 : i32 to index
      %get3A_2109 = arith.constant 96 : index
      %get3A_2110 = tpu.vector_load %arg13[%get3A_2107, %get3A_2108, %get3A_2109] {strides = array<i32>} : memref<8x16x128xf32, #tpu.memory_space<vmem>>, vector<16xf32>,
      %get3A_2111 = arith.constant 11 : i32
      %get3A_2112 = arith.index_cast %rem3A_274 : i32 to index
      %get3A_2113 = arith.index_cast %get3A_2111 : i32 to index
      %get3A_2114 = arith.constant 96 : index
      %get3A_2115 = tpu.vector_load %arg12[%get3A_2112, %get3A_2113, %get3A_2114] {strides = array<i32>} : memref<8x16x128xf32, #tpu.memory_space<vmem>>, vector<16xf32>,
      %sub3A_2116 = arith.subf %get3A_2115, %get3A_2110 : vector<16xf32>
      %add3A_2117 = arith.addf %get3A_2105, %sub3A_2116 : vector<16xf32>
      %abs3A_2118 = math.absf %add3A_2117 : vector<16xf32>
      %get3A_2119 = arith.constant 11 : i32
      %get3A_2120 = arith.index_cast %rem3A_274 : i32 to index
      %get3A_2121 = arith.index_cast %get3A_2119 : i32 to index
      %get3A_2122 = arith.constant 112 : index
      %get3A_2123 = tpu.vector_load %arg11[%get3A_2120, %get3A_2121, %get3A_2122] {strides = array<i32>} : memref<8x16x128xf32, #tpu.memory_space<vmem>>, vector<16xf32>,
      %get3A_2124 = arith.constant 11 : i32
      %get3A_2125 = arith.index_cast %rem3A_274 : i32 to index
      %get3A_2126 = arith.index_cast %get3A_2124 : i32 to index
      %get3A_2127 = arith.constant 112 : index
      %get3A_2128 = tpu.vector_load %arg13[%get3A_2125, %get3A_2126, %get3A_2127] {strides = array<i32>} : memref<8x16x128xf32, #tpu.memory_space<vmem>>, vector<16xf32>,
      %get3A_2129 = arith.constant 11 : i32
      %get3A_2130 = arith.index_cast %rem3A_274 : i32 to index
      %get3A_2131 = arith.index_cast %get3A_2129 : i32 to index
      %get3A_2132 = arith.constant 112 : index
      %get3A_2133 = tpu.vector_load %arg12[%get3A_2130, %get3A_2131, %get3A_2132] {strides = array<i32>} : memref<8x16x128xf32, #tpu.memory_space<vmem>>, vector<16xf32>,
      %sub3A_2134 = arith.subf %get3A_2133, %get3A_2128 : vector<16xf32>
      %add3A_2135 = arith.addf %get3A_2123, %sub3A_2134 : vector<16xf32>
      %abs3A_2136 = math.absf %add3A_2135 : vector<16xf32>
      %add3A_2137 = arith.addf %abs3A_2010, %abs3A_2028 : vector<16xf32>
      %add3A_2138 = arith.addf %abs3A_2046, %abs3A_2064 : vector<16xf32>
      %add3A_2139 = arith.addf %abs3A_2082, %abs3A_2100 : vector<16xf32>
      %add3A_2140 = arith.addf %abs3A_2118, %abs3A_2136 : vector<16xf32>
      %add3A_2141 = arith.addf %add3A_2137, %add3A_2138 : vector<16xf32>
      %add3A_2142 = arith.addf %add3A_2139, %add3A_2140 : vector<16xf32>
      %add3A_2143 = arith.addf %add3A_2141, %add3A_2142 : vector<16xf32>
      %swap3A_2144 = arith.constant 176 : index
      %swap3A_2145 = tpu.vector_load %arg14[%swap3A_2144] {strides = array<i32>} : memref<256xf32, #tpu.memory_space<vmem>>, vector<16xf32>,
      tpu.vector_store %arg14[%swap3A_2144], %add3A_2143 {strides = array<i32>} : memref<256xf32, #tpu.memory_space<vmem>>, vector<16xf32>,
      %get3A_2146 = arith.constant 12 : i32
      %get3A_2147 = arith.index_cast %rem3A_274 : i32 to index
      %get3A_2148 = arith.index_cast %get3A_2146 : i32 to index
      %get3A_2149 = arith.constant 0 : index
      %get3A_2150 = tpu.vector_load %arg11[%get3A_2147, %get3A_2148, %get3A_2149] {strides = array<i32>} : memref<8x16x128xf32, #tpu.memory_space<vmem>>, vector<16xf32>,
      %get3A_2151 = arith.constant 12 : i32
      %get3A_2152 = arith.index_cast %rem3A_274 : i32 to index
      %get3A_2153 = arith.index_cast %get3A_2151 : i32 to index
      %get3A_2154 = arith.constant 0 : index
      %get3A_2155 = tpu.vector_load %arg13[%get3A_2152, %get3A_2153, %get3A_2154] {strides = array<i32>} : memref<8x16x128xf32, #tpu.memory_space<vmem>>, vector<16xf32>,
      %get3A_2156 = arith.constant 12 : i32
      %get3A_2157 = arith.index_cast %rem3A_274 : i32 to index
      %get3A_2158 = arith.index_cast %get3A_2156 : i32 to index
      %get3A_2159 = arith.constant 0 : index
      %get3A_2160 = tpu.vector_load %arg12[%get3A_2157, %get3A_2158, %get3A_2159] {strides = array<i32>} : memref<8x16x128xf32, #tpu.memory_space<vmem>>, vector<16xf32>,
      %sub3A_2161 = arith.subf %get3A_2160, %get3A_2155 : vector<16xf32>
      %add3A_2162 = arith.addf %get3A_2150, %sub3A_2161 : vector<16xf32>
      %abs3A_2163 = math.absf %add3A_2162 : vector<16xf32>
      %get3A_2164 = arith.constant 12 : i32
      %get3A_2165 = arith.index_cast %rem3A_274 : i32 to index
      %get3A_2166 = arith.index_cast %get3A_2164 : i32 to index
      %get3A_2167 = arith.constant 16 : index
      %get3A_2168 = tpu.vector_load %arg11[%get3A_2165, %get3A_2166, %get3A_2167] {strides = array<i32>} : memref<8x16x128xf32, #tpu.memory_space<vmem>>, vector<16xf32>,
      %get3A_2169 = arith.constant 12 : i32
      %get3A_2170 = arith.index_cast %rem3A_274 : i32 to index
      %get3A_2171 = arith.index_cast %get3A_2169 : i32 to index
      %get3A_2172 = arith.constant 16 : index
      %get3A_2173 = tpu.vector_load %arg13[%get3A_2170, %get3A_2171, %get3A_2172] {strides = array<i32>} : memref<8x16x128xf32, #tpu.memory_space<vmem>>, vector<16xf32>,
      %get3A_2174 = arith.constant 12 : i32
      %get3A_2175 = arith.index_cast %rem3A_274 : i32 to index
      %get3A_2176 = arith.index_cast %get3A_2174 : i32 to index
      %get3A_2177 = arith.constant 16 : index
      %get3A_2178 = tpu.vector_load %arg12[%get3A_2175, %get3A_2176, %get3A_2177] {strides = array<i32>} : memref<8x16x128xf32, #tpu.memory_space<vmem>>, vector<16xf32>,
      %sub3A_2179 = arith.subf %get3A_2178, %get3A_2173 : vector<16xf32>
      %add3A_2180 = arith.addf %get3A_2168, %sub3A_2179 : vector<16xf32>
      %abs3A_2181 = math.absf %add3A_2180 : vector<16xf32>
      %get3A_2182 = arith.constant 12 : i32
      %get3A_2183 = arith.index_cast %rem3A_274 : i32 to index
      %get3A_2184 = arith.index_cast %get3A_2182 : i32 to index
      %get3A_2185 = arith.constant 32 : index
      %get3A_2186 = tpu.vector_load %arg11[%get3A_2183, %get3A_2184, %get3A_2185] {strides = array<i32>} : memref<8x16x128xf32, #tpu.memory_space<vmem>>, vector<16xf32>,
      %get3A_2187 = arith.constant 12 : i32
      %get3A_2188 = arith.index_cast %rem3A_274 : i32 to index
      %get3A_2189 = arith.index_cast %get3A_2187 : i32 to index
      %get3A_2190 = arith.constant 32 : index
      %get3A_2191 = tpu.vector_load %arg13[%get3A_2188, %get3A_2189, %get3A_2190] {strides = array<i32>} : memref<8x16x128xf32, #tpu.memory_space<vmem>>, vector<16xf32>,
      %get3A_2192 = arith.constant 12 : i32
      %get3A_2193 = arith.index_cast %rem3A_274 : i32 to index
      %get3A_2194 = arith.index_cast %get3A_2192 : i32 to index
      %get3A_2195 = arith.constant 32 : index
      %get3A_2196 = tpu.vector_load %arg12[%get3A_2193, %get3A_2194, %get3A_2195] {strides = array<i32>} : memref<8x16x128xf32, #tpu.memory_space<vmem>>, vector<16xf32>,
      %sub3A_2197 = arith.subf %get3A_2196, %get3A_2191 : vector<16xf32>
      %add3A_2198 = arith.addf %get3A_2186, %sub3A_2197 : vector<16xf32>
      %abs3A_2199 = math.absf %add3A_2198 : vector<16xf32>
      %get3A_2200 = arith.constant 12 : i32
      %get3A_2201 = arith.index_cast %rem3A_274 : i32 to index
      %get3A_2202 = arith.index_cast %get3A_2200 : i32 to index
      %get3A_2203 = arith.constant 48 : index
      %get3A_2204 = tpu.vector_load %arg11[%get3A_2201, %get3A_2202, %get3A_2203] {strides = array<i32>} : memref<8x16x128xf32, #tpu.memory_space<vmem>>, vector<16xf32>,
      %get3A_2205 = arith.constant 12 : i32
      %get3A_2206 = arith.index_cast %rem3A_274 : i32 to index
      %get3A_2207 = arith.index_cast %get3A_2205 : i32 to index
      %get3A_2208 = arith.constant 48 : index
      %get3A_2209 = tpu.vector_load %arg13[%get3A_2206, %get3A_2207, %get3A_2208] {strides = array<i32>} : memref<8x16x128xf32, #tpu.memory_space<vmem>>, vector<16xf32>,
      %get3A_2210 = arith.constant 12 : i32
      %get3A_2211 = arith.index_cast %rem3A_274 : i32 to index
      %get3A_2212 = arith.index_cast %get3A_2210 : i32 to index
      %get3A_2213 = arith.constant 48 : index
      %get3A_2214 = tpu.vector_load %arg12[%get3A_2211, %get3A_2212, %get3A_2213] {strides = array<i32>} : memref<8x16x128xf32, #tpu.memory_space<vmem>>, vector<16xf32>,
      %sub3A_2215 = arith.subf %get3A_2214, %get3A_2209 : vector<16xf32>
      %add3A_2216 = arith.addf %get3A_2204, %sub3A_2215 : vector<16xf32>
      %abs3A_2217 = math.absf %add3A_2216 : vector<16xf32>
      %get3A_2218 = arith.constant 12 : i32
      %get3A_2219 = arith.index_cast %rem3A_274 : i32 to index
      %get3A_2220 = arith.index_cast %get3A_2218 : i32 to index
      %get3A_2221 = arith.constant 64 : index
      %get3A_2222 = tpu.vector_load %arg11[%get3A_2219, %get3A_2220, %get3A_2221] {strides = array<i32>} : memref<8x16x128xf32, #tpu.memory_space<vmem>>, vector<16xf32>,
      %get3A_2223 = arith.constant 12 : i32
      %get3A_2224 = arith.index_cast %rem3A_274 : i32 to index
      %get3A_2225 = arith.index_cast %get3A_2223 : i32 to index
      %get3A_2226 = arith.constant 64 : index
      %get3A_2227 = tpu.vector_load %arg13[%get3A_2224, %get3A_2225, %get3A_2226] {strides = array<i32>} : memref<8x16x128xf32, #tpu.memory_space<vmem>>, vector<16xf32>,
      %get3A_2228 = arith.constant 12 : i32
      %get3A_2229 = arith.index_cast %rem3A_274 : i32 to index
      %get3A_2230 = arith.index_cast %get3A_2228 : i32 to index
      %get3A_2231 = arith.constant 64 : index
      %get3A_2232 = tpu.vector_load %arg12[%get3A_2229, %get3A_2230, %get3A_2231] {strides = array<i32>} : memref<8x16x128xf32, #tpu.memory_space<vmem>>, vector<16xf32>,
      %sub3A_2233 = arith.subf %get3A_2232, %get3A_2227 : vector<16xf32>
      %add3A_2234 = arith.addf %get3A_2222, %sub3A_2233 : vector<16xf32>
      %abs3A_2235 = math.absf %add3A_2234 : vector<16xf32>
      %get3A_2236 = arith.constant 12 : i32
      %get3A_2237 = arith.index_cast %rem3A_274 : i32 to index
      %get3A_2238 = arith.index_cast %get3A_2236 : i32 to index
      %get3A_2239 = arith.constant 80 : index
      %get3A_2240 = tpu.vector_load %arg11[%get3A_2237, %get3A_2238, %get3A_2239] {strides = array<i32>} : memref<8x16x128xf32, #tpu.memory_space<vmem>>, vector<16xf32>,
      %get3A_2241 = arith.constant 12 : i32
      %get3A_2242 = arith.index_cast %rem3A_274 : i32 to index
      %get3A_2243 = arith.index_cast %get3A_2241 : i32 to index
      %get3A_2244 = arith.constant 80 : index
      %get3A_2245 = tpu.vector_load %arg13[%get3A_2242, %get3A_2243, %get3A_2244] {strides = array<i32>} : memref<8x16x128xf32, #tpu.memory_space<vmem>>, vector<16xf32>,
      %get3A_2246 = arith.constant 12 : i32
      %get3A_2247 = arith.index_cast %rem3A_274 : i32 to index
      %get3A_2248 = arith.index_cast %get3A_2246 : i32 to index
      %get3A_2249 = arith.constant 80 : index
      %get3A_2250 = tpu.vector_load %arg12[%get3A_2247, %get3A_2248, %get3A_2249] {strides = array<i32>} : memref<8x16x128xf32, #tpu.memory_space<vmem>>, vector<16xf32>,
      %sub3A_2251 = arith.subf %get3A_2250, %get3A_2245 : vector<16xf32>
      %add3A_2252 = arith.addf %get3A_2240, %sub3A_2251 : vector<16xf32>
      %abs3A_2253 = math.absf %add3A_2252 : vector<16xf32>
      %get3A_2254 = arith.constant 12 : i32
      %get3A_2255 = arith.index_cast %rem3A_274 : i32 to index
      %get3A_2256 = arith.index_cast %get3A_2254 : i32 to index
      %get3A_2257 = arith.constant 96 : index
      %get3A_2258 = tpu.vector_load %arg11[%get3A_2255, %get3A_2256, %get3A_2257] {strides = array<i32>} : memref<8x16x128xf32, #tpu.memory_space<vmem>>, vector<16xf32>,
      %get3A_2259 = arith.constant 12 : i32
      %get3A_2260 = arith.index_cast %rem3A_274 : i32 to index
      %get3A_2261 = arith.index_cast %get3A_2259 : i32 to index
      %get3A_2262 = arith.constant 96 : index
      %get3A_2263 = tpu.vector_load %arg13[%get3A_2260, %get3A_2261, %get3A_2262] {strides = array<i32>} : memref<8x16x128xf32, #tpu.memory_space<vmem>>, vector<16xf32>,
      %get3A_2264 = arith.constant 12 : i32
      %get3A_2265 = arith.index_cast %rem3A_274 : i32 to index
      %get3A_2266 = arith.index_cast %get3A_2264 : i32 to index
      %get3A_2267 = arith.constant 96 : index
      %get3A_2268 = tpu.vector_load %arg12[%get3A_2265, %get3A_2266, %get3A_2267] {strides = array<i32>} : memref<8x16x128xf32, #tpu.memory_space<vmem>>, vector<16xf32>,
      %sub3A_2269 = arith.subf %get3A_2268, %get3A_2263 : vector<16xf32>
      %add3A_2270 = arith.addf %get3A_2258, %sub3A_2269 : vector<16xf32>
      %abs3A_2271 = math.absf %add3A_2270 : vector<16xf32>
      %get3A_2272 = arith.constant 12 : i32
      %get3A_2273 = arith.index_cast %rem3A_274 : i32 to index
      %get3A_2274 = arith.index_cast %get3A_2272 : i32 to index
      %get3A_2275 = arith.constant 112 : index
      %get3A_2276 = tpu.vector_load %arg11[%get3A_2273, %get3A_2274, %get3A_2275] {strides = array<i32>} : memref<8x16x128xf32, #tpu.memory_space<vmem>>, vector<16xf32>,
      %get3A_2277 = arith.constant 12 : i32
      %get3A_2278 = arith.index_cast %rem3A_274 : i32 to index
      %get3A_2279 = arith.index_cast %get3A_2277 : i32 to index
      %get3A_2280 = arith.constant 112 : index
      %get3A_2281 = tpu.vector_load %arg13[%get3A_2278, %get3A_2279, %get3A_2280] {strides = array<i32>} : memref<8x16x128xf32, #tpu.memory_space<vmem>>, vector<16xf32>,
      %get3A_2282 = arith.constant 12 : i32
      %get3A_2283 = arith.index_cast %rem3A_274 : i32 to index
      %get3A_2284 = arith.index_cast %get3A_2282 : i32 to index
      %get3A_2285 = arith.constant 112 : index
      %get3A_2286 = tpu.vector_load %arg12[%get3A_2283, %get3A_2284, %get3A_2285] {strides = array<i32>} : memref<8x16x128xf32, #tpu.memory_space<vmem>>, vector<16xf32>,
      %sub3A_2287 = arith.subf %get3A_2286, %get3A_2281 : vector<16xf32>
      %add3A_2288 = arith.addf %get3A_2276, %sub3A_2287 : vector<16xf32>
      %abs3A_2289 = math.absf %add3A_2288 : vector<16xf32>
      %add3A_2290 = arith.addf %abs3A_2163, %abs3A_2181 : vector<16xf32>
      %add3A_2291 = arith.addf %abs3A_2199, %abs3A_2217 : vector<16xf32>
      %add3A_2292 = arith.addf %abs3A_2235, %abs3A_2253 : vector<16xf32>
      %add3A_2293 = arith.addf %abs3A_2271, %abs3A_2289 : vector<16xf32>
      %add3A_2294 = arith.addf %add3A_2290, %add3A_2291 : vector<16xf32>
      %add3A_2295 = arith.addf %add3A_2292, %add3A_2293 : vector<16xf32>
      %add3A_2296 = arith.addf %add3A_2294, %add3A_2295 : vector<16xf32>
      %swap3A_2297 = arith.constant 192 : index
      %swap3A_2298 = tpu.vector_load %arg14[%swap3A_2297] {strides = array<i32>} : memref<256xf32, #tpu.memory_space<vmem>>, vector<16xf32>,
      tpu.vector_store %arg14[%swap3A_2297], %add3A_2296 {strides = array<i32>} : memref<256xf32, #tpu.memory_space<vmem>>, vector<16xf32>,
      %get3A_2299 = arith.constant 13 : i32
      %get3A_2300 = arith.index_cast %rem3A_274 : i32 to index
      %get3A_2301 = arith.index_cast %get3A_2299 : i32 to index
      %get3A_2302 = arith.constant 0 : index
      %get3A_2303 = tpu.vector_load %arg11[%get3A_2300, %get3A_2301, %get3A_2302] {strides = array<i32>} : memref<8x16x128xf32, #tpu.memory_space<vmem>>, vector<16xf32>,
      %get3A_2304 = arith.constant 13 : i32
      %get3A_2305 = arith.index_cast %rem3A_274 : i32 to index
      %get3A_2306 = arith.index_cast %get3A_2304 : i32 to index
      %get3A_2307 = arith.constant 0 : index
      %get3A_2308 = tpu.vector_load %arg13[%get3A_2305, %get3A_2306, %get3A_2307] {strides = array<i32>} : memref<8x16x128xf32, #tpu.memory_space<vmem>>, vector<16xf32>,
      %get3A_2309 = arith.constant 13 : i32
      %get3A_2310 = arith.index_cast %rem3A_274 : i32 to index
      %get3A_2311 = arith.index_cast %get3A_2309 : i32 to index
      %get3A_2312 = arith.constant 0 : index
      %get3A_2313 = tpu.vector_load %arg12[%get3A_2310, %get3A_2311, %get3A_2312] {strides = array<i32>} : memref<8x16x128xf32, #tpu.memory_space<vmem>>, vector<16xf32>,
      %sub3A_2314 = arith.subf %get3A_2313, %get3A_2308 : vector<16xf32>
      %add3A_2315 = arith.addf %get3A_2303, %sub3A_2314 : vector<16xf32>
      %abs3A_2316 = math.absf %add3A_2315 : vector<16xf32>
      %get3A_2317 = arith.constant 13 : i32
      %get3A_2318 = arith.index_cast %rem3A_274 : i32 to index
      %get3A_2319 = arith.index_cast %get3A_2317 : i32 to index
      %get3A_2320 = arith.constant 16 : index
      %get3A_2321 = tpu.vector_load %arg11[%get3A_2318, %get3A_2319, %get3A_2320] {strides = array<i32>} : memref<8x16x128xf32, #tpu.memory_space<vmem>>, vector<16xf32>,
      %get3A_2322 = arith.constant 13 : i32
      %get3A_2323 = arith.index_cast %rem3A_274 : i32 to index
      %get3A_2324 = arith.index_cast %get3A_2322 : i32 to index
      %get3A_2325 = arith.constant 16 : index
      %get3A_2326 = tpu.vector_load %arg13[%get3A_2323, %get3A_2324, %get3A_2325] {strides = array<i32>} : memref<8x16x128xf32, #tpu.memory_space<vmem>>, vector<16xf32>,
      %get3A_2327 = arith.constant 13 : i32
      %get3A_2328 = arith.index_cast %rem3A_274 : i32 to index
      %get3A_2329 = arith.index_cast %get3A_2327 : i32 to index
      %get3A_2330 = arith.constant 16 : index
      %get3A_2331 = tpu.vector_load %arg12[%get3A_2328, %get3A_2329, %get3A_2330] {strides = array<i32>} : memref<8x16x128xf32, #tpu.memory_space<vmem>>, vector<16xf32>,
      %sub3A_2332 = arith.subf %get3A_2331, %get3A_2326 : vector<16xf32>
      %add3A_2333 = arith.addf %get3A_2321, %sub3A_2332 : vector<16xf32>
      %abs3A_2334 = math.absf %add3A_2333 : vector<16xf32>
      %get3A_2335 = arith.constant 13 : i32
      %get3A_2336 = arith.index_cast %rem3A_274 : i32 to index
      %get3A_2337 = arith.index_cast %get3A_2335 : i32 to index
      %get3A_2338 = arith.constant 32 : index
      %get3A_2339 = tpu.vector_load %arg11[%get3A_2336, %get3A_2337, %get3A_2338] {strides = array<i32>} : memref<8x16x128xf32, #tpu.memory_space<vmem>>, vector<16xf32>,
      %get3A_2340 = arith.constant 13 : i32
      %get3A_2341 = arith.index_cast %rem3A_274 : i32 to index
      %get3A_2342 = arith.index_cast %get3A_2340 : i32 to index
      %get3A_2343 = arith.constant 32 : index
      %get3A_2344 = tpu.vector_load %arg13[%get3A_2341, %get3A_2342, %get3A_2343] {strides = array<i32>} : memref<8x16x128xf32, #tpu.memory_space<vmem>>, vector<16xf32>,
      %get3A_2345 = arith.constant 13 : i32
      %get3A_2346 = arith.index_cast %rem3A_274 : i32 to index
      %get3A_2347 = arith.index_cast %get3A_2345 : i32 to index
      %get3A_2348 = arith.constant 32 : index
      %get3A_2349 = tpu.vector_load %arg12[%get3A_2346, %get3A_2347, %get3A_2348] {strides = array<i32>} : memref<8x16x128xf32, #tpu.memory_space<vmem>>, vector<16xf32>,
      %sub3A_2350 = arith.subf %get3A_2349, %get3A_2344 : vector<16xf32>
      %add3A_2351 = arith.addf %get3A_2339, %sub3A_2350 : vector<16xf32>
      %abs3A_2352 = math.absf %add3A_2351 : vector<16xf32>
      %get3A_2353 = arith.constant 13 : i32
      %get3A_2354 = arith.index_cast %rem3A_274 : i32 to index
      %get3A_2355 = arith.index_cast %get3A_2353 : i32 to index
      %get3A_2356 = arith.constant 48 : index
      %get3A_2357 = tpu.vector_load %arg11[%get3A_2354, %get3A_2355, %get3A_2356] {strides = array<i32>} : memref<8x16x128xf32, #tpu.memory_space<vmem>>, vector<16xf32>,
      %get3A_2358 = arith.constant 13 : i32
      %get3A_2359 = arith.index_cast %rem3A_274 : i32 to index
      %get3A_2360 = arith.index_cast %get3A_2358 : i32 to index
      %get3A_2361 = arith.constant 48 : index
      %get3A_2362 = tpu.vector_load %arg13[%get3A_2359, %get3A_2360, %get3A_2361] {strides = array<i32>} : memref<8x16x128xf32, #tpu.memory_space<vmem>>, vector<16xf32>,
      %get3A_2363 = arith.constant 13 : i32
      %get3A_2364 = arith.index_cast %rem3A_274 : i32 to index
      %get3A_2365 = arith.index_cast %get3A_2363 : i32 to index
      %get3A_2366 = arith.constant 48 : index
      %get3A_2367 = tpu.vector_load %arg12[%get3A_2364, %get3A_2365, %get3A_2366] {strides = array<i32>} : memref<8x16x128xf32, #tpu.memory_space<vmem>>, vector<16xf32>,
      %sub3A_2368 = arith.subf %get3A_2367, %get3A_2362 : vector<16xf32>
      %add3A_2369 = arith.addf %get3A_2357, %sub3A_2368 : vector<16xf32>
      %abs3A_2370 = math.absf %add3A_2369 : vector<16xf32>
      %get3A_2371 = arith.constant 13 : i32
      %get3A_2372 = arith.index_cast %rem3A_274 : i32 to index
      %get3A_2373 = arith.index_cast %get3A_2371 : i32 to index
      %get3A_2374 = arith.constant 64 : index
      %get3A_2375 = tpu.vector_load %arg11[%get3A_2372, %get3A_2373, %get3A_2374] {strides = array<i32>} : memref<8x16x128xf32, #tpu.memory_space<vmem>>, vector<16xf32>,
      %get3A_2376 = arith.constant 13 : i32
      %get3A_2377 = arith.index_cast %rem3A_274 : i32 to index
      %get3A_2378 = arith.index_cast %get3A_2376 : i32 to index
      %get3A_2379 = arith.constant 64 : index
      %get3A_2380 = tpu.vector_load %arg13[%get3A_2377, %get3A_2378, %get3A_2379] {strides = array<i32>} : memref<8x16x128xf32, #tpu.memory_space<vmem>>, vector<16xf32>,
      %get3A_2381 = arith.constant 13 : i32
      %get3A_2382 = arith.index_cast %rem3A_274 : i32 to index
      %get3A_2383 = arith.index_cast %get3A_2381 : i32 to index
      %get3A_2384 = arith.constant 64 : index
      %get3A_2385 = tpu.vector_load %arg12[%get3A_2382, %get3A_2383, %get3A_2384] {strides = array<i32>} : memref<8x16x128xf32, #tpu.memory_space<vmem>>, vector<16xf32>,
      %sub3A_2386 = arith.subf %get3A_2385, %get3A_2380 : vector<16xf32>
      %add3A_2387 = arith.addf %get3A_2375, %sub3A_2386 : vector<16xf32>
      %abs3A_2388 = math.absf %add3A_2387 : vector<16xf32>
      %get3A_2389 = arith.constant 13 : i32
      %get3A_2390 = arith.index_cast %rem3A_274 : i32 to index
      %get3A_2391 = arith.index_cast %get3A_2389 : i32 to index
      %get3A_2392 = arith.constant 80 : index
      %get3A_2393 = tpu.vector_load %arg11[%get3A_2390, %get3A_2391, %get3A_2392] {strides = array<i32>} : memref<8x16x128xf32, #tpu.memory_space<vmem>>, vector<16xf32>,
      %get3A_2394 = arith.constant 13 : i32
      %get3A_2395 = arith.index_cast %rem3A_274 : i32 to index
      %get3A_2396 = arith.index_cast %get3A_2394 : i32 to index
      %get3A_2397 = arith.constant 80 : index
      %get3A_2398 = tpu.vector_load %arg13[%get3A_2395, %get3A_2396, %get3A_2397] {strides = array<i32>} : memref<8x16x128xf32, #tpu.memory_space<vmem>>, vector<16xf32>,
      %get3A_2399 = arith.constant 13 : i32
      %get3A_2400 = arith.index_cast %rem3A_274 : i32 to index
      %get3A_2401 = arith.index_cast %get3A_2399 : i32 to index
      %get3A_2402 = arith.constant 80 : index
      %get3A_2403 = tpu.vector_load %arg12[%get3A_2400, %get3A_2401, %get3A_2402] {strides = array<i32>} : memref<8x16x128xf32, #tpu.memory_space<vmem>>, vector<16xf32>,
      %sub3A_2404 = arith.subf %get3A_2403, %get3A_2398 : vector<16xf32>
      %add3A_2405 = arith.addf %get3A_2393, %sub3A_2404 : vector<16xf32>
      %abs3A_2406 = math.absf %add3A_2405 : vector<16xf32>
      %get3A_2407 = arith.constant 13 : i32
      %get3A_2408 = arith.index_cast %rem3A_274 : i32 to index
      %get3A_2409 = arith.index_cast %get3A_2407 : i32 to index
      %get3A_2410 = arith.constant 96 : index
      %get3A_2411 = tpu.vector_load %arg11[%get3A_2408, %get3A_2409, %get3A_2410] {strides = array<i32>} : memref<8x16x128xf32, #tpu.memory_space<vmem>>, vector<16xf32>,
      %get3A_2412 = arith.constant 13 : i32
      %get3A_2413 = arith.index_cast %rem3A_274 : i32 to index
      %get3A_2414 = arith.index_cast %get3A_2412 : i32 to index
      %get3A_2415 = arith.constant 96 : index
      %get3A_2416 = tpu.vector_load %arg13[%get3A_2413, %get3A_2414, %get3A_2415] {strides = array<i32>} : memref<8x16x128xf32, #tpu.memory_space<vmem>>, vector<16xf32>,
      %get3A_2417 = arith.constant 13 : i32
      %get3A_2418 = arith.index_cast %rem3A_274 : i32 to index
      %get3A_2419 = arith.index_cast %get3A_2417 : i32 to index
      %get3A_2420 = arith.constant 96 : index
      %get3A_2421 = tpu.vector_load %arg12[%get3A_2418, %get3A_2419, %get3A_2420] {strides = array<i32>} : memref<8x16x128xf32, #tpu.memory_space<vmem>>, vector<16xf32>,
      %sub3A_2422 = arith.subf %get3A_2421, %get3A_2416 : vector<16xf32>
      %add3A_2423 = arith.addf %get3A_2411, %sub3A_2422 : vector<16xf32>
      %abs3A_2424 = math.absf %add3A_2423 : vector<16xf32>
      %get3A_2425 = arith.constant 13 : i32
      %get3A_2426 = arith.index_cast %rem3A_274 : i32 to index
      %get3A_2427 = arith.index_cast %get3A_2425 : i32 to index
      %get3A_2428 = arith.constant 112 : index
      %get3A_2429 = tpu.vector_load %arg11[%get3A_2426, %get3A_2427, %get3A_2428] {strides = array<i32>} : memref<8x16x128xf32, #tpu.memory_space<vmem>>, vector<16xf32>,
      %get3A_2430 = arith.constant 13 : i32
      %get3A_2431 = arith.index_cast %rem3A_274 : i32 to index
      %get3A_2432 = arith.index_cast %get3A_2430 : i32 to index
      %get3A_2433 = arith.constant 112 : index
      %get3A_2434 = tpu.vector_load %arg13[%get3A_2431, %get3A_2432, %get3A_2433] {strides = array<i32>} : memref<8x16x128xf32, #tpu.memory_space<vmem>>, vector<16xf32>,
      %get3A_2435 = arith.constant 13 : i32
      %get3A_2436 = arith.index_cast %rem3A_274 : i32 to index
      %get3A_2437 = arith.index_cast %get3A_2435 : i32 to index
      %get3A_2438 = arith.constant 112 : index
      %get3A_2439 = tpu.vector_load %arg12[%get3A_2436, %get3A_2437, %get3A_2438] {strides = array<i32>} : memref<8x16x128xf32, #tpu.memory_space<vmem>>, vector<16xf32>,
      %sub3A_2440 = arith.subf %get3A_2439, %get3A_2434 : vector<16xf32>
      %add3A_2441 = arith.addf %get3A_2429, %sub3A_2440 : vector<16xf32>
      %abs3A_2442 = math.absf %add3A_2441 : vector<16xf32>
      %add3A_2443 = arith.addf %abs3A_2316, %abs3A_2334 : vector<16xf32>
      %add3A_2444 = arith.addf %abs3A_2352, %abs3A_2370 : vector<16xf32>
      %add3A_2445 = arith.addf %abs3A_2388, %abs3A_2406 : vector<16xf32>
      %add3A_2446 = arith.addf %abs3A_2424, %abs3A_2442 : vector<16xf32>
      %add3A_2447 = arith.addf %add3A_2443, %add3A_2444 : vector<16xf32>
      %add3A_2448 = arith.addf %add3A_2445, %add3A_2446 : vector<16xf32>
      %add3A_2449 = arith.addf %add3A_2447, %add3A_2448 : vector<16xf32>
      %swap3A_2450 = arith.constant 208 : index
      %swap3A_2451 = tpu.vector_load %arg14[%swap3A_2450] {strides = array<i32>} : memref<256xf32, #tpu.memory_space<vmem>>, vector<16xf32>,
      tpu.vector_store %arg14[%swap3A_2450], %add3A_2449 {strides = array<i32>} : memref<256xf32, #tpu.memory_space<vmem>>, vector<16xf32>,
      %get3A_2452 = arith.constant 14 : i32
      %get3A_2453 = arith.index_cast %rem3A_274 : i32 to index
      %get3A_2454 = arith.index_cast %get3A_2452 : i32 to index
      %get3A_2455 = arith.constant 0 : index
      %get3A_2456 = tpu.vector_load %arg11[%get3A_2453, %get3A_2454, %get3A_2455] {strides = array<i32>} : memref<8x16x128xf32, #tpu.memory_space<vmem>>, vector<16xf32>,
      %get3A_2457 = arith.constant 14 : i32
      %get3A_2458 = arith.index_cast %rem3A_274 : i32 to index
      %get3A_2459 = arith.index_cast %get3A_2457 : i32 to index
      %get3A_2460 = arith.constant 0 : index
      %get3A_2461 = tpu.vector_load %arg13[%get3A_2458, %get3A_2459, %get3A_2460] {strides = array<i32>} : memref<8x16x128xf32, #tpu.memory_space<vmem>>, vector<16xf32>,
      %get3A_2462 = arith.constant 14 : i32
      %get3A_2463 = arith.index_cast %rem3A_274 : i32 to index
      %get3A_2464 = arith.index_cast %get3A_2462 : i32 to index
      %get3A_2465 = arith.constant 0 : index
      %get3A_2466 = tpu.vector_load %arg12[%get3A_2463, %get3A_2464, %get3A_2465] {strides = array<i32>} : memref<8x16x128xf32, #tpu.memory_space<vmem>>, vector<16xf32>,
      %sub3A_2467 = arith.subf %get3A_2466, %get3A_2461 : vector<16xf32>
      %add3A_2468 = arith.addf %get3A_2456, %sub3A_2467 : vector<16xf32>
      %abs3A_2469 = math.absf %add3A_2468 : vector<16xf32>
      %get3A_2470 = arith.constant 14 : i32
      %get3A_2471 = arith.index_cast %rem3A_274 : i32 to index
      %get3A_2472 = arith.index_cast %get3A_2470 : i32 to index
      %get3A_2473 = arith.constant 16 : index
      %get3A_2474 = tpu.vector_load %arg11[%get3A_2471, %get3A_2472, %get3A_2473] {strides = array<i32>} : memref<8x16x128xf32, #tpu.memory_space<vmem>>, vector<16xf32>,
      %get3A_2475 = arith.constant 14 : i32
      %get3A_2476 = arith.index_cast %rem3A_274 : i32 to index
      %get3A_2477 = arith.index_cast %get3A_2475 : i32 to index
      %get3A_2478 = arith.constant 16 : index
      %get3A_2479 = tpu.vector_load %arg13[%get3A_2476, %get3A_2477, %get3A_2478] {strides = array<i32>} : memref<8x16x128xf32, #tpu.memory_space<vmem>>, vector<16xf32>,
      %get3A_2480 = arith.constant 14 : i32
      %get3A_2481 = arith.index_cast %rem3A_274 : i32 to index
      %get3A_2482 = arith.index_cast %get3A_2480 : i32 to index
      %get3A_2483 = arith.constant 16 : index
      %get3A_2484 = tpu.vector_load %arg12[%get3A_2481, %get3A_2482, %get3A_2483] {strides = array<i32>} : memref<8x16x128xf32, #tpu.memory_space<vmem>>, vector<16xf32>,
      %sub3A_2485 = arith.subf %get3A_2484, %get3A_2479 : vector<16xf32>
      %add3A_2486 = arith.addf %get3A_2474, %sub3A_2485 : vector<16xf32>
      %abs3A_2487 = math.absf %add3A_2486 : vector<16xf32>
      %get3A_2488 = arith.constant 14 : i32
      %get3A_2489 = arith.index_cast %rem3A_274 : i32 to index
      %get3A_2490 = arith.index_cast %get3A_2488 : i32 to index
      %get3A_2491 = arith.constant 32 : index
      %get3A_2492 = tpu.vector_load %arg11[%get3A_2489, %get3A_2490, %get3A_2491] {strides = array<i32>} : memref<8x16x128xf32, #tpu.memory_space<vmem>>, vector<16xf32>,
      %get3A_2493 = arith.constant 14 : i32
      %get3A_2494 = arith.index_cast %rem3A_274 : i32 to index
      %get3A_2495 = arith.index_cast %get3A_2493 : i32 to index
      %get3A_2496 = arith.constant 32 : index
      %get3A_2497 = tpu.vector_load %arg13[%get3A_2494, %get3A_2495, %get3A_2496] {strides = array<i32>} : memref<8x16x128xf32, #tpu.memory_space<vmem>>, vector<16xf32>,
      %get3A_2498 = arith.constant 14 : i32
      %get3A_2499 = arith.index_cast %rem3A_274 : i32 to index
      %get3A_2500 = arith.index_cast %get3A_2498 : i32 to index
      %get3A_2501 = arith.constant 32 : index
      %get3A_2502 = tpu.vector_load %arg12[%get3A_2499, %get3A_2500, %get3A_2501] {strides = array<i32>} : memref<8x16x128xf32, #tpu.memory_space<vmem>>, vector<16xf32>,
      %sub3A_2503 = arith.subf %get3A_2502, %get3A_2497 : vector<16xf32>
      %add3A_2504 = arith.addf %get3A_2492, %sub3A_2503 : vector<16xf32>
      %abs3A_2505 = math.absf %add3A_2504 : vector<16xf32>
      %get3A_2506 = arith.constant 14 : i32
      %get3A_2507 = arith.index_cast %rem3A_274 : i32 to index
      %get3A_2508 = arith.index_cast %get3A_2506 : i32 to index
      %get3A_2509 = arith.constant 48 : index
      %get3A_2510 = tpu.vector_load %arg11[%get3A_2507, %get3A_2508, %get3A_2509] {strides = array<i32>} : memref<8x16x128xf32, #tpu.memory_space<vmem>>, vector<16xf32>,
      %get3A_2511 = arith.constant 14 : i32
      %get3A_2512 = arith.index_cast %rem3A_274 : i32 to index
      %get3A_2513 = arith.index_cast %get3A_2511 : i32 to index
      %get3A_2514 = arith.constant 48 : index
      %get3A_2515 = tpu.vector_load %arg13[%get3A_2512, %get3A_2513, %get3A_2514] {strides = array<i32>} : memref<8x16x128xf32, #tpu.memory_space<vmem>>, vector<16xf32>,
      %get3A_2516 = arith.constant 14 : i32
      %get3A_2517 = arith.index_cast %rem3A_274 : i32 to index
      %get3A_2518 = arith.index_cast %get3A_2516 : i32 to index
      %get3A_2519 = arith.constant 48 : index
      %get3A_2520 = tpu.vector_load %arg12[%get3A_2517, %get3A_2518, %get3A_2519] {strides = array<i32>} : memref<8x16x128xf32, #tpu.memory_space<vmem>>, vector<16xf32>,
      %sub3A_2521 = arith.subf %get3A_2520, %get3A_2515 : vector<16xf32>
      %add3A_2522 = arith.addf %get3A_2510, %sub3A_2521 : vector<16xf32>
      %abs3A_2523 = math.absf %add3A_2522 : vector<16xf32>
      %get3A_2524 = arith.constant 14 : i32
      %get3A_2525 = arith.index_cast %rem3A_274 : i32 to index
      %get3A_2526 = arith.index_cast %get3A_2524 : i32 to index
      %get3A_2527 = arith.constant 64 : index
      %get3A_2528 = tpu.vector_load %arg11[%get3A_2525, %get3A_2526, %get3A_2527] {strides = array<i32>} : memref<8x16x128xf32, #tpu.memory_space<vmem>>, vector<16xf32>,
      %get3A_2529 = arith.constant 14 : i32
      %get3A_2530 = arith.index_cast %rem3A_274 : i32 to index
      %get3A_2531 = arith.index_cast %get3A_2529 : i32 to index
      %get3A_2532 = arith.constant 64 : index
      %get3A_2533 = tpu.vector_load %arg13[%get3A_2530, %get3A_2531, %get3A_2532] {strides = array<i32>} : memref<8x16x128xf32, #tpu.memory_space<vmem>>, vector<16xf32>,
      %get3A_2534 = arith.constant 14 : i32
      %get3A_2535 = arith.index_cast %rem3A_274 : i32 to index
      %get3A_2536 = arith.index_cast %get3A_2534 : i32 to index
      %get3A_2537 = arith.constant 64 : index
      %get3A_2538 = tpu.vector_load %arg12[%get3A_2535, %get3A_2536, %get3A_2537] {strides = array<i32>} : memref<8x16x128xf32, #tpu.memory_space<vmem>>, vector<16xf32>,
      %sub3A_2539 = arith.subf %get3A_2538, %get3A_2533 : vector<16xf32>
      %add3A_2540 = arith.addf %get3A_2528, %sub3A_2539 : vector<16xf32>
      %abs3A_2541 = math.absf %add3A_2540 : vector<16xf32>
      %get3A_2542 = arith.constant 14 : i32
      %get3A_2543 = arith.index_cast %rem3A_274 : i32 to index
      %get3A_2544 = arith.index_cast %get3A_2542 : i32 to index
      %get3A_2545 = arith.constant 80 : index
      %get3A_2546 = tpu.vector_load %arg11[%get3A_2543, %get3A_2544, %get3A_2545] {strides = array<i32>} : memref<8x16x128xf32, #tpu.memory_space<vmem>>, vector<16xf32>,
      %get3A_2547 = arith.constant 14 : i32
      %get3A_2548 = arith.index_cast %rem3A_274 : i32 to index
      %get3A_2549 = arith.index_cast %get3A_2547 : i32 to index
      %get3A_2550 = arith.constant 80 : index
      %get3A_2551 = tpu.vector_load %arg13[%get3A_2548, %get3A_2549, %get3A_2550] {strides = array<i32>} : memref<8x16x128xf32, #tpu.memory_space<vmem>>, vector<16xf32>,
      %get3A_2552 = arith.constant 14 : i32
      %get3A_2553 = arith.index_cast %rem3A_274 : i32 to index
      %get3A_2554 = arith.index_cast %get3A_2552 : i32 to index
      %get3A_2555 = arith.constant 80 : index
      %get3A_2556 = tpu.vector_load %arg12[%get3A_2553, %get3A_2554, %get3A_2555] {strides = array<i32>} : memref<8x16x128xf32, #tpu.memory_space<vmem>>, vector<16xf32>,
      %sub3A_2557 = arith.subf %get3A_2556, %get3A_2551 : vector<16xf32>
      %add3A_2558 = arith.addf %get3A_2546, %sub3A_2557 : vector<16xf32>
      %abs3A_2559 = math.absf %add3A_2558 : vector<16xf32>
      %get3A_2560 = arith.constant 14 : i32
      %get3A_2561 = arith.index_cast %rem3A_274 : i32 to index
      %get3A_2562 = arith.index_cast %get3A_2560 : i32 to index
      %get3A_2563 = arith.constant 96 : index
      %get3A_2564 = tpu.vector_load %arg11[%get3A_2561, %get3A_2562, %get3A_2563] {strides = array<i32>} : memref<8x16x128xf32, #tpu.memory_space<vmem>>, vector<16xf32>,
      %get3A_2565 = arith.constant 14 : i32
      %get3A_2566 = arith.index_cast %rem3A_274 : i32 to index
      %get3A_2567 = arith.index_cast %get3A_2565 : i32 to index
      %get3A_2568 = arith.constant 96 : index
      %get3A_2569 = tpu.vector_load %arg13[%get3A_2566, %get3A_2567, %get3A_2568] {strides = array<i32>} : memref<8x16x128xf32, #tpu.memory_space<vmem>>, vector<16xf32>,
      %get3A_2570 = arith.constant 14 : i32
      %get3A_2571 = arith.index_cast %rem3A_274 : i32 to index
      %get3A_2572 = arith.index_cast %get3A_2570 : i32 to index
      %get3A_2573 = arith.constant 96 : index
      %get3A_2574 = tpu.vector_load %arg12[%get3A_2571, %get3A_2572, %get3A_2573] {strides = array<i32>} : memref<8x16x128xf32, #tpu.memory_space<vmem>>, vector<16xf32>,
      %sub3A_2575 = arith.subf %get3A_2574, %get3A_2569 : vector<16xf32>
      %add3A_2576 = arith.addf %get3A_2564, %sub3A_2575 : vector<16xf32>
      %abs3A_2577 = math.absf %add3A_2576 : vector<16xf32>
      %get3A_2578 = arith.constant 14 : i32
      %get3A_2579 = arith.index_cast %rem3A_274 : i32 to index
      %get3A_2580 = arith.index_cast %get3A_2578 : i32 to index
      %get3A_2581 = arith.constant 112 : index
      %get3A_2582 = tpu.vector_load %arg11[%get3A_2579, %get3A_2580, %get3A_2581] {strides = array<i32>} : memref<8x16x128xf32, #tpu.memory_space<vmem>>, vector<16xf32>,
      %get3A_2583 = arith.constant 14 : i32
      %get3A_2584 = arith.index_cast %rem3A_274 : i32 to index
      %get3A_2585 = arith.index_cast %get3A_2583 : i32 to index
      %get3A_2586 = arith.constant 112 : index
      %get3A_2587 = tpu.vector_load %arg13[%get3A_2584, %get3A_2585, %get3A_2586] {strides = array<i32>} : memref<8x16x128xf32, #tpu.memory_space<vmem>>, vector<16xf32>,
      %get3A_2588 = arith.constant 14 : i32
      %get3A_2589 = arith.index_cast %rem3A_274 : i32 to index
      %get3A_2590 = arith.index_cast %get3A_2588 : i32 to index
      %get3A_2591 = arith.constant 112 : index
      %get3A_2592 = tpu.vector_load %arg12[%get3A_2589, %get3A_2590, %get3A_2591] {strides = array<i32>} : memref<8x16x128xf32, #tpu.memory_space<vmem>>, vector<16xf32>,
      %sub3A_2593 = arith.subf %get3A_2592, %get3A_2587 : vector<16xf32>
      %add3A_2594 = arith.addf %get3A_2582, %sub3A_2593 : vector<16xf32>
      %abs3A_2595 = math.absf %add3A_2594 : vector<16xf32>
      %add3A_2596 = arith.addf %abs3A_2469, %abs3A_2487 : vector<16xf32>
      %add3A_2597 = arith.addf %abs3A_2505, %abs3A_2523 : vector<16xf32>
      %add3A_2598 = arith.addf %abs3A_2541, %abs3A_2559 : vector<16xf32>
      %add3A_2599 = arith.addf %abs3A_2577, %abs3A_2595 : vector<16xf32>
      %add3A_2600 = arith.addf %add3A_2596, %add3A_2597 : vector<16xf32>
      %add3A_2601 = arith.addf %add3A_2598, %add3A_2599 : vector<16xf32>
      %add3A_2602 = arith.addf %add3A_2600, %add3A_2601 : vector<16xf32>
      %swap3A_2603 = arith.constant 224 : index
      %swap3A_2604 = tpu.vector_load %arg14[%swap3A_2603] {strides = array<i32>} : memref<256xf32, #tpu.memory_space<vmem>>, vector<16xf32>,
      tpu.vector_store %arg14[%swap3A_2603], %add3A_2602 {strides = array<i32>} : memref<256xf32, #tpu.memory_space<vmem>>, vector<16xf32>,
      %get3A_2605 = arith.constant 15 : i32
      %get3A_2606 = arith.index_cast %rem3A_274 : i32 to index
      %get3A_2607 = arith.index_cast %get3A_2605 : i32 to index
      %get3A_2608 = arith.constant 0 : index
      %get3A_2609 = tpu.vector_load %arg11[%get3A_2606, %get3A_2607, %get3A_2608] {strides = array<i32>} : memref<8x16x128xf32, #tpu.memory_space<vmem>>, vector<16xf32>,
      %get3A_2610 = arith.constant 15 : i32
      %get3A_2611 = arith.index_cast %rem3A_274 : i32 to index
      %get3A_2612 = arith.index_cast %get3A_2610 : i32 to index
      %get3A_2613 = arith.constant 0 : index
      %get3A_2614 = tpu.vector_load %arg13[%get3A_2611, %get3A_2612, %get3A_2613] {strides = array<i32>} : memref<8x16x128xf32, #tpu.memory_space<vmem>>, vector<16xf32>,
      %get3A_2615 = arith.constant 15 : i32
      %get3A_2616 = arith.index_cast %rem3A_274 : i32 to index
      %get3A_2617 = arith.index_cast %get3A_2615 : i32 to index
      %get3A_2618 = arith.constant 0 : index
      %get3A_2619 = tpu.vector_load %arg12[%get3A_2616, %get3A_2617, %get3A_2618] {strides = array<i32>} : memref<8x16x128xf32, #tpu.memory_space<vmem>>, vector<16xf32>,
      %sub3A_2620 = arith.subf %get3A_2619, %get3A_2614 : vector<16xf32>
      %add3A_2621 = arith.addf %get3A_2609, %sub3A_2620 : vector<16xf32>
      %abs3A_2622 = math.absf %add3A_2621 : vector<16xf32>
      %get3A_2623 = arith.constant 15 : i32
      %get3A_2624 = arith.index_cast %rem3A_274 : i32 to index
      %get3A_2625 = arith.index_cast %get3A_2623 : i32 to index
      %get3A_2626 = arith.constant 16 : index
      %get3A_2627 = tpu.vector_load %arg11[%get3A_2624, %get3A_2625, %get3A_2626] {strides = array<i32>} : memref<8x16x128xf32, #tpu.memory_space<vmem>>, vector<16xf32>,
      %get3A_2628 = arith.constant 15 : i32
      %get3A_2629 = arith.index_cast %rem3A_274 : i32 to index
      %get3A_2630 = arith.index_cast %get3A_2628 : i32 to index
      %get3A_2631 = arith.constant 16 : index
      %get3A_2632 = tpu.vector_load %arg13[%get3A_2629, %get3A_2630, %get3A_2631] {strides = array<i32>} : memref<8x16x128xf32, #tpu.memory_space<vmem>>, vector<16xf32>,
      %get3A_2633 = arith.constant 15 : i32
      %get3A_2634 = arith.index_cast %rem3A_274 : i32 to index
      %get3A_2635 = arith.index_cast %get3A_2633 : i32 to index
      %get3A_2636 = arith.constant 16 : index
      %get3A_2637 = tpu.vector_load %arg12[%get3A_2634, %get3A_2635, %get3A_2636] {strides = array<i32>} : memref<8x16x128xf32, #tpu.memory_space<vmem>>, vector<16xf32>,
      %sub3A_2638 = arith.subf %get3A_2637, %get3A_2632 : vector<16xf32>
      %add3A_2639 = arith.addf %get3A_2627, %sub3A_2638 : vector<16xf32>
      %abs3A_2640 = math.absf %add3A_2639 : vector<16xf32>
      %get3A_2641 = arith.constant 15 : i32
      %get3A_2642 = arith.index_cast %rem3A_274 : i32 to index
      %get3A_2643 = arith.index_cast %get3A_2641 : i32 to index
      %get3A_2644 = arith.constant 32 : index
      %get3A_2645 = tpu.vector_load %arg11[%get3A_2642, %get3A_2643, %get3A_2644] {strides = array<i32>} : memref<8x16x128xf32, #tpu.memory_space<vmem>>, vector<16xf32>,
      %get3A_2646 = arith.constant 15 : i32
      %get3A_2647 = arith.index_cast %rem3A_274 : i32 to index
      %get3A_2648 = arith.index_cast %get3A_2646 : i32 to index
      %get3A_2649 = arith.constant 32 : index
      %get3A_2650 = tpu.vector_load %arg13[%get3A_2647, %get3A_2648, %get3A_2649] {strides = array<i32>} : memref<8x16x128xf32, #tpu.memory_space<vmem>>, vector<16xf32>,
      %get3A_2651 = arith.constant 15 : i32
      %get3A_2652 = arith.index_cast %rem3A_274 : i32 to index
      %get3A_2653 = arith.index_cast %get3A_2651 : i32 to index
      %get3A_2654 = arith.constant 32 : index
      %get3A_2655 = tpu.vector_load %arg12[%get3A_2652, %get3A_2653, %get3A_2654] {strides = array<i32>} : memref<8x16x128xf32, #tpu.memory_space<vmem>>, vector<16xf32>,
      %sub3A_2656 = arith.subf %get3A_2655, %get3A_2650 : vector<16xf32>
      %add3A_2657 = arith.addf %get3A_2645, %sub3A_2656 : vector<16xf32>
      %abs3A_2658 = math.absf %add3A_2657 : vector<16xf32>
      %get3A_2659 = arith.constant 15 : i32
      %get3A_2660 = arith.index_cast %rem3A_274 : i32 to index
      %get3A_2661 = arith.index_cast %get3A_2659 : i32 to index
      %get3A_2662 = arith.constant 48 : index
      %get3A_2663 = tpu.vector_load %arg11[%get3A_2660, %get3A_2661, %get3A_2662] {strides = array<i32>} : memref<8x16x128xf32, #tpu.memory_space<vmem>>, vector<16xf32>,
      %get3A_2664 = arith.constant 15 : i32
      %get3A_2665 = arith.index_cast %rem3A_274 : i32 to index
      %get3A_2666 = arith.index_cast %get3A_2664 : i32 to index
      %get3A_2667 = arith.constant 48 : index
      %get3A_2668 = tpu.vector_load %arg13[%get3A_2665, %get3A_2666, %get3A_2667] {strides = array<i32>} : memref<8x16x128xf32, #tpu.memory_space<vmem>>, vector<16xf32>,
      %get3A_2669 = arith.constant 15 : i32
      %get3A_2670 = arith.index_cast %rem3A_274 : i32 to index
      %get3A_2671 = arith.index_cast %get3A_2669 : i32 to index
      %get3A_2672 = arith.constant 48 : index
      %get3A_2673 = tpu.vector_load %arg12[%get3A_2670, %get3A_2671, %get3A_2672] {strides = array<i32>} : memref<8x16x128xf32, #tpu.memory_space<vmem>>, vector<16xf32>,
      %sub3A_2674 = arith.subf %get3A_2673, %get3A_2668 : vector<16xf32>
      %add3A_2675 = arith.addf %get3A_2663, %sub3A_2674 : vector<16xf32>
      %abs3A_2676 = math.absf %add3A_2675 : vector<16xf32>
      %get3A_2677 = arith.constant 15 : i32
      %get3A_2678 = arith.index_cast %rem3A_274 : i32 to index
      %get3A_2679 = arith.index_cast %get3A_2677 : i32 to index
      %get3A_2680 = arith.constant 64 : index
      %get3A_2681 = tpu.vector_load %arg11[%get3A_2678, %get3A_2679, %get3A_2680] {strides = array<i32>} : memref<8x16x128xf32, #tpu.memory_space<vmem>>, vector<16xf32>,
      %get3A_2682 = arith.constant 15 : i32
      %get3A_2683 = arith.index_cast %rem3A_274 : i32 to index
      %get3A_2684 = arith.index_cast %get3A_2682 : i32 to index
      %get3A_2685 = arith.constant 64 : index
      %get3A_2686 = tpu.vector_load %arg13[%get3A_2683, %get3A_2684, %get3A_2685] {strides = array<i32>} : memref<8x16x128xf32, #tpu.memory_space<vmem>>, vector<16xf32>,
      %get3A_2687 = arith.constant 15 : i32
      %get3A_2688 = arith.index_cast %rem3A_274 : i32 to index
      %get3A_2689 = arith.index_cast %get3A_2687 : i32 to index
      %get3A_2690 = arith.constant 64 : index
      %get3A_2691 = tpu.vector_load %arg12[%get3A_2688, %get3A_2689, %get3A_2690] {strides = array<i32>} : memref<8x16x128xf32, #tpu.memory_space<vmem>>, vector<16xf32>,
      %sub3A_2692 = arith.subf %get3A_2691, %get3A_2686 : vector<16xf32>
      %add3A_2693 = arith.addf %get3A_2681, %sub3A_2692 : vector<16xf32>
      %abs3A_2694 = math.absf %add3A_2693 : vector<16xf32>
      %get3A_2695 = arith.constant 15 : i32
      %get3A_2696 = arith.index_cast %rem3A_274 : i32 to index
      %get3A_2697 = arith.index_cast %get3A_2695 : i32 to index
      %get3A_2698 = arith.constant 80 : index
      %get3A_2699 = tpu.vector_load %arg11[%get3A_2696, %get3A_2697, %get3A_2698] {strides = array<i32>} : memref<8x16x128xf32, #tpu.memory_space<vmem>>, vector<16xf32>,
      %get3A_2700 = arith.constant 15 : i32
      %get3A_2701 = arith.index_cast %rem3A_274 : i32 to index
      %get3A_2702 = arith.index_cast %get3A_2700 : i32 to index
      %get3A_2703 = arith.constant 80 : index
      %get3A_2704 = tpu.vector_load %arg13[%get3A_2701, %get3A_2702, %get3A_2703] {strides = array<i32>} : memref<8x16x128xf32, #tpu.memory_space<vmem>>, vector<16xf32>,
      %get3A_2705 = arith.constant 15 : i32
      %get3A_2706 = arith.index_cast %rem3A_274 : i32 to index
      %get3A_2707 = arith.index_cast %get3A_2705 : i32 to index
      %get3A_2708 = arith.constant 80 : index
      %get3A_2709 = tpu.vector_load %arg12[%get3A_2706, %get3A_2707, %get3A_2708] {strides = array<i32>} : memref<8x16x128xf32, #tpu.memory_space<vmem>>, vector<16xf32>,
      %sub3A_2710 = arith.subf %get3A_2709, %get3A_2704 : vector<16xf32>
      %add3A_2711 = arith.addf %get3A_2699, %sub3A_2710 : vector<16xf32>
      %abs3A_2712 = math.absf %add3A_2711 : vector<16xf32>
      %get3A_2713 = arith.constant 15 : i32
      %get3A_2714 = arith.index_cast %rem3A_274 : i32 to index
      %get3A_2715 = arith.index_cast %get3A_2713 : i32 to index
      %get3A_2716 = arith.constant 96 : index
      %get3A_2717 = tpu.vector_load %arg11[%get3A_2714, %get3A_2715, %get3A_2716] {strides = array<i32>} : memref<8x16x128xf32, #tpu.memory_space<vmem>>, vector<16xf32>,
      %get3A_2718 = arith.constant 15 : i32
      %get3A_2719 = arith.index_cast %rem3A_274 : i32 to index
      %get3A_2720 = arith.index_cast %get3A_2718 : i32 to index
      %get3A_2721 = arith.constant 96 : index
      %get3A_2722 = tpu.vector_load %arg13[%get3A_2719, %get3A_2720, %get3A_2721] {strides = array<i32>} : memref<8x16x128xf32, #tpu.memory_space<vmem>>, vector<16xf32>,
      %get3A_2723 = arith.constant 15 : i32
      %get3A_2724 = arith.index_cast %rem3A_274 : i32 to index
      %get3A_2725 = arith.index_cast %get3A_2723 : i32 to index
      %get3A_2726 = arith.constant 96 : index
      %get3A_2727 = tpu.vector_load %arg12[%get3A_2724, %get3A_2725, %get3A_2726] {strides = array<i32>} : memref<8x16x128xf32, #tpu.memory_space<vmem>>, vector<16xf32>,
      %sub3A_2728 = arith.subf %get3A_2727, %get3A_2722 : vector<16xf32>
      %add3A_2729 = arith.addf %get3A_2717, %sub3A_2728 : vector<16xf32>
      %abs3A_2730 = math.absf %add3A_2729 : vector<16xf32>
      %get3A_2731 = arith.constant 15 : i32
      %get3A_2732 = arith.index_cast %rem3A_274 : i32 to index
      %get3A_2733 = arith.index_cast %get3A_2731 : i32 to index
      %get3A_2734 = arith.constant 112 : index
      %get3A_2735 = tpu.vector_load %arg11[%get3A_2732, %get3A_2733, %get3A_2734] {strides = array<i32>} : memref<8x16x128xf32, #tpu.memory_space<vmem>>, vector<16xf32>,
      %get3A_2736 = arith.constant 15 : i32
      %get3A_2737 = arith.index_cast %rem3A_274 : i32 to index
      %get3A_2738 = arith.index_cast %get3A_2736 : i32 to index
      %get3A_2739 = arith.constant 112 : index
      %get3A_2740 = tpu.vector_load %arg13[%get3A_2737, %get3A_2738, %get3A_2739] {strides = array<i32>} : memref<8x16x128xf32, #tpu.memory_space<vmem>>, vector<16xf32>,
      %get3A_2741 = arith.constant 15 : i32
      %get3A_2742 = arith.index_cast %rem3A_274 : i32 to index
      %get3A_2743 = arith.index_cast %get3A_2741 : i32 to index
      %get3A_2744 = arith.constant 112 : index
      %get3A_2745 = tpu.vector_load %arg12[%get3A_2742, %get3A_2743, %get3A_2744] {strides = array<i32>} : memref<8x16x128xf32, #tpu.memory_space<vmem>>, vector<16xf32>,
      %sub3A_2746 = arith.subf %get3A_2745, %get3A_2740 : vector<16xf32>
      %add3A_2747 = arith.addf %get3A_2735, %sub3A_2746 : vector<16xf32>
      %abs3A_2748 = math.absf %add3A_2747 : vector<16xf32>
      %add3A_2749 = arith.addf %abs3A_2622, %abs3A_2640 : vector<16xf32>
      %add3A_2750 = arith.addf %abs3A_2658, %abs3A_2676 : vector<16xf32>
      %add3A_2751 = arith.addf %abs3A_2694, %abs3A_2712 : vector<16xf32>
      %add3A_2752 = arith.addf %abs3A_2730, %abs3A_2748 : vector<16xf32>
      %add3A_2753 = arith.addf %add3A_2749, %add3A_2750 : vector<16xf32>
      %add3A_2754 = arith.addf %add3A_2751, %add3A_2752 : vector<16xf32>
      %add3A_2755 = arith.addf %add3A_2753, %add3A_2754 : vector<16xf32>
      %swap3A_2756 = arith.constant 240 : index
      %swap3A_2757 = tpu.vector_load %arg14[%swap3A_2756] {strides = array<i32>} : memref<256xf32, #tpu.memory_space<vmem>>, vector<16xf32>,
      tpu.vector_store %arg14[%swap3A_2756], %add3A_2755 {strides = array<i32>} : memref<256xf32, #tpu.memory_space<vmem>>, vector<16xf32>,
      %mul3A_2758 = arith.constant 16 : i32
      %mul3A_2759 = vector.broadcast %mul3A_2758 : i32 to vector<16xi32>
      %mul3A_2760 = arith.muli %iota3A, %mul3A_2759 : vector<16xi32>
      %add3A_2761 = arith.constant 0 : i32
      %add3A_2762 = vector.broadcast %add3A_2761 : i32 to vector<16xi32>
      %add3A_2763 = arith.addi %mul3A_2760, %add3A_2762 : vector<16xi32>
      %gather3A = tpu.vector_load_idx %arg14[%add3A_2763] : memref<256xf32, #tpu.memory_space<vmem>>[vector<16xi32>], vector<16xf32>,
      %mul3A_2764 = arith.constant 16 : i32
      %mul3A_2765 = vector.broadcast %mul3A_2764 : i32 to vector<16xi32>
      %mul3A_2766 = arith.muli %iota3A, %mul3A_2765 : vector<16xi32>
      %add3A_2767 = arith.constant 1 : i32
      %add3A_2768 = vector.broadcast %add3A_2767 : i32 to vector<16xi32>
      %add3A_2769 = arith.addi %mul3A_2766, %add3A_2768 : vector<16xi32>
      %gather3A_2770 = tpu.vector_load_idx %arg14[%add3A_2769] : memref<256xf32, #tpu.memory_space<vmem>>[vector<16xi32>], vector<16xf32>,
      %mul3A_2771 = arith.constant 16 : i32
      %mul3A_2772 = vector.broadcast %mul3A_2771 : i32 to vector<16xi32>
      %mul3A_2773 = arith.muli %iota3A, %mul3A_2772 : vector<16xi32>
      %add3A_2774 = arith.constant 2 : i32
      %add3A_2775 = vector.broadcast %add3A_2774 : i32 to vector<16xi32>
      %add3A_2776 = arith.addi %mul3A_2773, %add3A_2775 : vector<16xi32>
      %gather3A_2777 = tpu.vector_load_idx %arg14[%add3A_2776] : memref<256xf32, #tpu.memory_space<vmem>>[vector<16xi32>], vector<16xf32>,
      %mul3A_2778 = arith.constant 16 : i32
      %mul3A_2779 = vector.broadcast %mul3A_2778 : i32 to vector<16xi32>
      %mul3A_2780 = arith.muli %iota3A, %mul3A_2779 : vector<16xi32>
      %add3A_2781 = arith.constant 3 : i32
      %add3A_2782 = vector.broadcast %add3A_2781 : i32 to vector<16xi32>
      %add3A_2783 = arith.addi %mul3A_2780, %add3A_2782 : vector<16xi32>
      %gather3A_2784 = tpu.vector_load_idx %arg14[%add3A_2783] : memref<256xf32, #tpu.memory_space<vmem>>[vector<16xi32>], vector<16xf32>,
      %mul3A_2785 = arith.constant 16 : i32
      %mul3A_2786 = vector.broadcast %mul3A_2785 : i32 to vector<16xi32>
      %mul3A_2787 = arith.muli %iota3A, %mul3A_2786 : vector<16xi32>
      %add3A_2788 = arith.constant 4 : i32
      %add3A_2789 = vector.broadcast %add3A_2788 : i32 to vector<16xi32>
      %add3A_2790 = arith.addi %mul3A_2787, %add3A_2789 : vector<16xi32>
      %gather3A_2791 = tpu.vector_load_idx %arg14[%add3A_2790] : memref<256xf32, #tpu.memory_space<vmem>>[vector<16xi32>], vector<16xf32>,
      %mul3A_2792 = arith.constant 16 : i32
      %mul3A_2793 = vector.broadcast %mul3A_2792 : i32 to vector<16xi32>
      %mul3A_2794 = arith.muli %iota3A, %mul3A_2793 : vector<16xi32>
      %add3A_2795 = arith.constant 5 : i32
      %add3A_2796 = vector.broadcast %add3A_2795 : i32 to vector<16xi32>
      %add3A_2797 = arith.addi %mul3A_2794, %add3A_2796 : vector<16xi32>
      %gather3A_2798 = tpu.vector_load_idx %arg14[%add3A_2797] : memref<256xf32, #tpu.memory_space<vmem>>[vector<16xi32>], vector<16xf32>,
      %mul3A_2799 = arith.constant 16 : i32
      %mul3A_2800 = vector.broadcast %mul3A_2799 : i32 to vector<16xi32>
      %mul3A_2801 = arith.muli %iota3A, %mul3A_2800 : vector<16xi32>
      %add3A_2802 = arith.constant 6 : i32
      %add3A_2803 = vector.broadcast %add3A_2802 : i32 to vector<16xi32>
      %add3A_2804 = arith.addi %mul3A_2801, %add3A_2803 : vector<16xi32>
      %gather3A_2805 = tpu.vector_load_idx %arg14[%add3A_2804] : memref<256xf32, #tpu.memory_space<vmem>>[vector<16xi32>], vector<16xf32>,
      %mul3A_2806 = arith.constant 16 : i32
      %mul3A_2807 = vector.broadcast %mul3A_2806 : i32 to vector<16xi32>
      %mul3A_2808 = arith.muli %iota3A, %mul3A_2807 : vector<16xi32>
      %add3A_2809 = arith.constant 7 : i32
      %add3A_2810 = vector.broadcast %add3A_2809 : i32 to vector<16xi32>
      %add3A_2811 = arith.addi %mul3A_2808, %add3A_2810 : vector<16xi32>
      %gather3A_2812 = tpu.vector_load_idx %arg14[%add3A_2811] : memref<256xf32, #tpu.memory_space<vmem>>[vector<16xi32>], vector<16xf32>,
      %mul3A_2813 = arith.constant 16 : i32
      %mul3A_2814 = vector.broadcast %mul3A_2813 : i32 to vector<16xi32>
      %mul3A_2815 = arith.muli %iota3A, %mul3A_2814 : vector<16xi32>
      %add3A_2816 = arith.constant 8 : i32
      %add3A_2817 = vector.broadcast %add3A_2816 : i32 to vector<16xi32>
      %add3A_2818 = arith.addi %mul3A_2815, %add3A_2817 : vector<16xi32>
      %gather3A_2819 = tpu.vector_load_idx %arg14[%add3A_2818] : memref<256xf32, #tpu.memory_space<vmem>>[vector<16xi32>], vector<16xf32>,
      %mul3A_2820 = arith.constant 16 : i32
      %mul3A_2821 = vector.broadcast %mul3A_2820 : i32 to vector<16xi32>
      %mul3A_2822 = arith.muli %iota3A, %mul3A_2821 : vector<16xi32>
      %add3A_2823 = arith.constant 9 : i32
      %add3A_2824 = vector.broadcast %add3A_2823 : i32 to vector<16xi32>
      %add3A_2825 = arith.addi %mul3A_2822, %add3A_2824 : vector<16xi32>
      %gather3A_2826 = tpu.vector_load_idx %arg14[%add3A_2825] : memref<256xf32, #tpu.memory_space<vmem>>[vector<16xi32>], vector<16xf32>,
      %mul3A_2827 = arith.constant 16 : i32
      %mul3A_2828 = vector.broadcast %mul3A_2827 : i32 to vector<16xi32>
      %mul3A_2829 = arith.muli %iota3A, %mul3A_2828 : vector<16xi32>
      %add3A_2830 = arith.constant 10 : i32
      %add3A_2831 = vector.broadcast %add3A_2830 : i32 to vector<16xi32>
      %add3A_2832 = arith.addi %mul3A_2829, %add3A_2831 : vector<16xi32>
      %gather3A_2833 = tpu.vector_load_idx %arg14[%add3A_2832] : memref<256xf32, #tpu.memory_space<vmem>>[vector<16xi32>], vector<16xf32>,
      %mul3A_2834 = arith.constant 16 : i32
      %mul3A_2835 = vector.broadcast %mul3A_2834 : i32 to vector<16xi32>
      %mul3A_2836 = arith.muli %iota3A, %mul3A_2835 : vector<16xi32>
      %add3A_2837 = arith.constant 11 : i32
      %add3A_2838 = vector.broadcast %add3A_2837 : i32 to vector<16xi32>
      %add3A_2839 = arith.addi %mul3A_2836, %add3A_2838 : vector<16xi32>
      %gather3A_2840 = tpu.vector_load_idx %arg14[%add3A_2839] : memref<256xf32, #tpu.memory_space<vmem>>[vector<16xi32>], vector<16xf32>,
      %mul3A_2841 = arith.constant 16 : i32
      %mul3A_2842 = vector.broadcast %mul3A_2841 : i32 to vector<16xi32>
      %mul3A_2843 = arith.muli %iota3A, %mul3A_2842 : vector<16xi32>
      %add3A_2844 = arith.constant 12 : i32
      %add3A_2845 = vector.broadcast %add3A_2844 : i32 to vector<16xi32>
      %add3A_2846 = arith.addi %mul3A_2843, %add3A_2845 : vector<16xi32>
      %gather3A_2847 = tpu.vector_load_idx %arg14[%add3A_2846] : memref<256xf32, #tpu.memory_space<vmem>>[vector<16xi32>], vector<16xf32>,
      %mul3A_2848 = arith.constant 16 : i32
      %mul3A_2849 = vector.broadcast %mul3A_2848 : i32 to vector<16xi32>
      %mul3A_2850 = arith.muli %iota3A, %mul3A_2849 : vector<16xi32>
      %add3A_2851 = arith.constant 13 : i32
      %add3A_2852 = vector.broadcast %add3A_2851 : i32 to vector<16xi32>
      %add3A_2853 = arith.addi %mul3A_2850, %add3A_2852 : vector<16xi32>
      %gather3A_2854 = tpu.vector_load_idx %arg14[%add3A_2853] : memref<256xf32, #tpu.memory_space<vmem>>[vector<16xi32>], vector<16xf32>,
      %mul3A_2855 = arith.constant 16 : i32
      %mul3A_2856 = vector.broadcast %mul3A_2855 : i32 to vector<16xi32>
      %mul3A_2857 = arith.muli %iota3A, %mul3A_2856 : vector<16xi32>
      %add3A_2858 = arith.constant 14 : i32
      %add3A_2859 = vector.broadcast %add3A_2858 : i32 to vector<16xi32>
      %add3A_2860 = arith.addi %mul3A_2857, %add3A_2859 : vector<16xi32>
      %gather3A_2861 = tpu.vector_load_idx %arg14[%add3A_2860] : memref<256xf32, #tpu.memory_space<vmem>>[vector<16xi32>], vector<16xf32>,
      %mul3A_2862 = arith.constant 16 : i32
      %mul3A_2863 = vector.broadcast %mul3A_2862 : i32 to vector<16xi32>
      %mul3A_2864 = arith.muli %iota3A, %mul3A_2863 : vector<16xi32>
      %add3A_2865 = arith.constant 15 : i32
      %add3A_2866 = vector.broadcast %add3A_2865 : i32 to vector<16xi32>
      %add3A_2867 = arith.addi %mul3A_2864, %add3A_2866 : vector<16xi32>
      %gather3A_2868 = tpu.vector_load_idx %arg14[%add3A_2867] : memref<256xf32, #tpu.memory_space<vmem>>[vector<16xi32>], vector<16xf32>,
      %add3A_2869 = arith.addf %gather3A, %gather3A_2770 : vector<16xf32>
      %add3A_2870 = arith.addf %gather3A_2777, %gather3A_2784 : vector<16xf32>
      %add3A_2871 = arith.addf %gather3A_2791, %gather3A_2798 : vector<16xf32>
      %add3A_2872 = arith.addf %gather3A_2805, %gather3A_2812 : vector<16xf32>
      %add3A_2873 = arith.addf %gather3A_2819, %gather3A_2826 : vector<16xf32>
      %add3A_2874 = arith.addf %gather3A_2833, %gather3A_2840 : vector<16xf32>
      %add3A_2875 = arith.addf %gather3A_2847, %gather3A_2854 : vector<16xf32>
      %add3A_2876 = arith.addf %gather3A_2861, %gather3A_2868 : vector<16xf32>
      %add3A_2877 = arith.addf %add3A_2869, %add3A_2870 : vector<16xf32>
      %add3A_2878 = arith.addf %add3A_2871, %add3A_2872 : vector<16xf32>
      %add3A_2879 = arith.addf %add3A_2873, %add3A_2874 : vector<16xf32>
      %add3A_2880 = arith.addf %add3A_2875, %add3A_2876 : vector<16xf32>
      %add3A_2881 = arith.addf %add3A_2877, %add3A_2878 : vector<16xf32>
      %add3A_2882 = arith.addf %add3A_2879, %add3A_2880 : vector<16xf32>
      %add3A_2883 = arith.addf %add3A_2881, %add3A_2882 : vector<16xf32>
      %sub3A_2884 = arith.constant 1.200000e+01 : f32
      %sub3A_2885 = vector.broadcast %sub3A_2884 : f32 to vector<16xf32>
      %sub3A_2886 = arith.subf %sub3A_2885, %add3A_2883 : vector<16xf32>
      %mul3A_2887 = arith.constant 16 : i32
      %mul3A_2888 = arith.muli %add3A_272, %mul3A_2887 : i32
      %add3A_2889 = arith.constant 0 : i32
      %add3A_2890 = arith.addi %mul3A_2888, %add3A_2889 : i32
      %swap3A_2891 = arith.index_cast %add3A_2890 : i32 to index
      %swap3A_2892 = tpu.vector_load %arg15[%swap3A_2891] {strides = array<i32>} : memref<512xf32, #tpu.memory_space<vmem>>, vector<16xf32>,
      tpu.vector_store %arg15[%swap3A_2891], %sub3A_2886 {strides = array<i32>} : memref<512xf32, #tpu.memory_space<vmem>>, vector<16xf32>,
    }
    %scan3A_267 = arith.constant 32 : i32
    "tpu.region"() ({
      %run_scoped3A = tpu.sem_alloc : memref<!tpu.dma_semaphore, #tpu.memory_space<semaphore_mem>>
      %dma_start3A_268 = tpu.memref_slice %arg7[%mul3A_2] : memref<16384xf32, #tpu.memory_space<hbm>> -> memref<512xf32, #tpu.memory_space<hbm>>
      %dma_start3A_269 = tpu.memref_slice %arg7[%mul3A_2] : memref<16384xf32, #tpu.memory_space<hbm>> -> memref<512xf32, #tpu.memory_space<hbm>>
      tpu.enqueue_dma source(%arg15 : memref<512xf32, #tpu.memory_space<vmem>>) target(%dma_start3A_269 : memref<512xf32, #tpu.memory_space<hbm>>) target_semaphore(%run_scoped3A : memref<!tpu.dma_semaphore, #tpu.memory_space<semaphore_mem>>)
      %dma_wait3A_270 = tpu.memref_slice %arg7[%mul3A_2] : memref<16384xf32, #tpu.memory_space<hbm>> -> memref<512xf32, #tpu.memory_space<hbm>>
      %dma_wait3A_271 = tpu.memref_slice %arg7[%mul3A_2] : memref<16384xf32, #tpu.memory_space<hbm>> -> memref<512xf32, #tpu.memory_space<hbm>>
      tpu.wait_dma2 semaphore(%run_scoped3A : memref<!tpu.dma_semaphore, #tpu.memory_space<semaphore_mem>>) src(%arg15 : memref<512xf32, #tpu.memory_space<vmem>>) dst(%dma_wait3A_271 : memref<512xf32, #tpu.memory_space<hbm>>)
      tpu.yield
    }) : () -> ()
    return
  }
}

</mosaic_0001>

<sc_bundles>
// kernel: kernel.3.cloned.1.call-start
scs
__scs_entry_jumppad:
0x0: {  	(pc) =	sbr.rel $0x88, $3  }
0x1: {  	(tag) =	ssettag $0x0;
	lr =	simm.s32 $0x1  }
0x2: {  	[smem:$0x3F9E] =	sst lr;
	_ =	strace $0xD0000000  }
0x3: {  	_ = 	snop  }
0x4: {  	_ = 	snop  }
0x5: {  	_ = 	snop  }
0x6: {  	_ = 	snop  }
0x7: {  	_ = 	snop  }
__scs_overlays_trampoline_lowered:
0x8: {  	[smem:$0x3FAD] =	sst s0  }
0x9: {  	[smem:$0x3FAE] =	sst s1  }
0xa: {  	[smem:$0x3FAF] =	sst s2  }
0xb: {  	[smem:$0x3FB0] =	sst s3  }
0xc: {  	[smem:$0x3FB1] =	sst s4  }
0xd: {  	[smem:$0x3FB2] =	sst s5  }
0xe: {  	[smem:$0x3FB3] =	sst s6  }
0xf: {  	[smem:$0x3FB4] =	sst s7  }
0x10: {  	[smem:$0x3FB5] =	sst s8  }
0x11: {  	[smem:$0x3FB6] =	sst s9;
	s0 =	simm.s32 @!p0 $0x0  }
0x12: {  	s1 =	sld [smem:$0x3F9C];
	s0 =	simm.s32 @p0 $0x1  }
0x13: {  	[smem:$0x3FB7] =	sst s0;
	s0 =	simm.s32 @!p1 $0x0  }
0x14: {  	s2 =	sld [smem:$0x3F9B];
	s0 =	simm.s32 @p1 $0x1  }
0x15: {  	[smem:$0x3FB8] =	sst s0;
	s0 =	simm.s32 @!p2 $0x0  }
0x16: {  	s3 =	sld [smem:$0x3FDB];
	s0 =	simm.s32 @p2 $0x1  }
0x17: {  	s4 =	simm.s32 $0x1BF5;
	[smem:$0x3FBA] =	sst s0  }
0x18: {  	s0 =	sld [smem:$0x3F9D];
	_ =	swait.ge [sflag:s4], $0x0  }
0x19: {  	s7 =	sld [smem:$0x3F9E]  }
0x1a: {  	s8 =	sadd.s32 $0xFFFFE003, lr  }
0x1b: {  	s9 =	sadd.s32 $0xFFFFFEF7, lr;
	s5 =	simm.s32 $0xFFFFFFFF;
	p2 =	slt.u32 s8, $0xFFFFF086  }
0x1c: {  	p1 =	slt.u32 s9, $0xF7A;
	s5 =	simm.s32 @!p2 $0x0  }
0x1d: {  	s5 =	simm.s32 @p1 $0x1;
	p0 =	seq.s32 s7, s2  }
0x1e: {  	s7 =	smul.u32 @!p0 $0xF7A, s2;
	p2 =	seq.s32 @!p0 s5, $0x0  }
0x1f: {  	s9 =	smul.u32 $0xF7A, s1;
	s8 =	simm.s32 @!p0 $0x1BF5;
	p2 =	por !p2, p0  }
0x20: {  	[sflag:s8] =	ssyncset.s32 @!p0 $0xFFFFF086;
	s6 =	sadd.s32 @!p0 s3, s7;
	s7 =	simm.s32 @!p0 $0x108  }
0x21: {  	s3 =	sadd.s32 s3, s9;
	s6 =	sadd.s32 @!p0 $0x88, s6;
	s7 =	simm.s32 @p2 $0x1082  }
0x22: {  	[simem:s7], [sflag:s8] =	dma.local @!p0 [hbm:s6], $0xF7A  }
0x23: {  	s9 =	sor.u32 $0xD0000000, s2;
	s6 =	simm.s32 $0x108;
	_ =	swait.ge @!p0 [sflag:s8], $0x0  }
0x24: {  	s3 =	sadd.s32 $0x88, s3;
	s6 =	simm.s32 @!p1 $0x1082;
	[sflag:s4] =	ssyncset.s32 $0xFFFFF086  }
0x25: {  	[simem:s6], [sflag:s4] =	dma.local [hbm:s3], $0xF7A  }
0x26: {  	[smem:$0x3F9E] =	sst s1;
	(tag) =	ssettag s2;
	_ =	strace s9  }
0x27: {  	s1 =	sld [smem:$0x3FAE]  }
0x28: {  	s2 =	sld [smem:$0x3FAF]  }
0x29: {  	s4 =	sld [smem:$0x3FB1]  }
0x2a: {  	p0 =	seq.s32 s5, $0x0;
	s5 =	sld [smem:$0x3FB2]  }
0x2b: {  	s6 =	sld [smem:$0x3FB3]  }
0x2c: {  	s7 =	sld [smem:$0x3FB4]  }
0x2d: {  	s3 =	simm.s32 $0x108;
	s8 =	sld [smem:$0x3FB5]  }
0x2e: {  	s3 =	simm.s32 @!p0 $0x1082;
	s9 =	sld [smem:$0x3FB6]  }
0x2f: {  	lr =	sadd.s32 s0, s3;
	s0 =	sld [smem:$0x3FAD]  }
0x30: {  	s3 =	sld [smem:$0x3FB0]  }
0x31: {  	[smem:$0x3FB9] =	sst s10  }
0x32: {  	s10 =	sld [smem:$0x3FB7];
	_ =	sdelay $0x3  }
0x33: {  	p0 =	seq.s32 s10, $0x1;
	s10 =	sld [smem:$0x3FB9];
	_ =	sdelay $0x3  }
0x34: {  	[smem:$0x3FB9] =	sst s10  }
0x35: {  	s10 =	sld [smem:$0x3FB8];
	_ =	sdelay $0x3  }
0x36: {  	p1 =	seq.s32 s10, $0x1;
	s10 =	sld [smem:$0x3FB9];
	_ =	sdelay $0x3  }
0x37: {  	[smem:$0x3FB9] =	sst s10  }
0x38: {  	s10 =	sld [smem:$0x3FBA]  }
0x39: {  	_ = 	snop;
	(pc) =	sbr.ind lr, $3  }
0x3a: {  	_ = 	snop  }
0x3b: {  	_ = 	snop  }
0x3c: {  	p2 =	seq.s32 s10, $0x1;
	s10 =	sld [smem:$0x3FB9]  }
0x3d: {  	_ =	shalt  }
0x3e: {  	_ =	shalt  }
0x3f: {  	_ =	shalt  }
0x40: {  	_ =	shalt  }
0x41: {  	_ =	shalt  }
0x42: {  	_ =	shalt  }
0x43: {  	_ =	shalt  }
0x44: {  	_ =	shalt  }
0x45: {  	_ =	shalt  }
0x46: {  	_ =	shalt  }
0x47: {  	_ =	shalt  }
0x48: {  	_ =	shalt  }
0x49: {  	_ =	shalt  }
0x4a: {  	_ =	shalt  }
0x4b: {  	_ =	shalt  }
0x4c: {  	_ =	shalt  }
0x4d: {  	_ =	shalt  }
0x4e: {  	_ =	shalt  }
0x4f: {  	_ =	shalt  }
0x50: {  	_ =	shalt  }
0x51: {  	_ =	shalt  }
0x52: {  	_ =	shalt  }
0x53: {  	_ =	shalt  }
0x54: {  	_ =	shalt  }
0x55: {  	_ =	shalt  }
0x56: {  	_ =	shalt  }
0x57: {  	_ =	shalt  }
0x58: {  	_ =	shalt  }
0x59: {  	_ =	shalt  }
0x5a: {  	_ =	shalt  }
0x5b: {  	_ =	shalt  }
0x5c: {  	_ =	shalt  }
0x5d: {  	_ =	shalt  }
0x5e: {  	_ =	shalt  }
0x5f: {  	_ =	shalt  }
0x60: {  	_ =	shalt  }
0x61: {  	_ =	shalt  }
0x62: {  	_ =	shalt  }
0x63: {  	_ =	shalt  }
0x64: {  	_ =	shalt  }
0x65: {  	_ =	shalt  }
0x66: {  	_ =	shalt  }
0x67: {  	_ =	shalt  }
0x68: {  	_ =	shalt  }
0x69: {  	_ =	shalt  }
0x6a: {  	_ =	shalt  }
0x6b: {  	_ =	shalt  }
0x6c: {  	_ =	shalt  }
0x6d: {  	_ =	shalt  }
0x6e: {  	_ =	shalt  }
0x6f: {  	_ =	shalt  }
0x70: {  	_ =	shalt  }
0x71: {  	_ =	shalt  }
0x72: {  	_ =	shalt  }
0x73: {  	_ =	shalt  }
0x74: {  	_ =	shalt  }
0x75: {  	_ =	shalt  }
0x76: {  	_ =	shalt  }
0x77: {  	_ =	shalt  }
0x78: {  	_ =	shalt  }
0x79: {  	_ =	shalt  }
0x7a: {  	_ =	shalt  }
0x7b: {  	_ =	shalt  }
0x7c: {  	_ =	shalt  }
0x7d: {  	_ =	shalt  }
0x7e: {  	_ =	shalt  }
0x7f: {  	_ =	shalt  }
0x80: {  	_ =	shalt  }
0x81: {  	_ =	shalt  }
0x82: {  	_ =	shalt  }
0x83: {  	_ =	shalt  }
0x84: {  	_ =	shalt  }
0x85: {  	_ =	shalt  }
0x86: {  	_ =	shalt  }
0x87: {  	_ =	shalt  }
.Lfunc_end0:
.L_simem_size_0:
called_computation_lowered:
.L_overlay_start_0:
0x88: {  	s2 =	sld [smem:$0x3FD9]  }
0x89: {  	s3 =	sld [smem:$0x3FFE];
	_ =	sdelay $0x1  }
0x8a: {  	s1 =	srdreg.scid  }
0x8b: {  	s0 =	sand.u32 $0x1, s1  }
0x8c: {  	s17 =	sshll.u32 s0, $0xA;
	s2 =	sadd.s32 s3, s2  }
0x8d: {  	s2 =	sadd.s32 s2, s17  }
0x8e: {  	[smem:$0x3FC5] =	sst s2  }
0x8f: {  	_ = 	snop  }
0x90: {  	s2 =	sld [smem:$0x3FC8]  }
0x91: {  	s18 =	sld [smem:$0x3FC7]  }
0x92: {  	s4 =	sld [smem:$0x3FD0];
	(tm) =	ssettm $0x1  }
0x93: {  	s5 =	sld [smem:$0x3FFB];
	_ =	sdelay $0x3  }
0x94: {  	_ =	strace s5  }
0x95: {  	s5 =	sld [smem:$0x3FFC];
	_ =	sdelay $0x3  }
0x96: {  	_ =	strace s5  }
0x97: {  	s5 =	sld [smem:$0x3FFD];
	_ =	sdelay $0x3  }
0x98: {  	_ =	strace s5  }
0x99: {  	_ =	strace $0x8FFFFFFF  }
0x9a: {  	s19 =	sld [smem:$0x3FDB];
	_ =	sdelay $0x1  }
0x9b: {  	s6 =	simm.s32 $_scs_section_size  }
0x9c: {  	s7 =	simm.s32 $_size__tile_overlayer_lowered;
	s8 =	simm.s32 $_tile_overlayer_lowered  }
0x9d: {  	s22 =	simm.s32 $0x1BFF;
	s21 =	sshll.u32 s8, $0x1;
	s5 =	sadd.s32 s6, s19  }
0x9e: {  	s9 =	simm.s32 $0x0;
	s20 =	sshll.u32 s7, $0x1;
	s7 =	sadd.s32 s21, s5  }
0x9f: {  	[timem:s9], [sflag:s22] =	dma.local [hbm:s7], s20  }
0xa0: {  	_ =	swait.ge [sflag:s22], s20  }
0xa1: {  	s6 =	ssub.s32 $0x0, s20;
	[sflag:s22] =	ssyncset.done $0x0  }
0xa2: {  	[sflag:s22] =	ssyncadd.s32 s6;
	_ =	sdelay $0x1  }
0xa3: {  	s23 =	simm.s32 $0x1B8B  }
0xa4: {  	_ =	swait.ge [sflag:s23], $0x1  }
0xa5: {  	[sflag:s23] =	ssyncset.done $0x0  }
0xa6: {  	s25 =	simm.s32 $0x1B8E;
	s24 =	sld [smem:$0x3FFE];
	[sflag:s23] =	ssyncadd.s32 $0xFFFFFFFF  }
0xa7: {  	s26 =	simm.s32 $execute0_lowered;
	[smem:$0x3FD2] =	sst s25  }
0xa8: {  	s7 =	sshll.u32 s26, $0x1;
	_ =	strace $0x80000046;
	[dreg:$0x1] =	wrdreg $0xFFFFFFFF  }
0xa9: {  	s28 =	simm.s32 $_size_execute0_lowered;
	s5 =	sadd.s32 s5, s7;
	[dreg:$0x0] =	wrdreg $0x0  }
0xaa: {  	s7 =	sshll.u32 s28, $0x1;
	[dreg:$0x2] =	wrdreg s5  }
0xab: {  	[dreg:$0x3] =	wrdreg s7  }
0xac: {  	[dreg:$0x4] =	wrdreg $0xC0  }
0xad: {  	_ =	task [dreg:s9], $0x5FFFF  }
0xae: {  	[dreg:$0x1] =	wrdreg $0xFFFFFFFF  }
0xaf: {  	[dreg:$0x0] =	wrdreg $0x60  }
0xb0: {  	[dreg:$0x2] =	wrdreg s24  }
0xb1: {  	[dreg:$0x3] =	wrdreg s2  }
0xb2: {  	[dreg:$0x4] =	wrdreg s18  }
0xb3: {  	[dreg:$0x5] =	wrdreg s4  }
0xb4: {  	[dreg:$0x6] =	wrdreg $0x9  }
0xb5: {  	_ =	task.clear_ibuf [dreg:s9], $0x7FFFF;
	_ =	strace $0x90000046  }
0xb6: {  	s29 =	simm.s32 $0x9;
	_ =	strace $0x80000048  }
0xb7: {  	_ =	swait.ge [sflag:s29], $0x1  }
0xb8: {  	[sflag:s29] =	ssyncadd.s32 $0xFFFFFFFF  }
0xb9: {  	_ =	strace $0x90000048  }
0xba: {  	_ =	sfence  }
0xbb: {  	s30 =	sld [smem:$0x0];
	_ =	sdelay $0x2  }
0xbc: {  	s31 =	sshll.u32 s1, $0xD;
	s1 =	sshrl.u32 s1, $0x2  }
0xbd: {  	s3 =	sand.u32 $0x4000, s31;
	s1 =	sadd.s32 s1, s30  }
0xbe: {  	s0 =	sor.u32 s3, s0;
	s1 =	sshll.u32 s1, $0x11  }
0xbf: {  	s0 =	sor.u32 s1, s0  }
0xc0: {  	s0 =	sadd.s32 $0x8F2B, s0  }
0xc1: {  	[sflag:s0] =	ssyncadd.remote.s32 $0x1  }
0xc2: {  	_ =	sfence.sel $0xFFFF  }
0xc3: {  	[dreg:$0x0] =	wrdreg $0xFFFFFFFF;
	(pc) =	sbr.abs _section_cstart, $3  }
0xc4: {  	[dreg:$0x1] =	wrdreg $0xFFFFFFFF  }
0xc5: {  	_ =	task.clear_ibuf [dreg:s9], $0x2FFFF;
	_ =	strace $0x9FFFFFFF  }
0xc6: {  	(tm) =	ssettm $0x7FFFFFFF  }
0xc7: {  	_ =	shalt  }
tec
execute0_lowered:
.L_overlay_start_1:
0x0: {  	(tag) =	ssettag $0x1  }
0x1: {  	s0 =	rddreg [dreg:$0x0]  }
0x2: {  	s1 =	rddreg [dreg:$0x1]  }
0x3: {  	s2 =	rddreg [dreg:$0x2]  }
0x4: {  	s3 =	rddreg [dreg:$0x3];
	s5 =	srdreg.scid  }
0x5: {  	s4 =	simm.s32 $0x0;
	s6 =	stileid.u32;
	s10 =	simm.s32 $0x200  }
0x6: {  	s11 =	simm.s32 $0x400;
	s12 =	simm.s32 $0x19;
	s13 =	simm.s32 $0x10  }
0x7: {  	v0 =	vlaneseq.u32;
	s29 =	simm.s32 $0x3600;
	s30 =	simm.s32 $0x260;
	s31 =	simm.s32 $0x7600  }
0x8: {  	s14 =	simm.s32 $0xC600;
	s15 =	simm.s32 $0xC700;
	s16 =	simm.s32 $0x1A;
	v0 =	vmul.u32 $0x10, v0  }
0x9: {  	s17 =	simm.s32 $0x0;
	s5 =	sand.u32 $0x1, s5;
	s6 =	sshll.u32 s6, $0x7  }
0xa: {  	[smem:$0x7FF] =	sst s4;
	s7 =	sshll.u32 s5, $0x6;
	s5 =	ssub.s32 $0x2, s5;
	v1 =	vor.u32 $0x1, v0;
	v2 =	vor.u32 $0x2, v0;
	v3 =	vor.u32 $0x3, v0  }
0xb: {  	_ =	strace $0x80000047;
	s8 =	sor.u32 s7, s6;
	s28 =	sshrl.u32 s5, $0x1;
	v4 =	vor.u32 $0x4, v0;
	v5 =	vor.u32 $0x5, v0;
	v6 =	vor.u32 $0x6, v0  }
0xc: {  	v7 =	vor.u32 $0x7, v0;
	v8 =	vor.u32 $0x8, v0;
	v9 =	vor.u32 $0x9, v0;
	s0 =	sadd.s32 s8, s0;
	s9 =	ssub.s32 s5, s28;
	s8 =	sadd.s32 s3, s8  }
0xd: {  	v10 =	vor.u32 $0xA, v0;
	v11 =	vor.u32 $0xB, v0;
	v12 =	vor.u32 $0xC, v0;
	s3 =	simm.s32 $0xB600;
	s5 =	sadd.s32 $0x1600, s0;
	s6 =	sadd.s32 $0xE00, s0  }
0xe: {  	v13 =	vor.u32 $0xD, v0;
	v14 =	vor.u32 $0xE, v0;
	v15 =	vor.u32 $0xF, v0;
	s7 =	sadd.s32 $0x600, s0;
	s9 =	smax.u32 s9, $0x1;
	s0 =	simm.s32 $0x460  }
.LBB2_1:
0xf: {  	[tilespmem:s4], [sflag:$0x19] =	stream.linear.gather [hbm4b:s5+s4], $0x200, $0x38;
	[tilespmem:$0xC900] =	vst v63  }
0x10: {  	_ = 	snop  }
0x11: {  	[tilespmem:s10], [sflag:$0x19] =	stream.linear.gather [hbm4b:s6+s4], $0x200, $0x38;
	[tilespmem:$0xC900] =	vst v63  }
0x12: {  	_ = 	snop  }
0x13: {  	[tilespmem:s11], [sflag:$0x19] =	stream.linear.gather [hbm4b:s7+s4], $0x200, $0x38;
	[tilespmem:$0xC900] =	vst v63  }
0x14: {  	_ =	swait.ge [sflag:s12], $0x200  }
0x15: {  	[sflag:s12] =	ssyncset.done $0x0  }
0x16: {  	[sflag:s12] =	ssyncadd.s32 $0xFFFFFE00  }
0x17: {  	_ =	swait.ge [sflag:s12], $0x200  }
0x18: {  	[sflag:s12] =	ssyncset.done $0x0  }
0x19: {  	[sflag:s12] =	ssyncadd.s32 $0xFFFFFE00  }
0x1a: {  	_ =	swait.ge [sflag:s12], $0x200  }
0x1b: {  	[sflag:s12] =	ssyncset.done $0x0  }
0x1c: {  	s18 =	simm.s32 $0x600;
	[sflag:s12] =	ssyncadd.s32 $0xFFFFFE00  }
0x1d: {  	[tilespmem:s18], [sflag:$0x1] =	stream.indirect.gather [hbm4b:s1+s13], $0x80, s4, s13, $0xb8;
	[tilespmem:$0xC900] =	vst v63  }
0x1e: {  	s22 =	simm.s32 $0x4600  }
0x1f: {  	[tilespmem:s22], [sflag:$0x9] =	stream.indirect.gather [hbm4b:s2+s13], $0x80, s10, s13, $0xb8;
	[tilespmem:$0xC900] =	vst v63  }
0x20: {  	s23 =	simm.s32 $0x8600  }
0x21: {  	[tilespmem:s23], [sflag:$0x11] =	stream.indirect.gather [hbm4b:s1+s13], $0x80, s11, s13, $0xb8;
	[tilespmem:$0xC900] =	vst v63  }
0x22: {  	s24 =	simm.s32 $0xE00  }
0x23: {  	[tilespmem:s24], [sflag:$0x2] =	stream.indirect.gather [hbm4b:s1+s13], $0x80, s13, s13, $0xb8;
	[tilespmem:$0xC900] =	vst v63  }
0x24: {  	s25 =	simm.s32 $0x210;
	s19 =	simm.s32 $0x4E00  }
0x25: {  	[tilespmem:s19], [sflag:$0xA] =	stream.indirect.gather [hbm4b:s2+s13], $0x80, s25, s13, $0xb8;
	[tilespmem:$0xC900] =	vst v63  }
0x26: {  	s26 =	simm.s32 $0x410;
	s28 =	simm.s32 $0x8E00  }
0x27: {  	[tilespmem:s28], [sflag:$0x12] =	stream.indirect.gather [hbm4b:s1+s13], $0x80, s26, s13, $0xb8;
	[tilespmem:$0xC900] =	vst v63  }
0x28: {  	s20 =	simm.s32 $0x20;
	s21 =	simm.s32 $0x1600  }
0x29: {  	[tilespmem:s21], [sflag:$0x3] =	stream.indirect.gather [hbm4b:s1+s13], $0x80, s20, s13, $0xb8;
	[tilespmem:$0xC900] =	vst v63  }
0x2a: {  	s22 =	simm.s32 $0x220;
	s23 =	simm.s32 $0x5600  }
0x2b: {  	[tilespmem:s23], [sflag:$0xB] =	stream.indirect.gather [hbm4b:s2+s13], $0x80, s22, s13, $0xb8;
	[tilespmem:$0xC900] =	vst v63  }
0x2c: {  	s24 =	simm.s32 $0x420;
	s25 =	simm.s32 $0x9600  }
0x2d: {  	[tilespmem:s25], [sflag:$0x13] =	stream.indirect.gather [hbm4b:s1+s13], $0x80, s24, s13, $0xb8;
	[tilespmem:$0xC900] =	vst v63  }
0x2e: {  	s26 =	simm.s32 $0x30;
	s28 =	simm.s32 $0x1E00  }
0x2f: {  	[tilespmem:s28], [sflag:$0x4] =	stream.indirect.gather [hbm4b:s1+s13], $0x80, s26, s13, $0xb8;
	[tilespmem:$0xC900] =	vst v63  }
0x30: {  	s20 =	simm.s32 $0x230;
	s21 =	simm.s32 $0x5E00  }
0x31: {  	[tilespmem:s21], [sflag:$0xC] =	stream.indirect.gather [hbm4b:s2+s13], $0x80, s20, s13, $0xb8;
	[tilespmem:$0xC900] =	vst v63  }
0x32: {  	s22 =	simm.s32 $0x430;
	s23 =	simm.s32 $0x9E00  }
0x33: {  	[tilespmem:s23], [sflag:$0x14] =	stream.indirect.gather [hbm4b:s1+s13], $0x80, s22, s13, $0xb8;
	[tilespmem:$0xC900] =	vst v63  }
0x34: {  	s24 =	simm.s32 $0x40;
	s25 =	simm.s32 $0x2600  }
0x35: {  	[tilespmem:s25], [sflag:$0x5] =	stream.indirect.gather [hbm4b:s1+s13], $0x80, s24, s13, $0xb8;
	[tilespmem:$0xC900] =	vst v63  }
0x36: {  	s26 =	simm.s32 $0x240;
	s28 =	simm.s32 $0x6600  }
0x37: {  	[tilespmem:s28], [sflag:$0xD] =	stream.indirect.gather [hbm4b:s2+s13], $0x80, s26, s13, $0xb8;
	[tilespmem:$0xC900] =	vst v63  }
0x38: {  	s19 =	simm.s32 $0x440;
	s20 =	simm.s32 $0xA600  }
0x39: {  	[tilespmem:s20], [sflag:$0x15] =	stream.indirect.gather [hbm4b:s1+s13], $0x80, s19, s13, $0xb8;
	[tilespmem:$0xC900] =	vst v63  }
0x3a: {  	s21 =	simm.s32 $0x50;
	s22 =	simm.s32 $0x2E00  }
0x3b: {  	[tilespmem:s22], [sflag:$0x6] =	stream.indirect.gather [hbm4b:s1+s13], $0x80, s21, s13, $0xb8;
	[tilespmem:$0xC900] =	vst v63  }
0x3c: {  	s23 =	simm.s32 $0x250;
	s24 =	simm.s32 $0x6E00  }
0x3d: {  	[tilespmem:s24], [sflag:$0xE] =	stream.indirect.gather [hbm4b:s2+s13], $0x80, s23, s13, $0xb8;
	[tilespmem:$0xC900] =	vst v63  }
0x3e: {  	s25 =	simm.s32 $0x450;
	s26 =	simm.s32 $0xAE00  }
0x3f: {  	[tilespmem:s26], [sflag:$0x16] =	stream.indirect.gather [hbm4b:s1+s13], $0x80, s25, s13, $0xb8;
	[tilespmem:$0xC900] =	vst v63  }
0x40: {  	s28 =	simm.s32 $0x60  }
0x41: {  	[tilespmem:s29], [sflag:$0x7] =	stream.indirect.gather [hbm4b:s1+s13], $0x80, s28, s13, $0xb8;
	[tilespmem:$0xC900] =	vst v63  }
0x42: {  	s18 =	simm.s32 $0x70;
	s19 =	simm.s32 $0x270  }
0x43: {  	[tilespmem:s31], [sflag:$0xF] =	stream.indirect.gather [hbm4b:s2+s13], $0x80, s30, s13, $0xb8;
	[tilespmem:$0xC900] =	vst v63  }
0x44: {  	s20 =	simm.s32 $0x470;
	s21 =	simm.s32 $0xC700;
	s22 =	simm.s32 $0x0  }
0x45: {  	[tilespmem:s3], [sflag:$0x17] =	stream.indirect.gather [hbm4b:s1+s13], $0x80, s0, s13, $0xb8;
	[tilespmem:$0xC900] =	vst v63  }
.LBB2_2:
0x46: {  	p0 =	sgt.u32 s22, $0x18  }
0x47: {  	s23 =	sadd.s32 @!p0 $0xFFFFFFFF, s22  }
0x48: {  	s23 =	sand.u32 @!p0 $0x7, s23  }
0x49: {  	s24 =	sshll.u32 @!p0 s23, $0xB  }
0x4a: {  	s28 =	simm.s32 @!p0 $0x10;
	s26 =	sadd.s32 @!p0 $0x1, s23;
	s25 =	sor.u32 @!p0 $0x600, s24  }
0x4b: {  	[tilespmem:s25], [sflag:s26] =	stream.indirect.gather @!p0 [hbm4b:s1+s28], $0x80, s18, s28, $0xb8;
	[tilespmem:$0xC900] =	vst v63  }
0x4c: {  	s25 =	sor.u32 @!p0 $0x4600, s24;
	s26 =	sadd.s32 @!p0 $0x9, s23  }
0x4d: {  	[tilespmem:s25], [sflag:s26] =	stream.indirect.gather @!p0 [hbm4b:s2+s28], $0x80, s19, s28, $0xb8;
	[tilespmem:$0xC900] =	vst v63  }
0x4e: {  	s24 =	sor.u32 @!p0 $0x8600, s24;
	s23 =	sadd.s32 @!p0 $0x11, s23;
	s25 =	sand.u32 $0x7, s22  }
0x4f: {  	[tilespmem:s24], [sflag:s23] =	stream.indirect.gather @!p0 [hbm4b:s1+s28], $0x80, s20, s28, $0xb8;
	[tilespmem:$0xC900] =	vst v63  }
0x50: {  	s28 =	sadd.s32 $0x1, s25  }
0x51: {  	_ =	swait.ge [sflag:s28], $0x800  }
0x52: {  	[sflag:s28] =	ssyncset.done $0x0  }
0x53: {  	s24 =	sadd.s32 $0x9, s25;
	[sflag:s28] =	ssyncadd.s32 $0xFFFFF800  }
0x54: {  	_ =	swait.ge [sflag:s24], $0x800  }
0x55: {  	[sflag:s24] =	ssyncset.done $0x0  }
0x56: {  	s26 =	sadd.s32 $0x11, s25;
	[sflag:s24] =	ssyncadd.s32 $0xFFFFF800  }
0x57: {  	_ =	swait.ge [sflag:s26], $0x800  }
0x58: {  	[sflag:s26] =	ssyncset.done $0x0  }
0x59: {  	s28 =	sshll.u32 s25, $0xB;
	[sflag:s26] =	ssyncadd.s32 $0xFFFFF800  }
0x5a: {  	v16 =	vld [tilespmem:s28+$0x600]  }
0x5b: {  	v17 =	vld [tilespmem:s28+$0x8600]  }
0x5c: {  	v18 =	vld [tilespmem:s28+$0x4600]  }
0x5d: {  	v19 =	vld [tilespmem:s28+$0x610]  }
0x5e: {  	v20 =	vld [tilespmem:s28+$0x8610]  }
0x5f: {  	v21 =	vld [tilespmem:s28+$0x4610]  }
0x60: {  	v22 =	vld [tilespmem:s28+$0x620]  }
0x61: {  	v23 =	vld [tilespmem:s28+$0x8620]  }
0x62: {  	v24 =	vld [tilespmem:s28+$0x4620]  }
0x63: {  	v25 =	vld [tilespmem:s28+$0x630]  }
0x64: {  	v26 =	vld [tilespmem:s28+$0x8630]  }
0x65: {  	v27 =	vld [tilespmem:s28+$0x4630]  }
0x66: {  	v29 =	vld [tilespmem:s28+$0x8640]  }
0x67: {  	v30 =	vld [tilespmem:s28+$0x4640]  }
0x68: {  	v32 =	vld [tilespmem:s28+$0x8650]  }
0x69: {  	v33 =	vld [tilespmem:s28+$0x4650]  }
0x6a: {  	v34 =	vld [tilespmem:s28+$0x8660]  }
0x6b: {  	v35 =	vld [tilespmem:s28+$0x4660]  }
0x6c: {  	v58 =	vld [tilespmem:s28+$0x8670]  }
0x6d: {  	v60 =	vld [tilespmem:s28+$0x4670]  }
0x6e: {  	v28 =	vld [tilespmem:s28+$0x640]  }
0x6f: {  	v31 =	vld [tilespmem:s28+$0x650];
	v17 =	vsub.f32 v18, v17;
	v20 =	vsub.f32 v21, v20  }
0x70: {  	v61 =	vld [tilespmem:s28+$0x660];
	v59 =	vsub.f32 v24, v23;
	v30 =	vsub.f32 v30, v29  }
0x71: {  	v63 =	vld [tilespmem:s28+$0x670];
	v33 =	vsub.f32 v33, v32;
	v34 =	vsub.f32 v35, v34  }
0x72: {  	v18 =	vsub.f32 v60, v58;
	v16 =	vadd.f32 v17, v16  }
0x73: {  	v17 =	vsub.f32 v27, v26;
	v19 =	vadd.f32 v20, v19  }
0x74: {  	v62 =	vadd.f32 v59, v22;
	v22 =	vadd.f32 v30, v28  }
0x75: {  	v35 =	vadd.f32 v33, v31;
	v24 =	vadd.f32 v34, v61  }
0x76: {  	v18 =	vadd.f32 v18, v63;
	v17 =	vadd.f32 v17, v25;
	v16 =	vand.u32 $0x7FFFFFFF, v16  }
0x77: {  	v19 =	vand.u32 $0x7FFFFFFF, v19;
	v20 =	vand.u32 $0x7FFFFFFF, v62;
	v36 =	vand.u32 $0x7FFFFFFF, v22  }
0x78: {  	v37 =	vand.u32 $0x7FFFFFFF, v35;
	v38 =	vand.u32 $0x7FFFFFFF, v24;
	v18 =	vand.u32 $0x7FFFFFFF, v18  }
0x79: {  	v16 =	vadd.f32 v19, v16;
	v39 =	vadd.f32 v37, v36;
	v17 =	vand.u32 $0x7FFFFFFF, v17  }
0x7a: {  	v18 =	vadd.f32 v18, v38;
	v17 =	vadd.f32 v17, v20;
	_ =	sdelay $0x1  }
0x7b: {  	v16 =	vadd.f32 v17, v16;
	v17 =	vadd.f32 v18, v39;
	_ =	sdelay $0x1  }
0x7c: {  	v16 =	vadd.f32 v17, v16;
	_ =	sdelay $0x1  }
0x7d: {  	[tilespmem:$0xC600] =	vst v16  }
0x7e: {  	v16 =	vld [tilespmem:s28+$0x680]  }
0x7f: {  	v17 =	vld [tilespmem:s28+$0x8680]  }
0x80: {  	v40 =	vld [tilespmem:s28+$0x4680]  }
0x81: {  	v41 =	vld [tilespmem:s28+$0x690]  }
0x82: {  	v42 =	vld [tilespmem:s28+$0x8690]  }
0x83: {  	v43 =	vld [tilespmem:s28+$0x4690]  }
0x84: {  	v44 =	vld [tilespmem:s28+$0x6A0]  }
0x85: {  	v45 =	vld [tilespmem:s28+$0x86A0]  }
0x86: {  	v46 =	vld [tilespmem:s28+$0x46A0]  }
0x87: {  	v47 =	vld [tilespmem:s28+$0x6B0]  }
0x88: {  	v48 =	vld [tilespmem:s28+$0x86B0]  }
0x89: {  	v49 =	vld [tilespmem:s28+$0x46B0]  }
0x8a: {  	v51 =	vld [tilespmem:s28+$0x86C0]  }
0x8b: {  	v52 =	vld [tilespmem:s28+$0x46C0]  }
0x8c: {  	v54 =	vld [tilespmem:s28+$0x86D0]  }
0x8d: {  	v55 =	vld [tilespmem:s28+$0x46D0]  }
0x8e: {  	v56 =	vld [tilespmem:s28+$0x86E0]  }
0x8f: {  	v57 =	vld [tilespmem:s28+$0x46E0]  }
0x90: {  	v58 =	vld [tilespmem:s28+$0x86F0]  }
0x91: {  	v60 =	vld [tilespmem:s28+$0x46F0]  }
0x92: {  	v50 =	vld [tilespmem:s28+$0x6C0]  }
0x93: {  	v53 =	vld [tilespmem:s28+$0x6D0];
	v17 =	vsub.f32 v40, v17;
	v20 =	vsub.f32 v43, v42  }
0x94: {  	v61 =	vld [tilespmem:s28+$0x6E0];
	v59 =	vsub.f32 v46, v45;
	v30 =	vsub.f32 v52, v51  }
0x95: {  	v63 =	vld [tilespmem:s28+$0x6F0];
	v33 =	vsub.f32 v55, v54;
	v34 =	vsub.f32 v57, v56  }
0x96: {  	v18 =	vsub.f32 v60, v58;
	v16 =	vadd.f32 v17, v16  }
0x97: {  	v17 =	vsub.f32 v49, v48;
	v19 =	vadd.f32 v20, v41  }
0x98: {  	v62 =	vadd.f32 v59, v44;
	v22 =	vadd.f32 v30, v50  }
0x99: {  	v35 =	vadd.f32 v33, v53;
	v24 =	vadd.f32 v34, v61  }
0x9a: {  	v18 =	vadd.f32 v18, v63;
	v17 =	vadd.f32 v17, v47;
	v16 =	vand.u32 $0x7FFFFFFF, v16  }
0x9b: {  	v19 =	vand.u32 $0x7FFFFFFF, v19;
	v20 =	vand.u32 $0x7FFFFFFF, v62;
	v36 =	vand.u32 $0x7FFFFFFF, v22  }
0x9c: {  	v37 =	vand.u32 $0x7FFFFFFF, v35;
	v38 =	vand.u32 $0x7FFFFFFF, v24;
	v18 =	vand.u32 $0x7FFFFFFF, v18  }
0x9d: {  	v16 =	vadd.f32 v19, v16;
	v39 =	vadd.f32 v37, v36;
	v17 =	vand.u32 $0x7FFFFFFF, v17  }
0x9e: {  	v18 =	vadd.f32 v18, v38;
	v17 =	vadd.f32 v17, v20;
	_ =	sdelay $0x1  }
0x9f: {  	v16 =	vadd.f32 v17, v16;
	v17 =	vadd.f32 v18, v39;
	_ =	sdelay $0x1  }
0xa0: {  	v16 =	vadd.f32 v17, v16;
	_ =	sdelay $0x1  }
0xa1: {  	[tilespmem:$0xC610] =	vst v16  }
0xa2: {  	v16 =	vld [tilespmem:s28+$0x700]  }
0xa3: {  	v17 =	vld [tilespmem:s28+$0x8700]  }
0xa4: {  	v40 =	vld [tilespmem:s28+$0x4700]  }
0xa5: {  	v41 =	vld [tilespmem:s28+$0x710]  }
0xa6: {  	v42 =	vld [tilespmem:s28+$0x8710]  }
0xa7: {  	v43 =	vld [tilespmem:s28+$0x4710]  }
0xa8: {  	v44 =	vld [tilespmem:s28+$0x720]  }
0xa9: {  	v45 =	vld [tilespmem:s28+$0x8720]  }
0xaa: {  	v46 =	vld [tilespmem:s28+$0x4720]  }
0xab: {  	v47 =	vld [tilespmem:s28+$0x730]  }
0xac: {  	v48 =	vld [tilespmem:s28+$0x8730]  }
0xad: {  	v49 =	vld [tilespmem:s28+$0x4730]  }
0xae: {  	v51 =	vld [tilespmem:s28+$0x8740]  }
0xaf: {  	v52 =	vld [tilespmem:s28+$0x4740]  }
0xb0: {  	v54 =	vld [tilespmem:s28+$0x8750]  }
0xb1: {  	v55 =	vld [tilespmem:s28+$0x4750]  }
0xb2: {  	v56 =	vld [tilespmem:s28+$0x8760]  }
0xb3: {  	v57 =	vld [tilespmem:s28+$0x4760]  }
0xb4: {  	v58 =	vld [tilespmem:s28+$0x8770]  }
0xb5: {  	v60 =	vld [tilespmem:s28+$0x4770]  }
0xb6: {  	v50 =	vld [tilespmem:s28+$0x740]  }
0xb7: {  	v53 =	vld [tilespmem:s28+$0x750];
	v17 =	vsub.f32 v40, v17;
	v20 =	vsub.f32 v43, v42  }
0xb8: {  	v61 =	vld [tilespmem:s28+$0x760];
	v59 =	vsub.f32 v46, v45;
	v30 =	vsub.f32 v52, v51  }
0xb9: {  	v63 =	vld [tilespmem:s28+$0x770];
	v33 =	vsub.f32 v55, v54;
	v34 =	vsub.f32 v57, v56  }
0xba: {  	v18 =	vsub.f32 v60, v58;
	v16 =	vadd.f32 v17, v16  }
0xbb: {  	v17 =	vsub.f32 v49, v48;
	v19 =	vadd.f32 v20, v41  }
0xbc: {  	v62 =	vadd.f32 v59, v44;
	v22 =	vadd.f32 v30, v50  }
0xbd: {  	v35 =	vadd.f32 v33, v53;
	v24 =	vadd.f32 v34, v61  }
0xbe: {  	v18 =	vadd.f32 v18, v63;
	v17 =	vadd.f32 v17, v47;
	v16 =	vand.u32 $0x7FFFFFFF, v16  }
0xbf: {  	v19 =	vand.u32 $0x7FFFFFFF, v19;
	v20 =	vand.u32 $0x7FFFFFFF, v62;
	v36 =	vand.u32 $0x7FFFFFFF, v22  }
0xc0: {  	v37 =	vand.u32 $0x7FFFFFFF, v35;
	v38 =	vand.u32 $0x7FFFFFFF, v24;
	v18 =	vand.u32 $0x7FFFFFFF, v18  }
0xc1: {  	v16 =	vadd.f32 v19, v16;
	v39 =	vadd.f32 v37, v36;
	v17 =	vand.u32 $0x7FFFFFFF, v17  }
0xc2: {  	v18 =	vadd.f32 v18, v38;
	v17 =	vadd.f32 v17, v20;
	_ =	sdelay $0x1  }
0xc3: {  	v16 =	vadd.f32 v17, v16;
	v17 =	vadd.f32 v18, v39;
	_ =	sdelay $0x1  }
0xc4: {  	v16 =	vadd.f32 v17, v16;
	_ =	sdelay $0x1  }
0xc5: {  	[tilespmem:$0xC620] =	vst v16  }
0xc6: {  	v16 =	vld [tilespmem:s28+$0x780]  }
0xc7: {  	v17 =	vld [tilespmem:s28+$0x8780]  }
0xc8: {  	v40 =	vld [tilespmem:s28+$0x4780]  }
0xc9: {  	v41 =	vld [tilespmem:s28+$0x790]  }
0xca: {  	v42 =	vld [tilespmem:s28+$0x8790]  }
0xcb: {  	v43 =	vld [tilespmem:s28+$0x4790]  }
0xcc: {  	v44 =	vld [tilespmem:s28+$0x7A0]  }
0xcd: {  	v45 =	vld [tilespmem:s28+$0x87A0]  }
0xce: {  	v46 =	vld [tilespmem:s28+$0x47A0]  }
0xcf: {  	v47 =	vld [tilespmem:s28+$0x7B0]  }
0xd0: {  	v48 =	vld [tilespmem:s28+$0x87B0]  }
0xd1: {  	v49 =	vld [tilespmem:s28+$0x47B0]  }
0xd2: {  	v51 =	vld [tilespmem:s28+$0x87C0]  }
0xd3: {  	v52 =	vld [tilespmem:s28+$0x47C0]  }
0xd4: {  	v54 =	vld [tilespmem:s28+$0x87D0]  }
0xd5: {  	v55 =	vld [tilespmem:s28+$0x47D0]  }
0xd6: {  	v56 =	vld [tilespmem:s28+$0x87E0]  }
0xd7: {  	v57 =	vld [tilespmem:s28+$0x47E0]  }
0xd8: {  	v58 =	vld [tilespmem:s28+$0x87F0]  }
0xd9: {  	v60 =	vld [tilespmem:s28+$0x47F0]  }
0xda: {  	v50 =	vld [tilespmem:s28+$0x7C0]  }
0xdb: {  	v53 =	vld [tilespmem:s28+$0x7D0];
	v17 =	vsub.f32 v40, v17;
	v20 =	vsub.f32 v43, v42  }
0xdc: {  	v61 =	vld [tilespmem:s28+$0x7E0];
	v59 =	vsub.f32 v46, v45;
	v30 =	vsub.f32 v52, v51  }
0xdd: {  	v63 =	vld [tilespmem:s28+$0x7F0];
	v33 =	vsub.f32 v55, v54;
	v34 =	vsub.f32 v57, v56  }
0xde: {  	v18 =	vsub.f32 v60, v58;
	v16 =	vadd.f32 v17, v16  }
0xdf: {  	v17 =	vsub.f32 v49, v48;
	v19 =	vadd.f32 v20, v41  }
0xe0: {  	v62 =	vadd.f32 v59, v44;
	v22 =	vadd.f32 v30, v50  }
0xe1: {  	v35 =	vadd.f32 v33, v53;
	v24 =	vadd.f32 v34, v61  }
0xe2: {  	v18 =	vadd.f32 v18, v63;
	v17 =	vadd.f32 v17, v47;
	v16 =	vand.u32 $0x7FFFFFFF, v16  }
0xe3: {  	v19 =	vand.u32 $0x7FFFFFFF, v19;
	v20 =	vand.u32 $0x7FFFFFFF, v62;
	v36 =	vand.u32 $0x7FFFFFFF, v22  }
0xe4: {  	v37 =	vand.u32 $0x7FFFFFFF, v35;
	v38 =	vand.u32 $0x7FFFFFFF, v24;
	v18 =	vand.u32 $0x7FFFFFFF, v18  }
0xe5: {  	v16 =	vadd.f32 v19, v16;
	v39 =	vadd.f32 v37, v36;
	v17 =	vand.u32 $0x7FFFFFFF, v17  }
0xe6: {  	v18 =	vadd.f32 v18, v38;
	v17 =	vadd.f32 v17, v20;
	_ =	sdelay $0x1  }
0xe7: {  	v16 =	vadd.f32 v17, v16;
	v17 =	vadd.f32 v18, v39;
	_ =	sdelay $0x1  }
0xe8: {  	v16 =	vadd.f32 v17, v16;
	_ =	sdelay $0x1  }
0xe9: {  	[tilespmem:$0xC630] =	vst v16  }
0xea: {  	v16 =	vld [tilespmem:s28+$0x800]  }
0xeb: {  	v17 =	vld [tilespmem:s28+$0x8800]  }
0xec: {  	v40 =	vld [tilespmem:s28+$0x4800]  }
0xed: {  	v41 =	vld [tilespmem:s28+$0x810]  }
0xee: {  	v42 =	vld [tilespmem:s28+$0x8810]  }
0xef: {  	v43 =	vld [tilespmem:s28+$0x4810]  }
0xf0: {  	v44 =	vld [tilespmem:s28+$0x820]  }
0xf1: {  	v45 =	vld [tilespmem:s28+$0x8820]  }
0xf2: {  	v46 =	vld [tilespmem:s28+$0x4820]  }
0xf3: {  	v47 =	vld [tilespmem:s28+$0x830]  }
0xf4: {  	v48 =	vld [tilespmem:s28+$0x8830]  }
0xf5: {  	v49 =	vld [tilespmem:s28+$0x4830]  }
0xf6: {  	v51 =	vld [tilespmem:s28+$0x8840]  }
0xf7: {  	v52 =	vld [tilespmem:s28+$0x4840]  }
0xf8: {  	v54 =	vld [tilespmem:s28+$0x8850]  }
0xf9: {  	v55 =	vld [tilespmem:s28+$0x4850]  }
0xfa: {  	v56 =	vld [tilespmem:s28+$0x8860]  }
0xfb: {  	v57 =	vld [tilespmem:s28+$0x4860]  }
0xfc: {  	v58 =	vld [tilespmem:s28+$0x8870]  }
0xfd: {  	v60 =	vld [tilespmem:s28+$0x4870]  }
0xfe: {  	v50 =	vld [tilespmem:s28+$0x840]  }
0xff: {  	v53 =	vld [tilespmem:s28+$0x850];
	v17 =	vsub.f32 v40, v17;
	v20 =	vsub.f32 v43, v42  }
0x100: {  	v61 =	vld [tilespmem:s28+$0x860];
	v59 =	vsub.f32 v46, v45;
	v30 =	vsub.f32 v52, v51  }
0x101: {  	v63 =	vld [tilespmem:s28+$0x870];
	v33 =	vsub.f32 v55, v54;
	v34 =	vsub.f32 v57, v56  }
0x102: {  	v18 =	vsub.f32 v60, v58;
	v16 =	vadd.f32 v17, v16  }
0x103: {  	v17 =	vsub.f32 v49, v48;
	v19 =	vadd.f32 v20, v41  }
0x104: {  	v62 =	vadd.f32 v59, v44;
	v22 =	vadd.f32 v30, v50  }
0x105: {  	v35 =	vadd.f32 v33, v53;
	v24 =	vadd.f32 v34, v61  }
0x106: {  	v18 =	vadd.f32 v18, v63;
	v17 =	vadd.f32 v17, v47;
	v16 =	vand.u32 $0x7FFFFFFF, v16  }
0x107: {  	v19 =	vand.u32 $0x7FFFFFFF, v19;
	v20 =	vand.u32 $0x7FFFFFFF, v62;
	v36 =	vand.u32 $0x7FFFFFFF, v22  }
0x108: {  	v37 =	vand.u32 $0x7FFFFFFF, v35;
	v38 =	vand.u32 $0x7FFFFFFF, v24;
	v18 =	vand.u32 $0x7FFFFFFF, v18  }
0x109: {  	v16 =	vadd.f32 v19, v16;
	v39 =	vadd.f32 v37, v36;
	v17 =	vand.u32 $0x7FFFFFFF, v17  }
0x10a: {  	v18 =	vadd.f32 v18, v38;
	v17 =	vadd.f32 v17, v20;
	_ =	sdelay $0x1  }
0x10b: {  	v16 =	vadd.f32 v17, v16;
	v17 =	vadd.f32 v18, v39;
	_ =	sdelay $0x1  }
0x10c: {  	v16 =	vadd.f32 v17, v16;
	_ =	sdelay $0x1  }
0x10d: {  	[tilespmem:$0xC640] =	vst v16  }
0x10e: {  	v16 =	vld [tilespmem:s28+$0x880]  }
0x10f: {  	v17 =	vld [tilespmem:s28+$0x8880]  }
0x110: {  	v40 =	vld [tilespmem:s28+$0x4880]  }
0x111: {  	v41 =	vld [tilespmem:s28+$0x890]  }
0x112: {  	v42 =	vld [tilespmem:s28+$0x8890]  }
0x113: {  	v43 =	vld [tilespmem:s28+$0x4890]  }
0x114: {  	v44 =	vld [tilespmem:s28+$0x8A0]  }
0x115: {  	v45 =	vld [tilespmem:s28+$0x88A0]  }
0x116: {  	v46 =	vld [tilespmem:s28+$0x48A0]  }
0x117: {  	v47 =	vld [tilespmem:s28+$0x8B0]  }
0x118: {  	v48 =	vld [tilespmem:s28+$0x88B0]  }
0x119: {  	v49 =	vld [tilespmem:s28+$0x48B0]  }
0x11a: {  	v51 =	vld [tilespmem:s28+$0x88C0]  }
0x11b: {  	v52 =	vld [tilespmem:s28+$0x48C0]  }
0x11c: {  	v54 =	vld [tilespmem:s28+$0x88D0]  }
0x11d: {  	v55 =	vld [tilespmem:s28+$0x48D0]  }
0x11e: {  	v56 =	vld [tilespmem:s28+$0x88E0]  }
0x11f: {  	v57 =	vld [tilespmem:s28+$0x48E0]  }
0x120: {  	v58 =	vld [tilespmem:s28+$0x88F0]  }
0x121: {  	v60 =	vld [tilespmem:s28+$0x48F0]  }
0x122: {  	v50 =	vld [tilespmem:s28+$0x8C0]  }
0x123: {  	v53 =	vld [tilespmem:s28+$0x8D0];
	v17 =	vsub.f32 v40, v17;
	v20 =	vsub.f32 v43, v42  }
0x124: {  	v61 =	vld [tilespmem:s28+$0x8E0];
	v59 =	vsub.f32 v46, v45;
	v30 =	vsub.f32 v52, v51  }
0x125: {  	v63 =	vld [tilespmem:s28+$0x8F0];
	v33 =	vsub.f32 v55, v54;
	v34 =	vsub.f32 v57, v56  }
0x126: {  	v18 =	vsub.f32 v60, v58;
	v16 =	vadd.f32 v17, v16  }
0x127: {  	v17 =	vsub.f32 v49, v48;
	v19 =	vadd.f32 v20, v41  }
0x128: {  	v62 =	vadd.f32 v59, v44;
	v22 =	vadd.f32 v30, v50  }
0x129: {  	v35 =	vadd.f32 v33, v53;
	v24 =	vadd.f32 v34, v61  }
0x12a: {  	v18 =	vadd.f32 v18, v63;
	v17 =	vadd.f32 v17, v47;
	v16 =	vand.u32 $0x7FFFFFFF, v16  }
0x12b: {  	v19 =	vand.u32 $0x7FFFFFFF, v19;
	v20 =	vand.u32 $0x7FFFFFFF, v62;
	v36 =	vand.u32 $0x7FFFFFFF, v22  }
0x12c: {  	v37 =	vand.u32 $0x7FFFFFFF, v35;
	v38 =	vand.u32 $0x7FFFFFFF, v24;
	v18 =	vand.u32 $0x7FFFFFFF, v18  }
0x12d: {  	v16 =	vadd.f32 v19, v16;
	v39 =	vadd.f32 v37, v36;
	v17 =	vand.u32 $0x7FFFFFFF, v17  }
0x12e: {  	v18 =	vadd.f32 v18, v38;
	v17 =	vadd.f32 v17, v20;
	_ =	sdelay $0x1  }
0x12f: {  	v16 =	vadd.f32 v17, v16;
	v17 =	vadd.f32 v18, v39;
	_ =	sdelay $0x1  }
0x130: {  	v16 =	vadd.f32 v17, v16;
	_ =	sdelay $0x1  }
0x131: {  	[tilespmem:$0xC650] =	vst v16  }
0x132: {  	v16 =	vld [tilespmem:s28+$0x900]  }
0x133: {  	v17 =	vld [tilespmem:s28+$0x8900]  }
0x134: {  	v40 =	vld [tilespmem:s28+$0x4900]  }
0x135: {  	v41 =	vld [tilespmem:s28+$0x910]  }
0x136: {  	v42 =	vld [tilespmem:s28+$0x8910]  }
0x137: {  	v43 =	vld [tilespmem:s28+$0x4910]  }
0x138: {  	v44 =	vld [tilespmem:s28+$0x920]  }
0x139: {  	v45 =	vld [tilespmem:s28+$0x8920]  }
0x13a: {  	v46 =	vld [tilespmem:s28+$0x4920]  }
0x13b: {  	v47 =	vld [tilespmem:s28+$0x930]  }
0x13c: {  	v48 =	vld [tilespmem:s28+$0x8930]  }
0x13d: {  	v49 =	vld [tilespmem:s28+$0x4930]  }
0x13e: {  	v51 =	vld [tilespmem:s28+$0x8940]  }
0x13f: {  	v52 =	vld [tilespmem:s28+$0x4940]  }
0x140: {  	v54 =	vld [tilespmem:s28+$0x8950]  }
0x141: {  	v55 =	vld [tilespmem:s28+$0x4950]  }
0x142: {  	v56 =	vld [tilespmem:s28+$0x8960]  }
0x143: {  	v57 =	vld [tilespmem:s28+$0x4960]  }
0x144: {  	v58 =	vld [tilespmem:s28+$0x8970]  }
0x145: {  	v60 =	vld [tilespmem:s28+$0x4970]  }
0x146: {  	v50 =	vld [tilespmem:s28+$0x940]  }
0x147: {  	v53 =	vld [tilespmem:s28+$0x950];
	v17 =	vsub.f32 v40, v17;
	v20 =	vsub.f32 v43, v42  }
0x148: {  	v61 =	vld [tilespmem:s28+$0x960];
	v59 =	vsub.f32 v46, v45;
	v30 =	vsub.f32 v52, v51  }
0x149: {  	v63 =	vld [tilespmem:s28+$0x970];
	v33 =	vsub.f32 v55, v54;
	v34 =	vsub.f32 v57, v56  }
0x14a: {  	v18 =	vsub.f32 v60, v58;
	v16 =	vadd.f32 v17, v16  }
0x14b: {  	v17 =	vsub.f32 v49, v48;
	v19 =	vadd.f32 v20, v41  }
0x14c: {  	v62 =	vadd.f32 v59, v44;
	v22 =	vadd.f32 v30, v50  }
0x14d: {  	v35 =	vadd.f32 v33, v53;
	v24 =	vadd.f32 v34, v61  }
0x14e: {  	v18 =	vadd.f32 v18, v63;
	v17 =	vadd.f32 v17, v47;
	v16 =	vand.u32 $0x7FFFFFFF, v16  }
0x14f: {  	v19 =	vand.u32 $0x7FFFFFFF, v19;
	v20 =	vand.u32 $0x7FFFFFFF, v62;
	v36 =	vand.u32 $0x7FFFFFFF, v22  }
0x150: {  	v37 =	vand.u32 $0x7FFFFFFF, v35;
	v38 =	vand.u32 $0x7FFFFFFF, v24;
	v18 =	vand.u32 $0x7FFFFFFF, v18  }
0x151: {  	v16 =	vadd.f32 v19, v16;
	v39 =	vadd.f32 v37, v36;
	v17 =	vand.u32 $0x7FFFFFFF, v17  }
0x152: {  	v18 =	vadd.f32 v18, v38;
	v17 =	vadd.f32 v17, v20;
	_ =	sdelay $0x1  }
0x153: {  	v16 =	vadd.f32 v17, v16;
	v17 =	vadd.f32 v18, v39;
	_ =	sdelay $0x1  }
0x154: {  	v16 =	vadd.f32 v17, v16;
	_ =	sdelay $0x1  }
0x155: {  	[tilespmem:$0xC660] =	vst v16  }
0x156: {  	v16 =	vld [tilespmem:s28+$0x980]  }
0x157: {  	v17 =	vld [tilespmem:s28+$0x8980]  }
0x158: {  	v40 =	vld [tilespmem:s28+$0x4980]  }
0x159: {  	v41 =	vld [tilespmem:s28+$0x990]  }
0x15a: {  	v42 =	vld [tilespmem:s28+$0x8990]  }
0x15b: {  	v43 =	vld [tilespmem:s28+$0x4990]  }
0x15c: {  	v44 =	vld [tilespmem:s28+$0x9A0]  }
0x15d: {  	v45 =	vld [tilespmem:s28+$0x89A0]  }
0x15e: {  	v46 =	vld [tilespmem:s28+$0x49A0]  }
0x15f: {  	v47 =	vld [tilespmem:s28+$0x9B0]  }
0x160: {  	v48 =	vld [tilespmem:s28+$0x89B0]  }
0x161: {  	v49 =	vld [tilespmem:s28+$0x49B0]  }
0x162: {  	v51 =	vld [tilespmem:s28+$0x89C0]  }
0x163: {  	v52 =	vld [tilespmem:s28+$0x49C0]  }
0x164: {  	v54 =	vld [tilespmem:s28+$0x89D0]  }
0x165: {  	v55 =	vld [tilespmem:s28+$0x49D0]  }
0x166: {  	v56 =	vld [tilespmem:s28+$0x89E0]  }
0x167: {  	v57 =	vld [tilespmem:s28+$0x49E0]  }
0x168: {  	v58 =	vld [tilespmem:s28+$0x89F0]  }
0x169: {  	v60 =	vld [tilespmem:s28+$0x49F0]  }
0x16a: {  	v50 =	vld [tilespmem:s28+$0x9C0]  }
0x16b: {  	v53 =	vld [tilespmem:s28+$0x9D0];
	v17 =	vsub.f32 v40, v17;
	v20 =	vsub.f32 v43, v42  }
0x16c: {  	v61 =	vld [tilespmem:s28+$0x9E0];
	v59 =	vsub.f32 v46, v45;
	v30 =	vsub.f32 v52, v51  }
0x16d: {  	v63 =	vld [tilespmem:s28+$0x9F0];
	v33 =	vsub.f32 v55, v54;
	v34 =	vsub.f32 v57, v56  }
0x16e: {  	v18 =	vsub.f32 v60, v58;
	v16 =	vadd.f32 v17, v16  }
0x16f: {  	v17 =	vsub.f32 v49, v48;
	v19 =	vadd.f32 v20, v41  }
0x170: {  	v62 =	vadd.f32 v59, v44;
	v22 =	vadd.f32 v30, v50  }
0x171: {  	v35 =	vadd.f32 v33, v53;
	v24 =	vadd.f32 v34, v61  }
0x172: {  	v18 =	vadd.f32 v18, v63;
	v17 =	vadd.f32 v17, v47;
	v16 =	vand.u32 $0x7FFFFFFF, v16  }
0x173: {  	v19 =	vand.u32 $0x7FFFFFFF, v19;
	v20 =	vand.u32 $0x7FFFFFFF, v62;
	v36 =	vand.u32 $0x7FFFFFFF, v22  }
0x174: {  	v37 =	vand.u32 $0x7FFFFFFF, v35;
	v38 =	vand.u32 $0x7FFFFFFF, v24;
	v18 =	vand.u32 $0x7FFFFFFF, v18  }
0x175: {  	v16 =	vadd.f32 v19, v16;
	v39 =	vadd.f32 v37, v36;
	v17 =	vand.u32 $0x7FFFFFFF, v17  }
0x176: {  	v18 =	vadd.f32 v18, v38;
	v17 =	vadd.f32 v17, v20;
	_ =	sdelay $0x1  }
0x177: {  	v16 =	vadd.f32 v17, v16;
	v17 =	vadd.f32 v18, v39;
	_ =	sdelay $0x1  }
0x178: {  	v16 =	vadd.f32 v17, v16;
	_ =	sdelay $0x1  }
0x179: {  	[tilespmem:$0xC670] =	vst v16  }
0x17a: {  	v16 =	vld [tilespmem:s28+$0xA00]  }
0x17b: {  	v17 =	vld [tilespmem:s28+$0x8A00]  }
0x17c: {  	v40 =	vld [tilespmem:s28+$0x4A00]  }
0x17d: {  	v41 =	vld [tilespmem:s28+$0xA10]  }
0x17e: {  	v42 =	vld [tilespmem:s28+$0x8A10]  }
0x17f: {  	v43 =	vld [tilespmem:s28+$0x4A10]  }
0x180: {  	v44 =	vld [tilespmem:s28+$0xA20]  }
0x181: {  	v45 =	vld [tilespmem:s28+$0x8A20]  }
0x182: {  	v46 =	vld [tilespmem:s28+$0x4A20]  }
0x183: {  	v47 =	vld [tilespmem:s28+$0xA30]  }
0x184: {  	v48 =	vld [tilespmem:s28+$0x8A30]  }
0x185: {  	v49 =	vld [tilespmem:s28+$0x4A30]  }
0x186: {  	v51 =	vld [tilespmem:s28+$0x8A40]  }
0x187: {  	v52 =	vld [tilespmem:s28+$0x4A40]  }
0x188: {  	v54 =	vld [tilespmem:s28+$0x8A50]  }
0x189: {  	v55 =	vld [tilespmem:s28+$0x4A50]  }
0x18a: {  	v56 =	vld [tilespmem:s28+$0x8A60]  }
0x18b: {  	v57 =	vld [tilespmem:s28+$0x4A60]  }
0x18c: {  	v58 =	vld [tilespmem:s28+$0x8A70]  }
0x18d: {  	v60 =	vld [tilespmem:s28+$0x4A70]  }
0x18e: {  	v50 =	vld [tilespmem:s28+$0xA40]  }
0x18f: {  	v53 =	vld [tilespmem:s28+$0xA50];
	v17 =	vsub.f32 v40, v17;
	v20 =	vsub.f32 v43, v42  }
0x190: {  	v61 =	vld [tilespmem:s28+$0xA60];
	v59 =	vsub.f32 v46, v45;
	v30 =	vsub.f32 v52, v51  }
0x191: {  	v63 =	vld [tilespmem:s28+$0xA70];
	v33 =	vsub.f32 v55, v54;
	v34 =	vsub.f32 v57, v56  }
0x192: {  	v18 =	vsub.f32 v60, v58;
	v16 =	vadd.f32 v17, v16  }
0x193: {  	v17 =	vsub.f32 v49, v48;
	v19 =	vadd.f32 v20, v41  }
0x194: {  	v62 =	vadd.f32 v59, v44;
	v22 =	vadd.f32 v30, v50  }
0x195: {  	v35 =	vadd.f32 v33, v53;
	v24 =	vadd.f32 v34, v61  }
0x196: {  	v18 =	vadd.f32 v18, v63;
	v17 =	vadd.f32 v17, v47;
	v16 =	vand.u32 $0x7FFFFFFF, v16  }
0x197: {  	v19 =	vand.u32 $0x7FFFFFFF, v19;
	v20 =	vand.u32 $0x7FFFFFFF, v62;
	v36 =	vand.u32 $0x7FFFFFFF, v22  }
0x198: {  	v37 =	vand.u32 $0x7FFFFFFF, v35;
	v38 =	vand.u32 $0x7FFFFFFF, v24;
	v18 =	vand.u32 $0x7FFFFFFF, v18  }
0x199: {  	v16 =	vadd.f32 v19, v16;
	v39 =	vadd.f32 v37, v36;
	v17 =	vand.u32 $0x7FFFFFFF, v17  }
0x19a: {  	v18 =	vadd.f32 v18, v38;
	v17 =	vadd.f32 v17, v20;
	_ =	sdelay $0x1  }
0x19b: {  	v16 =	vadd.f32 v17, v16;
	v17 =	vadd.f32 v18, v39;
	_ =	sdelay $0x1  }
0x19c: {  	v16 =	vadd.f32 v17, v16;
	_ =	sdelay $0x1  }
0x19d: {  	[tilespmem:$0xC680] =	vst v16  }
0x19e: {  	v16 =	vld [tilespmem:s28+$0xA80]  }
0x19f: {  	v17 =	vld [tilespmem:s28+$0x8A80]  }
0x1a0: {  	v40 =	vld [tilespmem:s28+$0x4A80]  }
0x1a1: {  	v41 =	vld [tilespmem:s28+$0xA90]  }
0x1a2: {  	v42 =	vld [tilespmem:s28+$0x8A90]  }
0x1a3: {  	v43 =	vld [tilespmem:s28+$0x4A90]  }
0x1a4: {  	v44 =	vld [tilespmem:s28+$0xAA0]  }
0x1a5: {  	v45 =	vld [tilespmem:s28+$0x8AA0]  }
0x1a6: {  	v46 =	vld [tilespmem:s28+$0x4AA0]  }
0x1a7: {  	v47 =	vld [tilespmem:s28+$0xAB0]  }
0x1a8: {  	v48 =	vld [tilespmem:s28+$0x8AB0]  }
0x1a9: {  	v49 =	vld [tilespmem:s28+$0x4AB0]  }
0x1aa: {  	v51 =	vld [tilespmem:s28+$0x8AC0]  }
0x1ab: {  	v52 =	vld [tilespmem:s28+$0x4AC0]  }
0x1ac: {  	v54 =	vld [tilespmem:s28+$0x8AD0]  }
0x1ad: {  	v55 =	vld [tilespmem:s28+$0x4AD0]  }
0x1ae: {  	v56 =	vld [tilespmem:s28+$0x8AE0]  }
0x1af: {  	v57 =	vld [tilespmem:s28+$0x4AE0]  }
0x1b0: {  	v58 =	vld [tilespmem:s28+$0x8AF0]  }
0x1b1: {  	v60 =	vld [tilespmem:s28+$0x4AF0]  }
0x1b2: {  	v50 =	vld [tilespmem:s28+$0xAC0]  }
0x1b3: {  	v53 =	vld [tilespmem:s28+$0xAD0];
	v17 =	vsub.f32 v40, v17;
	v20 =	vsub.f32 v43, v42  }
0x1b4: {  	v61 =	vld [tilespmem:s28+$0xAE0];
	v59 =	vsub.f32 v46, v45;
	v30 =	vsub.f32 v52, v51  }
0x1b5: {  	v63 =	vld [tilespmem:s28+$0xAF0];
	v33 =	vsub.f32 v55, v54;
	v34 =	vsub.f32 v57, v56  }
0x1b6: {  	v18 =	vsub.f32 v60, v58;
	v16 =	vadd.f32 v17, v16  }
0x1b7: {  	v17 =	vsub.f32 v49, v48;
	v19 =	vadd.f32 v20, v41  }
0x1b8: {  	v62 =	vadd.f32 v59, v44;
	v22 =	vadd.f32 v30, v50  }
0x1b9: {  	v35 =	vadd.f32 v33, v53;
	v24 =	vadd.f32 v34, v61  }
0x1ba: {  	v18 =	vadd.f32 v18, v63;
	v17 =	vadd.f32 v17, v47;
	v16 =	vand.u32 $0x7FFFFFFF, v16  }
0x1bb: {  	v19 =	vand.u32 $0x7FFFFFFF, v19;
	v20 =	vand.u32 $0x7FFFFFFF, v62;
	v36 =	vand.u32 $0x7FFFFFFF, v22  }
0x1bc: {  	v37 =	vand.u32 $0x7FFFFFFF, v35;
	v38 =	vand.u32 $0x7FFFFFFF, v24;
	v18 =	vand.u32 $0x7FFFFFFF, v18  }
0x1bd: {  	v16 =	vadd.f32 v19, v16;
	v39 =	vadd.f32 v37, v36;
	v17 =	vand.u32 $0x7FFFFFFF, v17  }
0x1be: {  	v18 =	vadd.f32 v18, v38;
	v17 =	vadd.f32 v17, v20;
	_ =	sdelay $0x1  }
0x1bf: {  	v16 =	vadd.f32 v17, v16;
	v17 =	vadd.f32 v18, v39;
	_ =	sdelay $0x1  }
0x1c0: {  	v16 =	vadd.f32 v17, v16;
	_ =	sdelay $0x1  }
0x1c1: {  	[tilespmem:$0xC690] =	vst v16  }
0x1c2: {  	v16 =	vld [tilespmem:s28+$0xB00]  }
0x1c3: {  	v17 =	vld [tilespmem:s28+$0x8B00]  }
0x1c4: {  	v40 =	vld [tilespmem:s28+$0x4B00]  }
0x1c5: {  	v41 =	vld [tilespmem:s28+$0xB10]  }
0x1c6: {  	v42 =	vld [tilespmem:s28+$0x8B10]  }
0x1c7: {  	v43 =	vld [tilespmem:s28+$0x4B10]  }
0x1c8: {  	v44 =	vld [tilespmem:s28+$0xB20]  }
0x1c9: {  	v45 =	vld [tilespmem:s28+$0x8B20]  }
0x1ca: {  	v46 =	vld [tilespmem:s28+$0x4B20]  }
0x1cb: {  	v47 =	vld [tilespmem:s28+$0xB30]  }
0x1cc: {  	v48 =	vld [tilespmem:s28+$0x8B30]  }
0x1cd: {  	v49 =	vld [tilespmem:s28+$0x4B30]  }
0x1ce: {  	v51 =	vld [tilespmem:s28+$0x8B40]  }
0x1cf: {  	v52 =	vld [tilespmem:s28+$0x4B40]  }
0x1d0: {  	v54 =	vld [tilespmem:s28+$0x8B50]  }
0x1d1: {  	v55 =	vld [tilespmem:s28+$0x4B50]  }
0x1d2: {  	v56 =	vld [tilespmem:s28+$0x8B60]  }
0x1d3: {  	v57 =	vld [tilespmem:s28+$0x4B60]  }
0x1d4: {  	v58 =	vld [tilespmem:s28+$0x8B70]  }
0x1d5: {  	v60 =	vld [tilespmem:s28+$0x4B70]  }
0x1d6: {  	v50 =	vld [tilespmem:s28+$0xB40]  }
0x1d7: {  	v53 =	vld [tilespmem:s28+$0xB50];
	v17 =	vsub.f32 v40, v17;
	v20 =	vsub.f32 v43, v42  }
0x1d8: {  	v61 =	vld [tilespmem:s28+$0xB60];
	v59 =	vsub.f32 v46, v45;
	v30 =	vsub.f32 v52, v51  }
0x1d9: {  	v63 =	vld [tilespmem:s28+$0xB70];
	v33 =	vsub.f32 v55, v54;
	v34 =	vsub.f32 v57, v56  }
0x1da: {  	v18 =	vsub.f32 v60, v58;
	v16 =	vadd.f32 v17, v16  }
0x1db: {  	v17 =	vsub.f32 v49, v48;
	v19 =	vadd.f32 v20, v41  }
0x1dc: {  	v62 =	vadd.f32 v59, v44;
	v22 =	vadd.f32 v30, v50  }
0x1dd: {  	v35 =	vadd.f32 v33, v53;
	v24 =	vadd.f32 v34, v61  }
0x1de: {  	v18 =	vadd.f32 v18, v63;
	v17 =	vadd.f32 v17, v47;
	v16 =	vand.u32 $0x7FFFFFFF, v16  }
0x1df: {  	v19 =	vand.u32 $0x7FFFFFFF, v19;
	v20 =	vand.u32 $0x7FFFFFFF, v62;
	v36 =	vand.u32 $0x7FFFFFFF, v22  }
0x1e0: {  	v37 =	vand.u32 $0x7FFFFFFF, v35;
	v38 =	vand.u32 $0x7FFFFFFF, v24;
	v18 =	vand.u32 $0x7FFFFFFF, v18  }
0x1e1: {  	v16 =	vadd.f32 v19, v16;
	v39 =	vadd.f32 v37, v36;
	v17 =	vand.u32 $0x7FFFFFFF, v17  }
0x1e2: {  	v18 =	vadd.f32 v18, v38;
	v17 =	vadd.f32 v17, v20;
	_ =	sdelay $0x1  }
0x1e3: {  	v16 =	vadd.f32 v17, v16;
	v17 =	vadd.f32 v18, v39;
	_ =	sdelay $0x1  }
0x1e4: {  	v16 =	vadd.f32 v17, v16;
	_ =	sdelay $0x1  }
0x1e5: {  	[tilespmem:$0xC6A0] =	vst v16  }
0x1e6: {  	v16 =	vld [tilespmem:s28+$0xB80]  }
0x1e7: {  	v17 =	vld [tilespmem:s28+$0x8B80]  }
0x1e8: {  	v40 =	vld [tilespmem:s28+$0x4B80]  }
0x1e9: {  	v41 =	vld [tilespmem:s28+$0xB90]  }
0x1ea: {  	v42 =	vld [tilespmem:s28+$0x8B90]  }
0x1eb: {  	v43 =	vld [tilespmem:s28+$0x4B90]  }
0x1ec: {  	v44 =	vld [tilespmem:s28+$0xBA0]  }
0x1ed: {  	v45 =	vld [tilespmem:s28+$0x8BA0]  }
0x1ee: {  	v46 =	vld [tilespmem:s28+$0x4BA0]  }
0x1ef: {  	v47 =	vld [tilespmem:s28+$0xBB0]  }
0x1f0: {  	v48 =	vld [tilespmem:s28+$0x8BB0]  }
0x1f1: {  	v49 =	vld [tilespmem:s28+$0x4BB0]  }
0x1f2: {  	v51 =	vld [tilespmem:s28+$0x8BC0]  }
0x1f3: {  	v52 =	vld [tilespmem:s28+$0x4BC0]  }
0x1f4: {  	v54 =	vld [tilespmem:s28+$0x8BD0]  }
0x1f5: {  	v55 =	vld [tilespmem:s28+$0x4BD0]  }
0x1f6: {  	v56 =	vld [tilespmem:s28+$0x8BE0]  }
0x1f7: {  	v57 =	vld [tilespmem:s28+$0x4BE0]  }
0x1f8: {  	v58 =	vld [tilespmem:s28+$0x8BF0]  }
0x1f9: {  	v60 =	vld [tilespmem:s28+$0x4BF0]  }
0x1fa: {  	v50 =	vld [tilespmem:s28+$0xBC0]  }
0x1fb: {  	v53 =	vld [tilespmem:s28+$0xBD0];
	v17 =	vsub.f32 v40, v17;
	v20 =	vsub.f32 v43, v42  }
0x1fc: {  	v61 =	vld [tilespmem:s28+$0xBE0];
	v59 =	vsub.f32 v46, v45;
	v30 =	vsub.f32 v52, v51  }
0x1fd: {  	v63 =	vld [tilespmem:s28+$0xBF0];
	v33 =	vsub.f32 v55, v54;
	v34 =	vsub.f32 v57, v56  }
0x1fe: {  	v18 =	vsub.f32 v60, v58;
	v16 =	vadd.f32 v17, v16  }
0x1ff: {  	v17 =	vsub.f32 v49, v48;
	v19 =	vadd.f32 v20, v41  }
0x200: {  	v62 =	vadd.f32 v59, v44;
	v22 =	vadd.f32 v30, v50  }
0x201: {  	v35 =	vadd.f32 v33, v53;
	v24 =	vadd.f32 v34, v61  }
0x202: {  	v18 =	vadd.f32 v18, v63;
	v17 =	vadd.f32 v17, v47;
	v16 =	vand.u32 $0x7FFFFFFF, v16  }
0x203: {  	v19 =	vand.u32 $0x7FFFFFFF, v19;
	v20 =	vand.u32 $0x7FFFFFFF, v62;
	v36 =	vand.u32 $0x7FFFFFFF, v22  }
0x204: {  	v37 =	vand.u32 $0x7FFFFFFF, v35;
	v38 =	vand.u32 $0x7FFFFFFF, v24;
	v18 =	vand.u32 $0x7FFFFFFF, v18  }
0x205: {  	v16 =	vadd.f32 v19, v16;
	v39 =	vadd.f32 v37, v36;
	v17 =	vand.u32 $0x7FFFFFFF, v17  }
0x206: {  	v18 =	vadd.f32 v18, v38;
	v17 =	vadd.f32 v17, v20;
	_ =	sdelay $0x1  }
0x207: {  	v16 =	vadd.f32 v17, v16;
	v17 =	vadd.f32 v18, v39;
	_ =	sdelay $0x1  }
0x208: {  	v16 =	vadd.f32 v17, v16;
	_ =	sdelay $0x1  }
0x209: {  	[tilespmem:$0xC6B0] =	vst v16  }
0x20a: {  	v16 =	vld [tilespmem:s28+$0xC00]  }
0x20b: {  	v17 =	vld [tilespmem:s28+$0x8C00]  }
0x20c: {  	v40 =	vld [tilespmem:s28+$0x4C00]  }
0x20d: {  	v41 =	vld [tilespmem:s28+$0xC10]  }
0x20e: {  	v42 =	vld [tilespmem:s28+$0x8C10]  }
0x20f: {  	v43 =	vld [tilespmem:s28+$0x4C10]  }
0x210: {  	v44 =	vld [tilespmem:s28+$0xC20]  }
0x211: {  	v45 =	vld [tilespmem:s28+$0x8C20]  }
0x212: {  	v46 =	vld [tilespmem:s28+$0x4C20]  }
0x213: {  	v47 =	vld [tilespmem:s28+$0xC30]  }
0x214: {  	v48 =	vld [tilespmem:s28+$0x8C30]  }
0x215: {  	v49 =	vld [tilespmem:s28+$0x4C30]  }
0x216: {  	v51 =	vld [tilespmem:s28+$0x8C40]  }
0x217: {  	v52 =	vld [tilespmem:s28+$0x4C40]  }
0x218: {  	v54 =	vld [tilespmem:s28+$0x8C50]  }
0x219: {  	v55 =	vld [tilespmem:s28+$0x4C50]  }
0x21a: {  	v56 =	vld [tilespmem:s28+$0x8C60]  }
0x21b: {  	v57 =	vld [tilespmem:s28+$0x4C60]  }
0x21c: {  	v58 =	vld [tilespmem:s28+$0x8C70]  }
0x21d: {  	v60 =	vld [tilespmem:s28+$0x4C70]  }
0x21e: {  	v50 =	vld [tilespmem:s28+$0xC40]  }
0x21f: {  	v53 =	vld [tilespmem:s28+$0xC50];
	v17 =	vsub.f32 v40, v17;
	v20 =	vsub.f32 v43, v42  }
0x220: {  	v61 =	vld [tilespmem:s28+$0xC60];
	v59 =	vsub.f32 v46, v45;
	v30 =	vsub.f32 v52, v51  }
0x221: {  	v63 =	vld [tilespmem:s28+$0xC70];
	v33 =	vsub.f32 v55, v54;
	v34 =	vsub.f32 v57, v56  }
0x222: {  	v18 =	vsub.f32 v60, v58;
	v16 =	vadd.f32 v17, v16  }
0x223: {  	v17 =	vsub.f32 v49, v48;
	v19 =	vadd.f32 v20, v41  }
0x224: {  	v62 =	vadd.f32 v59, v44;
	v22 =	vadd.f32 v30, v50  }
0x225: {  	v35 =	vadd.f32 v33, v53;
	v24 =	vadd.f32 v34, v61  }
0x226: {  	v18 =	vadd.f32 v18, v63;
	v17 =	vadd.f32 v17, v47;
	v16 =	vand.u32 $0x7FFFFFFF, v16  }
0x227: {  	v19 =	vand.u32 $0x7FFFFFFF, v19;
	v20 =	vand.u32 $0x7FFFFFFF, v62;
	v36 =	vand.u32 $0x7FFFFFFF, v22  }
0x228: {  	v37 =	vand.u32 $0x7FFFFFFF, v35;
	v38 =	vand.u32 $0x7FFFFFFF, v24;
	v18 =	vand.u32 $0x7FFFFFFF, v18  }
0x229: {  	v16 =	vadd.f32 v19, v16;
	v39 =	vadd.f32 v37, v36;
	v17 =	vand.u32 $0x7FFFFFFF, v17  }
0x22a: {  	v18 =	vadd.f32 v18, v38;
	v17 =	vadd.f32 v17, v20;
	_ =	sdelay $0x1  }
0x22b: {  	v16 =	vadd.f32 v17, v16;
	v17 =	vadd.f32 v18, v39;
	_ =	sdelay $0x1  }
0x22c: {  	v16 =	vadd.f32 v17, v16;
	_ =	sdelay $0x1  }
0x22d: {  	[tilespmem:$0xC6C0] =	vst v16  }
0x22e: {  	v16 =	vld [tilespmem:s28+$0xC80]  }
0x22f: {  	v17 =	vld [tilespmem:s28+$0x8C80]  }
0x230: {  	v40 =	vld [tilespmem:s28+$0x4C80]  }
0x231: {  	v41 =	vld [tilespmem:s28+$0xC90]  }
0x232: {  	v42 =	vld [tilespmem:s28+$0x8C90]  }
0x233: {  	v43 =	vld [tilespmem:s28+$0x4C90]  }
0x234: {  	v44 =	vld [tilespmem:s28+$0xCA0]  }
0x235: {  	v45 =	vld [tilespmem:s28+$0x8CA0]  }
0x236: {  	v46 =	vld [tilespmem:s28+$0x4CA0]  }
0x237: {  	v47 =	vld [tilespmem:s28+$0xCB0]  }
0x238: {  	v48 =	vld [tilespmem:s28+$0x8CB0]  }
0x239: {  	v49 =	vld [tilespmem:s28+$0x4CB0]  }
0x23a: {  	v51 =	vld [tilespmem:s28+$0x8CC0]  }
0x23b: {  	v52 =	vld [tilespmem:s28+$0x4CC0]  }
0x23c: {  	v54 =	vld [tilespmem:s28+$0x8CD0]  }
0x23d: {  	v55 =	vld [tilespmem:s28+$0x4CD0]  }
0x23e: {  	v56 =	vld [tilespmem:s28+$0x8CE0]  }
0x23f: {  	v57 =	vld [tilespmem:s28+$0x4CE0]  }
0x240: {  	v58 =	vld [tilespmem:s28+$0x8CF0]  }
0x241: {  	v60 =	vld [tilespmem:s28+$0x4CF0]  }
0x242: {  	v50 =	vld [tilespmem:s28+$0xCC0]  }
0x243: {  	v53 =	vld [tilespmem:s28+$0xCD0];
	v17 =	vsub.f32 v40, v17;
	v20 =	vsub.f32 v43, v42  }
0x244: {  	v61 =	vld [tilespmem:s28+$0xCE0];
	v59 =	vsub.f32 v46, v45;
	v30 =	vsub.f32 v52, v51  }
0x245: {  	v63 =	vld [tilespmem:s28+$0xCF0];
	v33 =	vsub.f32 v55, v54;
	v34 =	vsub.f32 v57, v56  }
0x246: {  	v18 =	vsub.f32 v60, v58;
	v16 =	vadd.f32 v17, v16  }
0x247: {  	v17 =	vsub.f32 v49, v48;
	v19 =	vadd.f32 v20, v41  }
0x248: {  	v62 =	vadd.f32 v59, v44;
	v22 =	vadd.f32 v30, v50  }
0x249: {  	v35 =	vadd.f32 v33, v53;
	v24 =	vadd.f32 v34, v61  }
0x24a: {  	v18 =	vadd.f32 v18, v63;
	v17 =	vadd.f32 v17, v47;
	v16 =	vand.u32 $0x7FFFFFFF, v16  }
0x24b: {  	v19 =	vand.u32 $0x7FFFFFFF, v19;
	v20 =	vand.u32 $0x7FFFFFFF, v62;
	v36 =	vand.u32 $0x7FFFFFFF, v22  }
0x24c: {  	v37 =	vand.u32 $0x7FFFFFFF, v35;
	v38 =	vand.u32 $0x7FFFFFFF, v24;
	v18 =	vand.u32 $0x7FFFFFFF, v18  }
0x24d: {  	v16 =	vadd.f32 v19, v16;
	v39 =	vadd.f32 v37, v36;
	v17 =	vand.u32 $0x7FFFFFFF, v17  }
0x24e: {  	v18 =	vadd.f32 v18, v38;
	v17 =	vadd.f32 v17, v20;
	_ =	sdelay $0x1  }
0x24f: {  	v16 =	vadd.f32 v17, v16;
	v17 =	vadd.f32 v18, v39;
	_ =	sdelay $0x1  }
0x250: {  	v16 =	vadd.f32 v17, v16;
	_ =	sdelay $0x1  }
0x251: {  	[tilespmem:$0xC6D0] =	vst v16  }
0x252: {  	v16 =	vld [tilespmem:s28+$0xD00]  }
0x253: {  	v17 =	vld [tilespmem:s28+$0x8D00]  }
0x254: {  	v40 =	vld [tilespmem:s28+$0x4D00]  }
0x255: {  	v41 =	vld [tilespmem:s28+$0xD10]  }
0x256: {  	v42 =	vld [tilespmem:s28+$0x8D10]  }
0x257: {  	v43 =	vld [tilespmem:s28+$0x4D10]  }
0x258: {  	v44 =	vld [tilespmem:s28+$0xD20]  }
0x259: {  	v45 =	vld [tilespmem:s28+$0x8D20]  }
0x25a: {  	v46 =	vld [tilespmem:s28+$0x4D20]  }
0x25b: {  	v47 =	vld [tilespmem:s28+$0xD30]  }
0x25c: {  	v48 =	vld [tilespmem:s28+$0x8D30]  }
0x25d: {  	v49 =	vld [tilespmem:s28+$0x4D30]  }
0x25e: {  	v51 =	vld [tilespmem:s28+$0x8D40]  }
0x25f: {  	v52 =	vld [tilespmem:s28+$0x4D40]  }
0x260: {  	v54 =	vld [tilespmem:s28+$0x8D50]  }
0x261: {  	v55 =	vld [tilespmem:s28+$0x4D50]  }
0x262: {  	v56 =	vld [tilespmem:s28+$0x8D60]  }
0x263: {  	v57 =	vld [tilespmem:s28+$0x4D60]  }
0x264: {  	v58 =	vld [tilespmem:s28+$0x8D70]  }
0x265: {  	v60 =	vld [tilespmem:s28+$0x4D70]  }
0x266: {  	v50 =	vld [tilespmem:s28+$0xD40]  }
0x267: {  	v53 =	vld [tilespmem:s28+$0xD50];
	v17 =	vsub.f32 v40, v17;
	v20 =	vsub.f32 v43, v42  }
0x268: {  	v61 =	vld [tilespmem:s28+$0xD60];
	v59 =	vsub.f32 v46, v45;
	v30 =	vsub.f32 v52, v51  }
0x269: {  	v63 =	vld [tilespmem:s28+$0xD70];
	v33 =	vsub.f32 v55, v54;
	v34 =	vsub.f32 v57, v56  }
0x26a: {  	v18 =	vsub.f32 v60, v58;
	v16 =	vadd.f32 v17, v16  }
0x26b: {  	v17 =	vsub.f32 v49, v48;
	v19 =	vadd.f32 v20, v41  }
0x26c: {  	v62 =	vadd.f32 v59, v44;
	v22 =	vadd.f32 v30, v50  }
0x26d: {  	v35 =	vadd.f32 v33, v53;
	v24 =	vadd.f32 v34, v61  }
0x26e: {  	v18 =	vadd.f32 v18, v63;
	v17 =	vadd.f32 v17, v47;
	v16 =	vand.u32 $0x7FFFFFFF, v16  }
0x26f: {  	v19 =	vand.u32 $0x7FFFFFFF, v19;
	v20 =	vand.u32 $0x7FFFFFFF, v62;
	v36 =	vand.u32 $0x7FFFFFFF, v22  }
0x270: {  	v37 =	vand.u32 $0x7FFFFFFF, v35;
	v38 =	vand.u32 $0x7FFFFFFF, v24;
	v18 =	vand.u32 $0x7FFFFFFF, v18  }
0x271: {  	v16 =	vadd.f32 v19, v16;
	v39 =	vadd.f32 v37, v36;
	v17 =	vand.u32 $0x7FFFFFFF, v17  }
0x272: {  	v18 =	vadd.f32 v18, v38;
	v17 =	vadd.f32 v17, v20;
	_ =	sdelay $0x1  }
0x273: {  	v16 =	vadd.f32 v17, v16;
	v17 =	vadd.f32 v18, v39;
	_ =	sdelay $0x1  }
0x274: {  	v16 =	vadd.f32 v17, v16;
	_ =	sdelay $0x1  }
0x275: {  	[tilespmem:$0xC6E0] =	vst v16  }
0x276: {  	v16 =	vld [tilespmem:s28+$0xD80]  }
0x277: {  	v17 =	vld [tilespmem:s28+$0x8D80]  }
0x278: {  	v40 =	vld [tilespmem:s28+$0x4D80]  }
0x279: {  	v41 =	vld [tilespmem:s28+$0xD90]  }
0x27a: {  	v42 =	vld [tilespmem:s28+$0x8D90]  }
0x27b: {  	v43 =	vld [tilespmem:s28+$0x4D90]  }
0x27c: {  	v44 =	vld [tilespmem:s28+$0xDA0]  }
0x27d: {  	v45 =	vld [tilespmem:s28+$0x8DA0]  }
0x27e: {  	v46 =	vld [tilespmem:s28+$0x4DA0]  }
0x27f: {  	v47 =	vld [tilespmem:s28+$0xDB0]  }
0x280: {  	v48 =	vld [tilespmem:s28+$0x8DB0]  }
0x281: {  	v49 =	vld [tilespmem:s28+$0x4DB0]  }
0x282: {  	v51 =	vld [tilespmem:s28+$0x8DC0]  }
0x283: {  	v52 =	vld [tilespmem:s28+$0x4DC0]  }
0x284: {  	v54 =	vld [tilespmem:s28+$0x8DD0]  }
0x285: {  	v55 =	vld [tilespmem:s28+$0x4DD0]  }
0x286: {  	v56 =	vld [tilespmem:s28+$0x8DE0]  }
0x287: {  	v57 =	vld [tilespmem:s28+$0x4DE0]  }
0x288: {  	v58 =	vld [tilespmem:s28+$0x8DF0]  }
0x289: {  	v60 =	vld [tilespmem:s28+$0x4DF0]  }
0x28a: {  	v50 =	vld [tilespmem:s28+$0xDC0]  }
0x28b: {  	v53 =	vld [tilespmem:s28+$0xDD0];
	v17 =	vsub.f32 v40, v17;
	v20 =	vsub.f32 v43, v42  }
0x28c: {  	v61 =	vld [tilespmem:s28+$0xDE0];
	v59 =	vsub.f32 v46, v45;
	v30 =	vsub.f32 v52, v51  }
0x28d: {  	v63 =	vld [tilespmem:s28+$0xDF0];
	v33 =	vsub.f32 v55, v54;
	v36 =	vsub.f32 v57, v56  }
0x28e: {  	v18 =	vsub.f32 v60, v58;
	v16 =	vadd.f32 v17, v16  }
0x28f: {  	v17 =	vsub.f32 v49, v48;
	v19 =	vadd.f32 v20, v41  }
0x290: {  	v62 =	vadd.f32 v59, v44;
	v22 =	vadd.f32 v30, v50  }
0x291: {  	v37 =	vadd.f32 v33, v53;
	v24 =	vadd.f32 v36, v61  }
0x292: {  	v18 =	vadd.f32 v18, v63;
	v17 =	vadd.f32 v17, v47;
	v16 =	vand.u32 $0x7FFFFFFF, v16  }
0x293: {  	v19 =	vand.u32 $0x7FFFFFFF, v19;
	v20 =	vand.u32 $0x7FFFFFFF, v62;
	v38 =	vand.u32 $0x7FFFFFFF, v22  }
0x294: {  	v39 =	vand.u32 $0x7FFFFFFF, v37;
	v40 =	vand.u32 $0x7FFFFFFF, v24;
	v18 =	vand.u32 $0x7FFFFFFF, v18  }
0x295: {  	v16 =	vadd.f32 v19, v16;
	v41 =	vadd.f32 v39, v38;
	v17 =	vand.u32 $0x7FFFFFFF, v17  }
0x296: {  	v18 =	vadd.f32 v18, v40;
	v17 =	vadd.f32 v17, v20;
	_ =	sdelay $0x1  }
0x297: {  	v16 =	vadd.f32 v17, v16;
	v17 =	vadd.f32 v18, v41;
	_ =	sdelay $0x1  }
0x298: {  	v16 =	vadd.f32 v17, v16;
	_ =	sdelay $0x1  }
0x299: {  	[tilespmem:$0xC6F0] =	vst v16  }
0x29a: {  	v16 =	vld.idx.msk [tilespmem:v0+s14+$0x0], $0xffff  }
0x29b: {  	v17 =	vld.idx.msk [tilespmem:v1+s14+$0x0], $0xffff  }
0x29c: {  	v42 =	vld.idx.msk [tilespmem:v2+s14+$0x0], $0xffff  }
0x29d: {  	v43 =	vld.idx.msk [tilespmem:v3+s14+$0x0], $0xffff  }
0x29e: {  	v44 =	vld.idx.msk [tilespmem:v4+s14+$0x0], $0xffff  }
0x29f: {  	v45 =	vld.idx.msk [tilespmem:v5+s14+$0x0], $0xffff  }
0x2a0: {  	v46 =	vld.idx.msk [tilespmem:v6+s14+$0x0], $0xffff  }
0x2a1: {  	v47 =	vld.idx.msk [tilespmem:v7+s14+$0x0], $0xffff  }
0x2a2: {  	v48 =	vld.idx.msk [tilespmem:v8+s14+$0x0], $0xffff  }
0x2a3: {  	v49 =	vld.idx.msk [tilespmem:v9+s14+$0x0], $0xffff  }
0x2a4: {  	v50 =	vld.idx.msk [tilespmem:v10+s14+$0x0], $0xffff  }
0x2a5: {  	v51 =	vld.idx.msk [tilespmem:v11+s14+$0x0], $0xffff  }
0x2a6: {  	v52 =	vld.idx.msk [tilespmem:v12+s14+$0x0], $0xffff  }
0x2a7: {  	v53 =	vld.idx.msk [tilespmem:v13+s14+$0x0], $0xffff  }
0x2a8: {  	v54 =	vld.idx.msk [tilespmem:v14+s14+$0x0], $0xffff  }
0x2a9: {  	v55 =	vld.idx.msk [tilespmem:v15+s14+$0x0], $0xffff;
	_ =	sdelay $0x1  }
0x2aa: {  	v16 =	vadd.f32 v17, v16;
	v17 =	vadd.f32 v43, v42  }
0x2ab: {  	v56 =	vadd.f32 v45, v44;
	v57 =	vadd.f32 v47, v46  }
0x2ac: {  	v58 =	vadd.f32 v49, v48;
	v59 =	vadd.f32 v51, v50  }
0x2ad: {  	v60 =	vadd.f32 v53, v52;
	v61 =	vadd.f32 v55, v54  }
0x2ae: {  	v16 =	vadd.f32 v17, v16;
	v17 =	vadd.f32 v57, v56  }
0x2af: {  	v62 =	vadd.f32 v59, v58;
	v63 =	vadd.f32 v61, v60;
	_ =	sdelay $0x1  }
0x2b0: {  	s22 =	sadd.s32 $0x1, s22;
	v16 =	vadd.f32 v17, v16;
	v17 =	vadd.f32 v63, v62  }
0x2b1: {  	p0 =	sne.s32 s22, $0x20  }
.Ltmp0:
0x2b2: {  	v16 =	vadd.f32 v17, v16;
	(pc) =	sbr.rel @p0 .LBB2_2-.Ltmp0, $4  }
0x2b3: {  	_ = 	snop  }
0x2b4: {  	v16 =	vsub.f32 $1.200000000e+01, v16  }
0x2b5: {  	s18 =	sadd.s32 $0x10, s18  }
0x2b6: {  	s19 =	sadd.s32 $0x10, s19;
	s20 =	sadd.s32 $0x10, s20;
	[tilespmem:s21+$0x0] =	vst v16;
	s21 =	sadd.s32 $0x10, s21  }
0x2b7: {  	s17 =	sadd.s32 $0x1, s17  }
0x2b8: {  	p0 =	sne.s32 s17, s9  }
.Ltmp1:
0x2b9: {  	_ = 	snop;
	(pc) =	sbr.rel @p0 .LBB2_1-.Ltmp1, $4  }
0x2ba: {  	[hbm4b:s8+s4] =	stream.linear.scatter [tilespmem:s15], [sflag:$0x1A], $0x200, $0x38;
	[tilespmem:$0xC900] =	vst v63  }
0x2bb: {  	_ =	swait.ge [sflag:s16], $0x200  }
0x2bc: {  	[sflag:s16] =	ssyncset.done $0x0  }
0x2bd: {  	[sflag:s16] =	ssyncadd.s32 $0xFFFFFE00  }
0x2be: {  	_ =	sfence.sel $0x180000  }
0x2bf: {  	[bflag:$0x0] =	sbarrier.arrive $0xFFFF  }
0x2c0: {  	_ =	strace $0x90000047  }
0x2c1: {  	s0 =	stileid.u32;
	[bflag:$0x2] =	sbarrier.arrive $0xFFFF  }
0x2c2: {  	p0 =	sne.s32 s0, $0x0;
	s0 =	rddreg [dreg:$0x4]  }
0x2c3: {  	s0 =	sadd.s32 @!p0 $0x100000, s0  }
0x2c4: {  	[sflag:s0] =	ssyncadd.tile.s32 @!p0 $0x1;
	_ =	shalt  }
.Lfunc_end2:
_tile_overlayer_lowered:
.L_overlay_start_2:
0x2c5: {  	(tag) =	ssettag $0x2  }
0x2c6: {  	s0 =	rddreg [dreg:$0x0];
	s2 =	stileid.u32  }
0x2c7: {  	s1 =	rddreg [dreg:$0x1];
	p0 =	sne.s32 s2, $0x0  }
0x2c8: {  	s3 =	rddreg [dreg:$0x2];
	[bflag:$0x3] =	sbarrier.arrive $0xFFFF;
	s2 =	simm.s32 @!p0 $0x1C1A  }
0x2c9: {  	[timem:s3], [sflag:s2] =	dma.local @!p0 [hbm:s0], s1  }
0x2ca: {  	s0 =	simm.s32 @!p0 $0x1A  }
0x2cb: {  	_ =	swait.ge @!p0 [sflag:s0], s1  }
0x2cc: {  	s1 =	ssub.s32 @!p0 $0x0, s1;
	[sflag:s0] =	ssyncset.done @!p0 $0x0  }
0x2cd: {  	[sflag:s0] =	ssyncadd.s32 @!p0 s1  }
0x2ce: {  	[bflag:$0x3] =	sbarrier.arrive $0xFFFF  }
0x2cf: {  	_ =	shalt  }

</sc_bundles>
